<compile_context>
chip_gen: v7x
topology: tpu7x:2x2x1
jax: 0.10.2.dev20260603
libtpu: 0.0.44.dev20260713+nightly
codegen_flags: <defaults>
</compile_context>

<pallas_src>
import functools
import numpy as np
import jax
import jax.numpy as jnp
from jax import lax
from jax.experimental import pallas as pl
from jax.experimental.pallas import tpu as pltpu
from jax.experimental.pallas import tpu_sc as plsc

B, L, K = 16, 640, 16
NS, NV = 128, 16
ES, EV = 32, 1
NLAYERS = 3
N = B * L
E = N * K
NB = 128
EB = NB * K
GRID = N // NB
PACK = NS + 3 * NV
TW = 256
EFW = 48
LB = 128
CHUNK = 128
NWORK = 32

_d0 = np.arange(-(L - 1), L, dtype=np.float32)
_fr = np.exp(np.arange(0, 16, 2, dtype=np.float32) * (-np.log(10000.0) / 16.0))
_angt = _d0[:, None] * _fr[None, :]
PE_TAB_NP = np.zeros((2 * L, 128), np.float32)
PE_TAB_NP[:2 * L - 1, :8] = np.cos(_angt)
PE_TAB_NP[:2 * L - 1, 8:16] = np.sin(_angt)
_ONES31 = np.ones((3, 1), np.float32)
_B348 = np.zeros((3, 48), np.float32)
for _c in range(3):
    _B348[_c, 16 * _c:16 * (_c + 1)] = 1.0



def _sc_gather(table, idx2d):
    nchunks, _ = idx2d.shape
    D = table.shape[1]
    cpw = nchunks // NWORK
    mesh = plsc.VectorSubcoreMesh(core_axis_name="c", subcore_axis_name="s")

    @functools.partial(
        pl.kernel, mesh=mesh,
        out_type=jax.ShapeDtypeStruct((nchunks * CHUNK, D), jnp.float32),
        scratch_types=[
            pltpu.VMEM((CHUNK,), jnp.int32),
            pltpu.VMEM((CHUNK, D), jnp.float32),
            pltpu.SemaphoreType.DMA,
        ],
    )
    def k(table_hbm, idx_hbm, out_hbm, idx_v, rows_v, sem):
        wid = lax.axis_index("s") * 2 + lax.axis_index("c")

        def body(i, carry):
            chunk = wid * cpw + i
            pltpu.sync_copy(idx_hbm.at[chunk], idx_v)
            pltpu.async_copy(table_hbm.at[idx_v], rows_v, sem).wait()
            pltpu.sync_copy(rows_v, out_hbm.at[pl.ds(chunk * CHUNK, CHUNK)])
            return carry

        lax.fori_loop(0, cpw, body, 0)

    return k(table, idx2d)



def _full(x):
    nd = x.ndim
    return pl.BlockSpec(x.shape, lambda i, _nd=nd: (0,) * _nd)


def _rep(x):
    d = x.shape[-1]
    return jnp.broadcast_to(x[:, None, :], (NB, K, d)).reshape(NB * K, d)


def _sumk(x):
    d = x.shape[-1]
    return jnp.sum(x.reshape(NB, K, d), axis=1)


def _ln(x, g, b):
    mu = jnp.mean(x, axis=1, keepdims=True)
    xc = x - mu
    var = jnp.mean(xc * xc, axis=1, keepdims=True)
    return g * xc / jnp.sqrt(var + 1e-4) + b


def _lnv(v):
    s2 = v[0] * v[0] + v[1] * v[1] + v[2] * v[2]
    vn = jnp.sqrt(jnp.mean(s2, axis=1, keepdims=True) + 1e-4)
    return [vc / vn for vc in v]



def _knn_body(ca_ref, cat_ref, mr_ref, mc_ref, o_ref):
    ca = ca_ref[0]
    cat = cat_ref[0]
    r = pl.program_id(1)
    d2 = jnp.zeros((LB, L), jnp.float32)
    for c in range(3):
        d = ca[:, c:c + 1] - cat[c:c + 1, :]
        d2 = d2 + d * d
    valid = mr_ref[0] * mc_ref[0]
    rowi = lax.broadcasted_iota(jnp.int32, (LB, L), 0) + r * LB
    coli = lax.broadcasted_iota(jnp.int32, (LB, L), 1)
    cur = jnp.where(valid > 0, d2, 1e10) + jnp.where(coli == rowi, 1e10, 0.0)
    cols = []
    for _ in range(K):
        m = jnp.min(cur, axis=1, keepdims=True)
        idx = jnp.min(jnp.where(cur <= m, coli, L), axis=1, keepdims=True)
        cols.append(idx)
        cur = jnp.where(coli == idx, jnp.float32(3e10), cur)
    o_ref[...] = jnp.concatenate(cols, axis=1)


def _knn(ca4, caT, mrow, mcol):
    rb = L // LB
    return pl.pallas_call(
        _knn_body,
        grid=(B, rb),
        in_specs=[
            pl.BlockSpec((1, LB, 4), lambda b, r: (b, r, 0)),
            pl.BlockSpec((1, 4, L), lambda b, r: (b, 0, 0)),
            pl.BlockSpec((1, LB, 1), lambda b, r: (b, r, 0)),
            pl.BlockSpec((1, 1, L), lambda b, r: (b, 0, 0)),
        ],
        out_specs=pl.BlockSpec((LB, K), lambda b, r, _rb=rb: (b * _rb + r, 0)),
        out_shape=jax.ShapeDtypeStruct((N, K), jnp.int32),
    )(ca4, caT, mrow, mcol)



def _edge_body(cad_ref, g0_ref, ang_ref, wh_ref, wv_ref, wss_ref, wsv_ref,
               bs_ref, wg_ref, bg_ref, o_ref):
    cad = _rep(cad_ref[...])
    off = NS // 2 + _HVW
    cas = g0_ref[...][:, off:off + 3]
    dc = [cas[:, c:c + 1] - cad[:, c:c + 1] for c in range(3)]
    dist = jnp.sqrt(dc[0] * dc[0] + dc[1] * dc[1] + dc[2] * dc[2])
    ev = [d / (dist + 1e-8) for d in dc]
    mu = lax.broadcasted_iota(jnp.int32, (1, 16), 1).astype(jnp.float32) * (
        20.0 / 15.0)
    rbf = jnp.exp(-(((dist - mu) / 1.25) ** 2))
    tvec = lax.broadcasted_iota(jnp.int32, (1, 8), 1).astype(jnp.float32) * 2.0
    freq = jnp.exp(tvec * (-np.log(10000.0) / 16.0))
    ang = ang_ref[...] * freq
    pe = jnp.concatenate([jnp.cos(ang), jnp.sin(ang)], 1)
    es0 = jnp.concatenate([rbf, pe], 1)
    vh = [e * wh_ref[...] for e in ev]
    vn = jnp.sqrt(vh[0] * vh[0] + vh[1] * vh[1] + vh[2] * vh[2] + 1e-8)
    so = jnp.dot(es0, wss_ref[...]) + vn * wsv_ref[...] + bs_ref[...]
    gate = jax.nn.sigmoid(
        jnp.sum(so * wg_ref[...], axis=1, keepdims=True) + bg_ref[...])
    vo = [v * wv_ref[...] * gate for v in vh]
    o_ref[...] = jnp.concatenate(
        [so, vo[0], vo[1], vo[2], jnp.zeros((EB, EFW - 35), jnp.float32)], 1)


def _edge_features(ca16, g0, ang8, ep):
    Ws = ep['Ws']
    wts = [ep['Wh'], ep['Wv'], Ws[:ES], Ws[ES:ES + 1], ep['bs'][None],
           ep['Wg'].T, ep['bg'][None]]
    return pl.pallas_call(
        _edge_body,
        grid=(GRID,),
        in_specs=[
            pl.BlockSpec((NB, 16), lambda i: (i, 0)),
            pl.BlockSpec((EB, GW), lambda i: (i, 0)),
            pl.BlockSpec((EB, 8), lambda i: (i, 0)),
        ] + [_full(w) for w in wts],
        out_specs=pl.BlockSpec((EB, EFW), lambda i: (i, 0)),
        out_shape=jax.ShapeDtypeStruct((E, EFW), jnp.float32),
    )(ca16, g0, ang8, *wts)



GW = 128
_HVW = 3 * NV // 2


def _pack2(x):
    m = x.shape[1] // 2
    xi = lax.bitcast_convert_type(
        x.astype(jnp.bfloat16).astype(jnp.float32), jnp.int32)
    w = jnp.bitwise_or(lax.shift_right_logical(xi[:, :m], 16), xi[:, m:])
    return lax.bitcast_convert_type(w, jnp.float32)


def _unpack2(w):
    wi = lax.bitcast_convert_type(w, jnp.int32)
    lo = lax.shift_left(wi, 16)
    hi = jnp.bitwise_and(wi, jnp.int32(-65536))
    return jnp.concatenate([lax.bitcast_convert_type(lo, jnp.float32),
                            lax.bitcast_convert_type(hi, jnp.float32)], 1)


def _pack_gtable(hs, hv, ca=None):
    parts = [_pack2(hs), _pack2(jnp.concatenate(hv, 1))]
    npad = GW - NS // 2 - _HVW
    if ca is not None:
        parts.append(ca)
        npad -= 3
    parts.append(jnp.zeros((NB, npad), jnp.float32))
    return jnp.concatenate(parts, 1)


def _node_body(ns_ref, nv_ref, ca_ref, wh_ref, wv_ref, wss_ref, wsv_ref,
               bs_ref, wg_ref, bg_ref, g0_ref, b0_ref, o_ref, og_ref):
    ns = ns_ref[...][:, :7]
    v = [nv_ref[...][:, 3 * c:3 * c + 3] for c in range(3)]
    vh = [jnp.dot(vc, wh_ref[...]) for vc in v]
    vn = jnp.sqrt(vh[0] * vh[0] + vh[1] * vh[1] + vh[2] * vh[2] + 1e-8)
    so = jnp.dot(ns, wss_ref[...]) + jnp.dot(vn, wsv_ref[...]) + bs_ref[...]
    vu = [jnp.dot(vhc, wv_ref[...]) for vhc in vh]
    gate = jax.nn.sigmoid(jnp.dot(so, wg_ref[...]) + bg_ref[...])
    vo = [u * gate for u in vu]
    hs = _ln(so, g0_ref[...], b0_ref[...])
    hv = _lnv(vo)
    ca = ca_ref[...][:, :3]
    pad = jnp.zeros((NB, TW - PACK - 3), jnp.float32)
    o_ref[...] = jnp.concatenate([hs] + hv + [ca, pad], 1)
    og_ref[...] = _pack_gtable(hs, hv, ca)


def _node_embed(ns8, nv16, ca16, np_, ln0):
    Ws = np_['Ws']
    wts = [np_['Wh'], np_['Wv'], Ws[:7], Ws[7:], np_['bs'][None],
           np_['Wg'], np_['bg'][None], ln0['g'][None], ln0['b'][None]]
    return pl.pallas_call(
        _node_body,
        grid=(GRID,),
        in_specs=[
            pl.BlockSpec((NB, 8), lambda i: (i, 0)),
            pl.BlockSpec((NB, 16), lambda i: (i, 0)),
            pl.BlockSpec((NB, 16), lambda i: (i, 0)),
        ] + [_full(w) for w in wts],
        out_specs=[pl.BlockSpec((NB, TW), lambda i: (i, 0)),
                   pl.BlockSpec((NB, GW), lambda i: (i, 0))],
        out_shape=[jax.ShapeDtypeStruct((N, TW), jnp.float32),
                   jax.ShapeDtypeStruct((N, GW), jnp.float32)],
    )(ns8, nv16, ca16, *wts)



def _prep_layer(lp):
    w = {}
    m0 = lp['msg'][0]
    Wh, Ws = m0['Wh'], m0['Ws']
    w['m0_Wh_d'] = Wh[:NV]
    w['m0_Wh_s'] = Wh[NV:2 * NV]
    w['m0_wh_e'] = Wh[2 * NV:]
    w['m0_Ws_d'] = Ws[:NS]
    w['m0_Ws_s'] = Ws[NS:2 * NS]
    w['m0_Ws_e'] = Ws[2 * NS:2 * NS + ES]
    w['m0_Ws_v'] = Ws[2 * NS + ES:]
    w['m0_bs'] = m0['bs'][None]
    w['m0_Wv'] = m0['Wv']
    w['m0_Wg'] = m0['Wg']
    w['m0_bg'] = m0['bg'][None]
    for i in (1, 2):
        m, p = lp['msg'][i], f'm{i}'
        w[p + '_Wh'] = m['Wh']
        w[p + '_Ws_s'] = m['Ws'][:NS]
        w[p + '_Ws_v'] = m['Ws'][NS:]
        w[p + '_bs'] = m['bs'][None]
        w[p + '_Wv'] = m['Wv']
        w[p + '_Wg'] = m['Wg']
        w[p + '_bg'] = m['bg'][None]
    for i, (p, si) in enumerate((('f0', NS), ('f1', 2 * NS))):
        m = lp['ff'][i]
        w[p + '_Wh'] = m['Wh']
        w[p + '_Ws_s'] = m['Ws'][:si]
        w[p + '_Ws_v'] = m['Ws'][si:]
        w[p + '_bs'] = m['bs'][None]
        w[p + '_Wv'] = m['Wv']
        w[p + '_Wg'] = m['Wg']
        w[p + '_bg'] = m['bg'][None]
    w['ln1_g'] = lp['ln1']['g'][None]
    w['ln1_b'] = lp['ln1']['b'][None]
    w['ln2_g'] = lp['ln2']['g'][None]
    w['ln2_b'] = lp['ln2']['b'][None]
    for nm in w:
        if ('_Wh' in nm and nm != 'm0_wh_e') or '_Ws_' in nm \
                or nm.endswith('_Wv') or nm.endswith('_Wg'):
            w[nm] = w[nm].astype(jnp.bfloat16)
    return w


def _make_layer_body(wnames, last):
    def body(*refs):
        if last:
            o_ref = refs[-1]
        else:
            o_ref, og_ref = refs[-2], refs[-1]
        tdst = refs[0][...]
        tsrc = refs[1][...]
        ef = refs[2][...]
        W = {nm: refs[3 + i][...] for i, nm in enumerate(wnames)}
        r_ref = refs[3 + len(wnames)] if last else None

        def bdot(a, b):
            return jnp.dot(a.astype(jnp.bfloat16), b,
                           preferred_element_type=jnp.float32)

        def gvp(s, v, p, act):
            vh = [bdot(vc, W[p + '_Wh']) for vc in v]
            vn = jnp.sqrt(vh[0] * vh[0] + vh[1] * vh[1] + vh[2] * vh[2] + 1e-8)
            so = (bdot(s, W[p + '_Ws_s']) + bdot(vn, W[p + '_Ws_v'])
                  + W[p + '_bs'])
            vu = [bdot(vhc, W[p + '_Wv']) for vhc in vh]
            gate = jax.nn.sigmoid(bdot(so, W[p + '_Wg']) + W[p + '_bg'])
            vo = [u * gate for u in vu]
            if act:
                so = jax.nn.relu(so)
            return so, vo

        hs_d = tdst[:, :NS]
        hv_d = [tdst[:, NS + NV * c:NS + NV * (c + 1)] for c in range(3)]
        hs_s = _unpack2(tsrc[:, :NS // 2])
        hv48 = _unpack2(tsrc[:, NS // 2:NS // 2 + _HVW])
        hv_s = [hv48[:, NV * c:NV * (c + 1)] for c in range(3)]
        es = ef[:, :ES]
        ev = [ef[:, ES + c:ES + c + 1] for c in range(3)]

        vh = [_rep(bdot(hv_d[c], W['m0_Wh_d'])) + bdot(hv_s[c], W['m0_Wh_s'])
              + ev[c] * W['m0_wh_e'] for c in range(3)]
        vn = jnp.sqrt(vh[0] * vh[0] + vh[1] * vh[1] + vh[2] * vh[2] + 1e-8)
        so = (_rep(bdot(hs_d, W['m0_Ws_d'])) + bdot(hs_s, W['m0_Ws_s'])
              + bdot(es, W['m0_Ws_e']) + bdot(vn, W['m0_Ws_v'])
              + W['m0_bs'])
        vu = [bdot(vhc, W['m0_Wv']) for vhc in vh]
        gate = jax.nn.sigmoid(bdot(so, W['m0_Wg']) + W['m0_bg'])
        v = [u * gate for u in vu]
        s = jax.nn.relu(so)

        s, v = gvp(s, v, 'm1', True)
        s, v = gvp(s, v, 'm2', False)

        h1 = _ln(hs_d + _sumk(s) * (1.0 / K), W['ln1_g'], W['ln1_b'])
        w1 = _lnv([hv_d[c] + _sumk(v[c]) * (1.0 / K) for c in range(3)])

        fs, fv = gvp(h1, w1, 'f0', True)
        fs, fv = gvp(fs, fv, 'f1', False)
        h2 = _ln(h1 + fs, W['ln2_g'], W['ln2_b'])
        w2 = _lnv([w1[c] + fv[c] for c in range(3)])

        pad = jnp.zeros((NB, TW - PACK), jnp.float32)
        if last:
            R = r_ref[...]
            vr = [w2[0] * R[:, 0 + j:1 + j] + w2[1] * R[:, 3 + j:4 + j]
                  + w2[2] * R[:, 6 + j:7 + j] for j in range(3)]
            o_ref[...] = jnp.concatenate([h2] + vr + [pad], 1)
        else:
            o_ref[...] = jnp.concatenate([h2] + w2 + [pad], 1)
            og_ref[...] = _pack_gtable(h2, w2)

    return body


def _layer(tdst, tsrc, ef, lp, r16, last):
    w = _prep_layer(lp)
    wnames = list(w.keys())
    wvals = [w[nm] for nm in wnames]
    ins = [tdst, tsrc, ef] + wvals
    specs = [
        pl.BlockSpec((NB, TW), lambda i: (i, 0)),
        pl.BlockSpec((EB, GW), lambda i: (i, 0)),
        pl.BlockSpec((EB, EFW), lambda i: (i, 0)),
    ] + [_full(x) for x in wvals]
    if last:
        ins.append(r16)
        specs.append(pl.BlockSpec((NB, 16), lambda i: (i, 0)))
        out_specs = pl.BlockSpec((NB, TW), lambda i: (i, 0))
        out_shape = jax.ShapeDtypeStruct((N, TW), jnp.float32)
    else:
        out_specs = [pl.BlockSpec((NB, TW), lambda i: (i, 0)),
                     pl.BlockSpec((NB, GW), lambda i: (i, 0))]
        out_shape = [jax.ShapeDtypeStruct((N, TW), jnp.float32),
                     jax.ShapeDtypeStruct((N, GW), jnp.float32)]
    return pl.pallas_call(
        _make_layer_body(wnames, last),
        grid=(GRID,),
        in_specs=specs,
        out_specs=out_specs,
        out_shape=out_shape,
    )(*ins)



def _norm(v, eps=1e-8):
    return v / (jnp.linalg.norm(v, axis=-1, keepdims=True) + eps)


def _dihedrals(coords, eps=1e-7):
    X = coords.reshape(coords.shape[0], -1, 3)
    dX = X[:, 1:] - X[:, :-1]
    U = _norm(dX)
    u2, u1, u0 = U[:, :-2], U[:, 1:-1], U[:, 2:]
    n2 = _norm(jnp.cross(u2, u1))
    n1 = _norm(jnp.cross(u1, u0))
    cosD = jnp.clip(jnp.sum(n2 * n1, -1), -1 + eps, 1 - eps)
    D = jnp.sign(jnp.sum(u2 * n1, -1)) * jnp.arccos(cosD)
    D = jnp.pad(D, ((0, 0), (1, 2)))
    D = D.reshape(coords.shape[0], -1, 3)
    return jnp.concatenate([jnp.cos(D), jnp.sin(D)], -1)


def _rot_frames(coords):
    n, ca, c = coords[:, :, 0], coords[:, :, 1], coords[:, :, 2]
    e1 = _norm(c - ca)
    v2 = n - ca
    u2 = v2 - e1 * jnp.sum(e1 * v2, -1, keepdims=True)
    e2 = _norm(u2)
    e3 = jnp.cross(e1, e2)
    return jnp.stack([e1, e2, e3], axis=-2)



def kernel(coords, coord_mask, padding_mask, confidence, params):
    mask = (coord_mask & (~padding_mask)).astype(jnp.float32)
    CA = coords[:, :, 1, :]

    dih = _dihedrals(coords)
    node_s = jnp.concatenate([dih, confidence[..., None]], -1) * mask[..., None]
    fwdv = jnp.pad(_norm(CA[:, 1:] - CA[:, :-1]), ((0, 0), (0, 1), (0, 0)))
    bwdv = jnp.pad(_norm(CA[:, :-1] - CA[:, 1:]), ((0, 0), (1, 0), (0, 0)))
    c_v = _norm(coords[:, :, 2] - CA)
    n_v = _norm(coords[:, :, 0] - CA)
    bis = _norm(c_v + n_v)
    perp = _norm(jnp.cross(c_v, n_v))
    side = -bis * np.sqrt(1.0 / 3.0) - perp * np.sqrt(2.0 / 3.0)
    node_v = jnp.stack([fwdv, bwdv, side], axis=-2) * mask[..., None, None]

    ns8 = jnp.pad(node_s.reshape(N, 7), ((0, 0), (0, 1)))
    nv16 = jnp.pad(node_v.transpose(0, 1, 3, 2).reshape(N, 9),
                   ((0, 0), (0, 7)))
    ca16 = jnp.pad(CA.reshape(N, 3), ((0, 0), (0, 13)))
    ca4 = jnp.pad(CA, ((0, 0), (0, 0), (0, 1)))
    caT = ca4.transpose(0, 2, 1)
    mrow = mask[:, :, None]
    mcol = mask[:, None, :]
    r16 = jnp.pad(_rot_frames(coords).reshape(N, 9), ((0, 0), (0, 7)))

    nbr = _knn(ca4, caT, mrow, mcol)
    boff = jnp.repeat(jnp.arange(B, dtype=jnp.int32) * L, L)[:, None]
    idx2d = (nbr + boff).reshape(E // CHUNK, CHUNK)
    pos = (jnp.arange(N, dtype=jnp.int32) % L)[:, None]
    ang8 = jnp.broadcast_to(
        (nbr - pos).astype(jnp.float32).reshape(E, 1), (E, 8))

    t, gt = _node_embed(ns8, nv16, ca16, params['node_emb'],
                        params['node_ln0'])
    ef = None
    for li, lp in enumerate(params['layers']):
        g = _sc_gather(gt, idx2d)
        if li == 0:
            ef = _edge_features(ca16, g, ang8, params['edge_emb'])
        last = li == NLAYERS - 1
        if last:
            t = _layer(t, g, ef, lp, r16, last=True)
        else:
            t, gt = _layer(t, g, ef, lp, r16, last=False)

    hs = t[:, :NS].reshape(B, L, NS)
    hvr = t[:, NS:PACK].reshape(N, 3, NV).transpose(0, 2, 1).reshape(
        B, L, NV * 3)
    return jnp.concatenate([hs, hvr], -1)

# --- scband reference (transcript-rebuilt; emitter-appended) ---
"""Pipeline reference for scband-gvpencoder-29274497089664 (READ-ONLY COPY).

The authoritative reference and input builder live on the scoring server;
editing this copy changes nothing except your own understanding.
"""

import jax, jax.numpy as jnp
import numpy as np

B, L, K = 16, 640, 16
NS, NV = 128, 16
ES, EV = 32, 1
NLAYERS = 3

def _mk_gvp(key, si, vi, so, vo):
    h = max(vi, vo)
    k1, k2, k3, k4 = jax.random.split(key, 4)
    return {'Wh': jax.random.normal(k1, (vi, h)) / np.sqrt(vi),
            'Wv': jax.random.normal(k2, (h, vo)) / np.sqrt(h),
            'Ws': jax.random.normal(k3, (si + h, so)) / np.sqrt(si + h),
            'bs': jnp.zeros((so,)),
            'Wg': jax.random.normal(k4, (so, vo)) / np.sqrt(so),
            'bg': jnp.zeros((vo,))}

def _mk_ln(d):
    return {'g': jnp.ones((d,)), 'b': jnp.zeros((d,))}

def _mk_params(key):
    keys = jax.random.split(key, 2 + NLAYERS * 5)
    ki = iter(keys)
    p = {'node_emb': _mk_gvp(next(ki), 7, 3, NS, NV),
         'edge_emb': _mk_gvp(next(ki), 32, 1, ES, EV),
         'node_ln0': _mk_ln(NS),
         'layers': []}
    for _ in range(NLAYERS):
        p['layers'].append({'msg': [_mk_gvp(next(ki), 2 * NS + ES, 2 * NV + EV, NS, NV),
                                    _mk_gvp(next(ki), NS, NV, NS, NV),
                                    _mk_gvp(next(ki), NS, NV, NS, NV)],
                            'ln1': _mk_ln(NS),
                            'ff': [_mk_gvp(next(ki), NS, NV, 2 * NS, 2 * NV),
                                   _mk_gvp(next(ki), 2 * NS, 2 * NV, NS, NV)],
                            'ln2': _mk_ln(NS)})
    return p

def _norm(v, eps=1e-8):
    return v / (jnp.linalg.norm(v, axis=-1, keepdims=True) + eps)

def _gvp(p, s, v, act):
    vh = jnp.einsum('nic,ih->nhc', v, p['Wh'])
    vn = jnp.sqrt(jnp.sum(vh * vh, -1) + 1e-8)
    so = jnp.concatenate([s, vn], -1) @ p['Ws'] + p['bs']
    vu = jnp.einsum('nhc,ho->noc', vh, p['Wv'])
    gate = jax.nn.sigmoid(so @ p['Wg'] + p['bg'])
    vo = vu * gate[..., None]
    if act:
        so = jax.nn.relu(so)
    return so, vo

def _gvp_seq(ps, s, v):
    for i, p in enumerate(ps):
        s, v = _gvp(p, s, v, i < len(ps) - 1)
    return s, v

def _ln_s(p, s, eps=1e-4):
    mu = jnp.mean(s, -1, keepdims=True)
    var = jnp.var(s, -1, keepdims=True)
    return p['g'] * (s - mu) / jnp.sqrt(var + eps) + p['b']

def _ln_v(v, eps=1e-4):
    vn = jnp.sqrt(jnp.mean(jnp.sum(v * v, -1, keepdims=True), -2, keepdims=True) + eps)
    return v / vn

def _rbf(d, d_min=0.0, d_max=20.0, d_count=16):
    mu = jnp.linspace(d_min, d_max, d_count)
    sigma = (d_max - d_min) / d_count
    return jnp.exp(-((d[..., None] - mu) / sigma) ** 2)

def _posemb(offset, num=16):
    freq = jnp.exp(jnp.arange(0, num, 2, dtype=jnp.float32) * (-np.log(10000.0) / num))
    ang = offset[..., None].astype(jnp.float32) * freq
    return jnp.concatenate([jnp.cos(ang), jnp.sin(ang)], -1)

def _dihedrals(coords, eps=1e-7):
    X = coords.reshape(coords.shape[0], -1, 3)
    dX = X[:, 1:] - X[:, :-1]
    U = _norm(dX)
    u2, u1, u0 = U[:, :-2], U[:, 1:-1], U[:, 2:]
    n2 = _norm(jnp.cross(u2, u1))
    n1 = _norm(jnp.cross(u1, u0))
    cosD = jnp.clip(jnp.sum(n2 * n1, -1), -1 + eps, 1 - eps)
    D = jnp.sign(jnp.sum(u2 * n1, -1)) * jnp.arccos(cosD)
    D = jnp.pad(D, ((0, 0), (1, 2)))
    D = D.reshape(coords.shape[0], -1, 3)
    return jnp.concatenate([jnp.cos(D), jnp.sin(D)], -1)

def _rot_frames(coords):
    n, ca, c = coords[:, :, 0], coords[:, :, 1], coords[:, :, 2]
    e1 = _norm(c - ca)
    v2 = n - ca
    u2 = v2 - e1 * jnp.sum(e1 * v2, -1, keepdims=True)
    e2 = _norm(u2)
    e3 = jnp.cross(e1, e2)
    return jnp.stack([e1, e2, e3], axis=-2)

def _forward(coords, coord_mask, padding_mask, confidence, params):
    Bc, Lc = coords.shape[0], coords.shape[1]
    N = Bc * Lc
    mask = (coord_mask & (~padding_mask)).astype(jnp.float32)
    CA = coords[:, :, 1, :]
    d2 = jnp.sum((CA[:, :, None, :] - CA[:, None, :, :]) ** 2, -1)
    pairmask = mask[:, :, None] * mask[:, None, :]
    d2 = jnp.where(pairmask > 0, d2, 1e10) + jnp.eye(Lc) * 1e10
    _, nbr = jax.lax.top_k(-d2, K)
    offs = (jnp.arange(Bc) * Lc)[:, None, None]
    src = (nbr + offs).reshape(-1)
    dst = jnp.broadcast_to(jnp.arange(N).reshape(Bc, Lc, 1), (Bc, Lc, K)).reshape(-1)
    seq_off = (nbr - jnp.arange(Lc)[None, :, None]).reshape(-1)
    dih = _dihedrals(coords)
    node_s = jnp.concatenate([dih, confidence[..., None]], -1) * mask[..., None]
    fwdv = jnp.pad(_norm(CA[:, 1:] - CA[:, :-1]), ((0, 0), (0, 1), (0, 0)))
    bwdv = jnp.pad(_norm(CA[:, :-1] - CA[:, 1:]), ((0, 0), (1, 0), (0, 0)))
    c_v = _norm(coords[:, :, 2] - CA)
    n_v = _norm(coords[:, :, 0] - CA)
    bis = _norm(c_v + n_v)
    perp = _norm(jnp.cross(c_v, n_v))
    side = -bis * np.sqrt(1.0 / 3.0) - perp * np.sqrt(2.0 / 3.0)
    node_v = jnp.stack([fwdv, bwdv, side], axis=-2) * mask[..., None, None]
    hs_in = node_s.reshape(N, 7)
    hv_in = node_v.reshape(N, 3, 3)
    CAf = CA.reshape(N, 3)
    diff = CAf[src] - CAf[dst]
    dist = jnp.linalg.norm(diff, axis=-1)
    ev_h = (diff / (dist[:, None] + 1e-8))[:, None, :]
    es_h = jnp.concatenate([_rbf(dist), _posemb(seq_off)], -1)
    es_h, ev_h = _gvp(params['edge_emb'], es_h, ev_h, False)
    hs, hv = _gvp(params['node_emb'], hs_in, hv_in, False)
    hs = _ln_s(params['node_ln0'], hs)
    hv = _ln_v(hv)
    for lp in params['layers']:
        sm = jnp.concatenate([hs[dst], hs[src], es_h], -1)
        vm = jnp.concatenate([hv[dst], hv[src], ev_h], -2)
        ms, mv = _gvp_seq(lp['msg'], sm, vm)
        agg_s = jax.ops.segment_sum(ms, dst, num_segments=N) / K
        agg_v = jax.ops.segment_sum(mv, dst, num_segments=N) / K
        hs = _ln_s(lp['ln1'], hs + agg_s)
        hv = _ln_v(hv + agg_v)
        fs, fv = _gvp_seq(lp['ff'], hs, hv)
        hs = _ln_s(lp['ln2'], hs + fs)
        hv = _ln_v(hv + fv)
    hs = hs.reshape(Bc, Lc, NS)
    hv = hv.reshape(Bc, Lc, NV, 3)
    R = _rot_frames(coords)
    hv_rot = jnp.einsum('blij,blvi->blvj', R, hv)
    return jnp.concatenate([hs, hv_rot.reshape(Bc, Lc, NV * 3)], -1)

def setup_inputs(seed: int = 0):
    key = jax.random.key(seed)
    k1, k2, k3 = jax.random.split(key, 3)
    coords = jax.random.normal(k1, (B, L, 3, 3), dtype=jnp.float32) * 3.0
    coord_mask = jnp.ones((B, L), dtype=bool)
    padding_mask = jnp.zeros((B, L), dtype=bool)
    confidence = jax.random.uniform(k2, (B, L), dtype=jnp.float32)
    params = _mk_params(k3)
    return {'coords': coords, 'coord_mask': coord_mask, 'padding_mask': padding_mask, 'confidence': confidence, 'params': params}

def reference(coords, coord_mask, padding_mask, confidence, params):
    return _forward(coords, coord_mask, padding_mask, confidence, params)

if __name__ == "__main__":
    import jax
    _d = setup_inputs()
    print(jax.jit(kernel)(*tuple(_d.values())))

</pallas_src>

<mosaic_0001>
#map = affine_map<(d0, d1) -> (0, 0)>
module attributes {stable_mosaic.version = 14 : i64} {
  func.func @k(%arg0: i32, %arg1: i32, %arg2: memref<10240x128xf32, #tpu.memory_space<hbm>>, %arg3: memref<1280x128xi32, #tpu.memory_space<hbm>>, %arg4: memref<163840x128xf32, #tpu.memory_space<hbm>>, %arg5: memref<128xi32, #tpu.memory_space<vmem>>, %arg6: memref<128x128xf32, #tpu.memory_space<vmem>>, %arg7: memref<!tpu.dma_semaphore, #tpu.memory_space<semaphore_mem>>) attributes {dimension_semantics = [#tpu.dimension_semantics<core_parallel>, #tpu.dimension_semantics<subcore_parallel>], iteration_bounds = array<i64: 2, 16>, scalar_prefetch = 0 : i64, scratch_operands = 3 : i64, tpu.core_type = #tpu.core_type<sc_vector_subcore>, window_params = [{transform_indices = #map}, {transform_indices = #map}, {transform_indices = #map}]} {
    %mul3A = arith.constant 2 : i32
    %mul3A_0 = arith.muli %arg1, %mul3A : i32
    %add3A = arith.addi %mul3A_0, %arg0 : i32
    %scan3A = arith.constant 0 : i32
    %scan3A_1 = arith.constant 0 : i32
    %scan3A_2 = arith.constant 40 : i32
    %scan3A_3 = arith.addi %scan3A_1, %scan3A_2 : i32
    %scan3A_4 = arith.constant 1 : i32
    scf.for %scan3A_6 = %scan3A_1 to %scan3A_3 step %scan3A_4  : i32 {
      %mul3A_7 = arith.constant 40 : i32
      %mul3A_8 = arith.muli %add3A, %mul3A_7 : i32
      %add3A_9 = arith.addi %mul3A_8, %scan3A_6 : i32
      "tpu.region"() ({
        %run_scoped3A = tpu.sem_alloc : memref<!tpu.dma_semaphore, #tpu.memory_space<semaphore_mem>>
        %dma_start3A_16 = arith.constant 0 : i32
        %dma_start3A_17 = tpu.memref_slice %arg3[%add3A_9, %dma_start3A_16] : memref<1280x128xi32, #tpu.memory_space<hbm>> -> memref<1x128xi32, #tpu.memory_space<hbm>>
        %dma_start3A_18 = tpu.memref_squeeze %dma_start3A_17 : memref<1x128xi32, #tpu.memory_space<hbm>> -> memref<128xi32, #tpu.memory_space<hbm>>
        %dma_start3A_19 = arith.constant 0 : i32
        %dma_start3A_20 = tpu.memref_slice %arg3[%add3A_9, %dma_start3A_19] : memref<1280x128xi32, #tpu.memory_space<hbm>> -> memref<1x128xi32, #tpu.memory_space<hbm>>
        %dma_start3A_21 = tpu.memref_squeeze %dma_start3A_20 : memref<1x128xi32, #tpu.memory_space<hbm>> -> memref<128xi32, #tpu.memory_space<hbm>>
        tpu.enqueue_dma source(%dma_start3A_21 : memref<128xi32, #tpu.memory_space<hbm>>) target(%arg5 : memref<128xi32, #tpu.memory_space<vmem>>) target_semaphore(%run_scoped3A : memref<!tpu.dma_semaphore, #tpu.memory_space<semaphore_mem>>)
        %dma_wait3A_22 = arith.constant 0 : i32
        %dma_wait3A_23 = tpu.memref_slice %arg3[%add3A_9, %dma_wait3A_22] : memref<1280x128xi32, #tpu.memory_space<hbm>> -> memref<1x128xi32, #tpu.memory_space<hbm>>
        %dma_wait3A_24 = tpu.memref_squeeze %dma_wait3A_23 : memref<1x128xi32, #tpu.memory_space<hbm>> -> memref<128xi32, #tpu.memory_space<hbm>>
        %dma_wait3A_25 = arith.constant 0 : i32
        %dma_wait3A_26 = tpu.memref_slice %arg3[%add3A_9, %dma_wait3A_25] : memref<1280x128xi32, #tpu.memory_space<hbm>> -> memref<1x128xi32, #tpu.memory_space<hbm>>
        %dma_wait3A_27 = tpu.memref_squeeze %dma_wait3A_26 : memref<1x128xi32, #tpu.memory_space<hbm>> -> memref<128xi32, #tpu.memory_space<hbm>>
        tpu.wait_dma2 semaphore(%run_scoped3A : memref<!tpu.dma_semaphore, #tpu.memory_space<semaphore_mem>>) src(%dma_wait3A_27 : memref<128xi32, #tpu.memory_space<hbm>>) dst(%arg5 : memref<128xi32, #tpu.memory_space<vmem>>)
        tpu.yield
      }) : () -> ()
      %dma_start3A = arith.constant 0 : i32
      %dma_start3A_10 = arith.constant 0 : i32
      %dma_start3A_11 = tpu.memref_slice %arg2[%dma_start3A, %dma_start3A_10] : memref<10240x128xf32, #tpu.memory_space<hbm>> -> memref<10240x128xf32, #tpu.memory_space<hbm>>
      tpu.enqueue_indirect_dma source(%dma_start3A_11 : memref<10240x128xf32, #tpu.memory_space<hbm>>) target(%arg6 : memref<128x128xf32, #tpu.memory_space<vmem>>) offsets(%arg5 : memref<128xi32, #tpu.memory_space<vmem>>) semaphore(%arg7 : memref<!tpu.dma_semaphore, #tpu.memory_space<semaphore_mem>>)
      %dma_wait3A = arith.constant 0 : i32
      %dma_wait3A_12 = arith.constant 0 : i32
      %dma_wait3A_13 = tpu.memref_slice %arg2[%dma_wait3A, %dma_wait3A_12] : memref<10240x128xf32, #tpu.memory_space<hbm>> -> memref<10240x128xf32, #tpu.memory_space<hbm>>
      tpu.wait_indirect_dma semaphore(%arg7 : memref<!tpu.dma_semaphore, #tpu.memory_space<semaphore_mem>>) src(%dma_wait3A_13 : memref<10240x128xf32, #tpu.memory_space<hbm>>) dst(%arg6 : memref<128x128xf32, #tpu.memory_space<vmem>>)
      %mul3A_14 = arith.constant 128 : i32
      %mul3A_15 = arith.muli %add3A_9, %mul3A_14 : i32
      "tpu.region"() ({
        %run_scoped3A = tpu.sem_alloc : memref<!tpu.dma_semaphore, #tpu.memory_space<semaphore_mem>>
        %dma_start3A_16 = arith.constant 0 : i32
        %dma_start3A_17 = tpu.memref_slice %arg4[%mul3A_15, %dma_start3A_16] : memref<163840x128xf32, #tpu.memory_space<hbm>> -> memref<128x128xf32, #tpu.memory_space<hbm>>
        %dma_start3A_18 = arith.constant 0 : i32
        %dma_start3A_19 = tpu.memref_slice %arg4[%mul3A_15, %dma_start3A_18] : memref<163840x128xf32, #tpu.memory_space<hbm>> -> memref<128x128xf32, #tpu.memory_space<hbm>>
        tpu.enqueue_dma source(%arg6 : memref<128x128xf32, #tpu.memory_space<vmem>>) target(%dma_start3A_19 : memref<128x128xf32, #tpu.memory_space<hbm>>) target_semaphore(%run_scoped3A : memref<!tpu.dma_semaphore, #tpu.memory_space<semaphore_mem>>)
        %dma_wait3A_20 = arith.constant 0 : i32
        %dma_wait3A_21 = tpu.memref_slice %arg4[%mul3A_15, %dma_wait3A_20] : memref<163840x128xf32, #tpu.memory_space<hbm>> -> memref<128x128xf32, #tpu.memory_space<hbm>>
        %dma_wait3A_22 = arith.constant 0 : i32
        %dma_wait3A_23 = tpu.memref_slice %arg4[%mul3A_15, %dma_wait3A_22] : memref<163840x128xf32, #tpu.memory_space<hbm>> -> memref<128x128xf32, #tpu.memory_space<hbm>>
        tpu.wait_dma2 semaphore(%run_scoped3A : memref<!tpu.dma_semaphore, #tpu.memory_space<semaphore_mem>>) src(%arg6 : memref<128x128xf32, #tpu.memory_space<vmem>>) dst(%dma_wait3A_23 : memref<128x128xf32, #tpu.memory_space<hbm>>)
        tpu.yield
      }) : () -> ()
    }
    %scan3A_5 = arith.constant 40 : i32
    return
  }
}

#map = affine_map<(d0, d1) -> (0, 0)>
module attributes {stable_mosaic.version = 14 : i64} {
  func.func @k(%arg0: i32, %arg1: i32, %arg2: memref<10240x128xf32, #tpu.memory_space<hbm>>, %arg3: memref<1280x128xi32, #tpu.memory_space<hbm>>, %arg4: memref<163840x128xf32, #tpu.memory_space<hbm>>, %arg5: memref<128xi32, #tpu.memory_space<vmem>>, %arg6: memref<128x128xf32, #tpu.memory_space<vmem>>, %arg7: memref<!tpu.dma_semaphore, #tpu.memory_space<semaphore_mem>>) attributes {dimension_semantics = [#tpu.dimension_semantics<core_parallel>, #tpu.dimension_semantics<subcore_parallel>], iteration_bounds = array<i64: 2, 16>, scalar_prefetch = 0 : i64, scratch_operands = 3 : i64, tpu.core_type = #tpu.core_type<sc_vector_subcore>, window_params = [{transform_indices = #map}, {transform_indices = #map}, {transform_indices = #map}]} {
    %mul3A = arith.constant 2 : i32
    %mul3A_0 = arith.muli %arg1, %mul3A : i32
    %add3A = arith.addi %mul3A_0, %arg0 : i32
    %scan3A = arith.constant 0 : i32
    %scan3A_1 = arith.constant 0 : i32
    %scan3A_2 = arith.constant 40 : i32
    %scan3A_3 = arith.addi %scan3A_1, %scan3A_2 : i32
    %scan3A_4 = arith.constant 1 : i32
    scf.for %scan3A_6 = %scan3A_1 to %scan3A_3 step %scan3A_4  : i32 {
      %mul3A_7 = arith.constant 40 : i32
      %mul3A_8 = arith.muli %add3A, %mul3A_7 : i32
      %add3A_9 = arith.addi %mul3A_8, %scan3A_6 : i32
      "tpu.region"() ({
        %run_scoped3A = tpu.sem_alloc : memref<!tpu.dma_semaphore, #tpu.memory_space<semaphore_mem>>
        %dma_start3A_16 = arith.constant 0 : i32
        %dma_start3A_17 = tpu.memref_slice %arg3[%add3A_9, %dma_start3A_16] : memref<1280x128xi32, #tpu.memory_space<hbm>> -> memref<1x128xi32, #tpu.memory_space<hbm>>
        %dma_start3A_18 = tpu.memref_squeeze %dma_start3A_17 : memref<1x128xi32, #tpu.memory_space<hbm>> -> memref<128xi32, #tpu.memory_space<hbm>>
        %dma_start3A_19 = arith.constant 0 : i32
        %dma_start3A_20 = tpu.memref_slice %arg3[%add3A_9, %dma_start3A_19] : memref<1280x128xi32, #tpu.memory_space<hbm>> -> memref<1x128xi32, #tpu.memory_space<hbm>>
        %dma_start3A_21 = tpu.memref_squeeze %dma_start3A_20 : memref<1x128xi32, #tpu.memory_space<hbm>> -> memref<128xi32, #tpu.memory_space<hbm>>
        tpu.enqueue_dma source(%dma_start3A_21 : memref<128xi32, #tpu.memory_space<hbm>>) target(%arg5 : memref<128xi32, #tpu.memory_space<vmem>>) target_semaphore(%run_scoped3A : memref<!tpu.dma_semaphore, #tpu.memory_space<semaphore_mem>>)
        %dma_wait3A_22 = arith.constant 0 : i32
        %dma_wait3A_23 = tpu.memref_slice %arg3[%add3A_9, %dma_wait3A_22] : memref<1280x128xi32, #tpu.memory_space<hbm>> -> memref<1x128xi32, #tpu.memory_space<hbm>>
        %dma_wait3A_24 = tpu.memref_squeeze %dma_wait3A_23 : memref<1x128xi32, #tpu.memory_space<hbm>> -> memref<128xi32, #tpu.memory_space<hbm>>
        %dma_wait3A_25 = arith.constant 0 : i32
        %dma_wait3A_26 = tpu.memref_slice %arg3[%add3A_9, %dma_wait3A_25] : memref<1280x128xi32, #tpu.memory_space<hbm>> -> memref<1x128xi32, #tpu.memory_space<hbm>>
        %dma_wait3A_27 = tpu.memref_squeeze %dma_wait3A_26 : memref<1x128xi32, #tpu.memory_space<hbm>> -> memref<128xi32, #tpu.memory_space<hbm>>
        tpu.wait_dma2 semaphore(%run_scoped3A : memref<!tpu.dma_semaphore, #tpu.memory_space<semaphore_mem>>) src(%dma_wait3A_27 : memref<128xi32, #tpu.memory_space<hbm>>) dst(%arg5 : memref<128xi32, #tpu.memory_space<vmem>>)
        tpu.yield
      }) : () -> ()
      %dma_start3A = arith.constant 0 : i32
      %dma_start3A_10 = arith.constant 0 : i32
      %dma_start3A_11 = tpu.memref_slice %arg2[%dma_start3A, %dma_start3A_10] : memref<10240x128xf32, #tpu.memory_space<hbm>> -> memref<10240x128xf32, #tpu.memory_space<hbm>>
      tpu.enqueue_indirect_dma source(%dma_start3A_11 : memref<10240x128xf32, #tpu.memory_space<hbm>>) target(%arg6 : memref<128x128xf32, #tpu.memory_space<vmem>>) offsets(%arg5 : memref<128xi32, #tpu.memory_space<vmem>>) semaphore(%arg7 : memref<!tpu.dma_semaphore, #tpu.memory_space<semaphore_mem>>)
      %dma_wait3A = arith.constant 0 : i32
      %dma_wait3A_12 = arith.constant 0 : i32
      %dma_wait3A_13 = tpu.memref_slice %arg2[%dma_wait3A, %dma_wait3A_12] : memref<10240x128xf32, #tpu.memory_space<hbm>> -> memref<10240x128xf32, #tpu.memory_space<hbm>>
      tpu.wait_indirect_dma semaphore(%arg7 : memref<!tpu.dma_semaphore, #tpu.memory_space<semaphore_mem>>) src(%dma_wait3A_13 : memref<10240x128xf32, #tpu.memory_space<hbm>>) dst(%arg6 : memref<128x128xf32, #tpu.memory_space<vmem>>)
      %mul3A_14 = arith.constant 128 : i32
      %mul3A_15 = arith.muli %add3A_9, %mul3A_14 : i32
      "tpu.region"() ({
        %run_scoped3A = tpu.sem_alloc : memref<!tpu.dma_semaphore, #tpu.memory_space<semaphore_mem>>
        %dma_start3A_16 = arith.constant 0 : i32
        %dma_start3A_17 = tpu.memref_slice %arg4[%mul3A_15, %dma_start3A_16] : memref<163840x128xf32, #tpu.memory_space<hbm>> -> memref<128x128xf32, #tpu.memory_space<hbm>>
        %dma_start3A_18 = arith.constant 0 : i32
        %dma_start3A_19 = tpu.memref_slice %arg4[%mul3A_15, %dma_start3A_18] : memref<163840x128xf32, #tpu.memory_space<hbm>> -> memref<128x128xf32, #tpu.memory_space<hbm>>
        tpu.enqueue_dma source(%arg6 : memref<128x128xf32, #tpu.memory_space<vmem>>) target(%dma_start3A_19 : memref<128x128xf32, #tpu.memory_space<hbm>>) target_semaphore(%run_scoped3A : memref<!tpu.dma_semaphore, #tpu.memory_space<semaphore_mem>>)
        %dma_wait3A_20 = arith.constant 0 : i32
        %dma_wait3A_21 = tpu.memref_slice %arg4[%mul3A_15, %dma_wait3A_20] : memref<163840x128xf32, #tpu.memory_space<hbm>> -> memref<128x128xf32, #tpu.memory_space<hbm>>
        %dma_wait3A_22 = arith.constant 0 : i32
        %dma_wait3A_23 = tpu.memref_slice %arg4[%mul3A_15, %dma_wait3A_22] : memref<163840x128xf32, #tpu.memory_space<hbm>> -> memref<128x128xf32, #tpu.memory_space<hbm>>
        tpu.wait_dma2 semaphore(%run_scoped3A : memref<!tpu.dma_semaphore, #tpu.memory_space<semaphore_mem>>) src(%arg6 : memref<128x128xf32, #tpu.memory_space<vmem>>) dst(%dma_wait3A_23 : memref<128x128xf32, #tpu.memory_space<hbm>>)
        tpu.yield
      }) : () -> ()
    }
    %scan3A_5 = arith.constant 40 : i32
    return
  }
}

#map = affine_map<(d0, d1) -> (0, 0)>
module attributes {stable_mosaic.version = 14 : i64} {
  func.func @k(%arg0: i32, %arg1: i32, %arg2: memref<10240x128xf32, #tpu.memory_space<hbm>>, %arg3: memref<1280x128xi32, #tpu.memory_space<hbm>>, %arg4: memref<163840x128xf32, #tpu.memory_space<hbm>>, %arg5: memref<128xi32, #tpu.memory_space<vmem>>, %arg6: memref<128x128xf32, #tpu.memory_space<vmem>>, %arg7: memref<!tpu.dma_semaphore, #tpu.memory_space<semaphore_mem>>) attributes {dimension_semantics = [#tpu.dimension_semantics<core_parallel>, #tpu.dimension_semantics<subcore_parallel>], iteration_bounds = array<i64: 2, 16>, scalar_prefetch = 0 : i64, scratch_operands = 3 : i64, tpu.core_type = #tpu.core_type<sc_vector_subcore>, window_params = [{transform_indices = #map}, {transform_indices = #map}, {transform_indices = #map}]} {
    %mul3A = arith.constant 2 : i32
    %mul3A_0 = arith.muli %arg1, %mul3A : i32
    %add3A = arith.addi %mul3A_0, %arg0 : i32
    %scan3A = arith.constant 0 : i32
    %scan3A_1 = arith.constant 0 : i32
    %scan3A_2 = arith.constant 40 : i32
    %scan3A_3 = arith.addi %scan3A_1, %scan3A_2 : i32
    %scan3A_4 = arith.constant 1 : i32
    scf.for %scan3A_6 = %scan3A_1 to %scan3A_3 step %scan3A_4  : i32 {
      %mul3A_7 = arith.constant 40 : i32
      %mul3A_8 = arith.muli %add3A, %mul3A_7 : i32
      %add3A_9 = arith.addi %mul3A_8, %scan3A_6 : i32
      "tpu.region"() ({
        %run_scoped3A = tpu.sem_alloc : memref<!tpu.dma_semaphore, #tpu.memory_space<semaphore_mem>>
        %dma_start3A_16 = arith.constant 0 : i32
        %dma_start3A_17 = tpu.memref_slice %arg3[%add3A_9, %dma_start3A_16] : memref<1280x128xi32, #tpu.memory_space<hbm>> -> memref<1x128xi32, #tpu.memory_space<hbm>>
        %dma_start3A_18 = tpu.memref_squeeze %dma_start3A_17 : memref<1x128xi32, #tpu.memory_space<hbm>> -> memref<128xi32, #tpu.memory_space<hbm>>
        %dma_start3A_19 = arith.constant 0 : i32
        %dma_start3A_20 = tpu.memref_slice %arg3[%add3A_9, %dma_start3A_19] : memref<1280x128xi32, #tpu.memory_space<hbm>> -> memref<1x128xi32, #tpu.memory_space<hbm>>
        %dma_start3A_21 = tpu.memref_squeeze %dma_start3A_20 : memref<1x128xi32, #tpu.memory_space<hbm>> -> memref<128xi32, #tpu.memory_space<hbm>>
        tpu.enqueue_dma source(%dma_start3A_21 : memref<128xi32, #tpu.memory_space<hbm>>) target(%arg5 : memref<128xi32, #tpu.memory_space<vmem>>) target_semaphore(%run_scoped3A : memref<!tpu.dma_semaphore, #tpu.memory_space<semaphore_mem>>)
        %dma_wait3A_22 = arith.constant 0 : i32
        %dma_wait3A_23 = tpu.memref_slice %arg3[%add3A_9, %dma_wait3A_22] : memref<1280x128xi32, #tpu.memory_space<hbm>> -> memref<1x128xi32, #tpu.memory_space<hbm>>
        %dma_wait3A_24 = tpu.memref_squeeze %dma_wait3A_23 : memref<1x128xi32, #tpu.memory_space<hbm>> -> memref<128xi32, #tpu.memory_space<hbm>>
        %dma_wait3A_25 = arith.constant 0 : i32
        %dma_wait3A_26 = tpu.memref_slice %arg3[%add3A_9, %dma_wait3A_25] : memref<1280x128xi32, #tpu.memory_space<hbm>> -> memref<1x128xi32, #tpu.memory_space<hbm>>
        %dma_wait3A_27 = tpu.memref_squeeze %dma_wait3A_26 : memref<1x128xi32, #tpu.memory_space<hbm>> -> memref<128xi32, #tpu.memory_space<hbm>>
        tpu.wait_dma2 semaphore(%run_scoped3A : memref<!tpu.dma_semaphore, #tpu.memory_space<semaphore_mem>>) src(%dma_wait3A_27 : memref<128xi32, #tpu.memory_space<hbm>>) dst(%arg5 : memref<128xi32, #tpu.memory_space<vmem>>)
        tpu.yield
      }) : () -> ()
      %dma_start3A = arith.constant 0 : i32
      %dma_start3A_10 = arith.constant 0 : i32
      %dma_start3A_11 = tpu.memref_slice %arg2[%dma_start3A, %dma_start3A_10] : memref<10240x128xf32, #tpu.memory_space<hbm>> -> memref<10240x128xf32, #tpu.memory_space<hbm>>
      tpu.enqueue_indirect_dma source(%dma_start3A_11 : memref<10240x128xf32, #tpu.memory_space<hbm>>) target(%arg6 : memref<128x128xf32, #tpu.memory_space<vmem>>) offsets(%arg5 : memref<128xi32, #tpu.memory_space<vmem>>) semaphore(%arg7 : memref<!tpu.dma_semaphore, #tpu.memory_space<semaphore_mem>>)
      %dma_wait3A = arith.constant 0 : i32
      %dma_wait3A_12 = arith.constant 0 : i32
      %dma_wait3A_13 = tpu.memref_slice %arg2[%dma_wait3A, %dma_wait3A_12] : memref<10240x128xf32, #tpu.memory_space<hbm>> -> memref<10240x128xf32, #tpu.memory_space<hbm>>
      tpu.wait_indirect_dma semaphore(%arg7 : memref<!tpu.dma_semaphore, #tpu.memory_space<semaphore_mem>>) src(%dma_wait3A_13 : memref<10240x128xf32, #tpu.memory_space<hbm>>) dst(%arg6 : memref<128x128xf32, #tpu.memory_space<vmem>>)
      %mul3A_14 = arith.constant 128 : i32
      %mul3A_15 = arith.muli %add3A_9, %mul3A_14 : i32
      "tpu.region"() ({
        %run_scoped3A = tpu.sem_alloc : memref<!tpu.dma_semaphore, #tpu.memory_space<semaphore_mem>>
        %dma_start3A_16 = arith.constant 0 : i32
        %dma_start3A_17 = tpu.memref_slice %arg4[%mul3A_15, %dma_start3A_16] : memref<163840x128xf32, #tpu.memory_space<hbm>> -> memref<128x128xf32, #tpu.memory_space<hbm>>
        %dma_start3A_18 = arith.constant 0 : i32
        %dma_start3A_19 = tpu.memref_slice %arg4[%mul3A_15, %dma_start3A_18] : memref<163840x128xf32, #tpu.memory_space<hbm>> -> memref<128x128xf32, #tpu.memory_space<hbm>>
        tpu.enqueue_dma source(%arg6 : memref<128x128xf32, #tpu.memory_space<vmem>>) target(%dma_start3A_19 : memref<128x128xf32, #tpu.memory_space<hbm>>) target_semaphore(%run_scoped3A : memref<!tpu.dma_semaphore, #tpu.memory_space<semaphore_mem>>)
        %dma_wait3A_20 = arith.constant 0 : i32
        %dma_wait3A_21 = tpu.memref_slice %arg4[%mul3A_15, %dma_wait3A_20] : memref<163840x128xf32, #tpu.memory_space<hbm>> -> memref<128x128xf32, #tpu.memory_space<hbm>>
        %dma_wait3A_22 = arith.constant 0 : i32
        %dma_wait3A_23 = tpu.memref_slice %arg4[%mul3A_15, %dma_wait3A_22] : memref<163840x128xf32, #tpu.memory_space<hbm>> -> memref<128x128xf32, #tpu.memory_space<hbm>>
        tpu.wait_dma2 semaphore(%run_scoped3A : memref<!tpu.dma_semaphore, #tpu.memory_space<semaphore_mem>>) src(%arg6 : memref<128x128xf32, #tpu.memory_space<vmem>>) dst(%dma_wait3A_23 : memref<128x128xf32, #tpu.memory_space<hbm>>)
        tpu.yield
      }) : () -> ()
    }
    %scan3A_5 = arith.constant 40 : i32
    return
  }
}

module attributes {stable_mosaic.version = 14 : i64} {
  func.func @_knn_body(%arg0: i32, %arg1: i32, %arg2: memref<1x128x4xf32, #tpu.memory_space<vmem>>, %arg3: memref<1x4x640xf32, #tpu.memory_space<vmem>>, %arg4: memref<1x128x1xf32, #tpu.memory_space<vmem>>, %arg5: memref<1x1x640xf32, #tpu.memory_space<vmem>>, %arg6: memref<128x16xi32, #tpu.memory_space<vmem>>) attributes {dimension_semantics = [#tpu.dimension_semantics<arbitrary>, #tpu.dimension_semantics<arbitrary>], iteration_bounds = array<i64: 16, 5>, scalar_prefetch = 0 : i64, scratch_operands = 0 : i64, tpu.core_type = #tpu.core_type<tc>, window_params = [{transform_indices = @transform_0, window_bounds = array<i64: 1, 128, 4>}, {transform_indices = @transform_1, window_bounds = array<i64: 1, 4, 640>}, {transform_indices = @transform_2, window_bounds = array<i64: 1, 128, 1>}, {transform_indices = @transform_3, window_bounds = array<i64: 1, 1, 640>}, {transform_indices = @transform_4, window_bounds = array<i64: 128, 16>}]} {
    %get3A = arith.constant 0 : index
    %get3A_0 = arith.constant 0 : index
    %get3A_1 = arith.constant 0 : index
    %get3A_2 = vector.load %arg2[%get3A, %get3A_0, %get3A_1] : memref<1x128x4xf32, #tpu.memory_space<vmem>>, vector<1x128x4xf32>
    %get3A_3 = vector.shape_cast %get3A_2 : vector<1x128x4xf32> to vector<128x4xf32>
    %get3A_4 = arith.constant 0 : index
    %get3A_5 = arith.constant 0 : index
    %get3A_6 = arith.constant 0 : index
    %get3A_7 = vector.load %arg3[%get3A_4, %get3A_5, %get3A_6] : memref<1x4x640xf32, #tpu.memory_space<vmem>>, vector<1x4x640xf32>
    %get3A_8 = vector.shape_cast %get3A_7 : vector<1x4x640xf32> to vector<4x640xf32>
    %broadcast_in_dim3A = arith.constant 0.000000e+00 : f32
    %broadcast_in_dim3A_9 = vector.broadcast %broadcast_in_dim3A : f32 to vector<128x640xf32>
    %slice3A = vector.extract_strided_slice %get3A_3 {offsets = [0, 0], sizes = [128, 1], strides = [1, 1]} : vector<128x4xf32> to vector<128x1xf32>
    %slice3A_10 = vector.extract_strided_slice %get3A_8 {offsets = [0, 0], sizes = [1, 640], strides = [1, 1]} : vector<4x640xf32> to vector<1x640xf32>
    %sub3A = vector.broadcast %slice3A : vector<128x1xf32> to vector<128x640xf32>
    %sub3A_11 = vector.broadcast %slice3A_10 : vector<1x640xf32> to vector<128x640xf32>
    %sub3A_12 = arith.subf %sub3A, %sub3A_11 : vector<128x640xf32>
    %mul3A = arith.mulf %sub3A_12, %sub3A_12 : vector<128x640xf32>
    %add3A = arith.addf %broadcast_in_dim3A_9, %mul3A : vector<128x640xf32>
    %slice3A_13 = vector.extract_strided_slice %get3A_3 {offsets = [0, 1], sizes = [128, 1], strides = [1, 1]} : vector<128x4xf32> to vector<128x1xf32>
    %slice3A_14 = vector.extract_strided_slice %get3A_8 {offsets = [1, 0], sizes = [1, 640], strides = [1, 1]} : vector<4x640xf32> to vector<1x640xf32>
    %sub3A_15 = vector.broadcast %slice3A_13 : vector<128x1xf32> to vector<128x640xf32>
    %sub3A_16 = vector.broadcast %slice3A_14 : vector<1x640xf32> to vector<128x640xf32>
    %sub3A_17 = arith.subf %sub3A_15, %sub3A_16 : vector<128x640xf32>
    %mul3A_18 = arith.mulf %sub3A_17, %sub3A_17 : vector<128x640xf32>
    %add3A_19 = arith.addf %add3A, %mul3A_18 : vector<128x640xf32>
    %slice3A_20 = vector.extract_strided_slice %get3A_3 {offsets = [0, 2], sizes = [128, 1], strides = [1, 1]} : vector<128x4xf32> to vector<128x1xf32>
    %slice3A_21 = vector.extract_strided_slice %get3A_8 {offsets = [2, 0], sizes = [1, 640], strides = [1, 1]} : vector<4x640xf32> to vector<1x640xf32>
    %sub3A_22 = vector.broadcast %slice3A_20 : vector<128x1xf32> to vector<128x640xf32>
    %sub3A_23 = vector.broadcast %slice3A_21 : vector<1x640xf32> to vector<128x640xf32>
    %sub3A_24 = arith.subf %sub3A_22, %sub3A_23 : vector<128x640xf32>
    %mul3A_25 = arith.mulf %sub3A_24, %sub3A_24 : vector<128x640xf32>
    %add3A_26 = arith.addf %add3A_19, %mul3A_25 : vector<128x640xf32>
    %get3A_27 = arith.constant 0 : index
    %get3A_28 = arith.constant 0 : index
    %get3A_29 = arith.constant 0 : index
    %get3A_30 = vector.load %arg4[%get3A_27, %get3A_28, %get3A_29] : memref<1x128x1xf32, #tpu.memory_space<vmem>>, vector<1x128x1xf32>
    %get3A_31 = vector.shape_cast %get3A_30 : vector<1x128x1xf32> to vector<128x1xf32>
    %get3A_32 = arith.constant 0 : index
    %get3A_33 = arith.constant 0 : index
    %get3A_34 = arith.constant 0 : index
    %get3A_35 = vector.load %arg5[%get3A_32, %get3A_33, %get3A_34] : memref<1x1x640xf32, #tpu.memory_space<vmem>>, vector<1x1x640xf32>
    %get3A_36 = vector.shape_cast %get3A_35 : vector<1x1x640xf32> to vector<1x640xf32>
    %mul3A_37 = vector.broadcast %get3A_31 : vector<128x1xf32> to vector<128x640xf32>
    %mul3A_38 = vector.broadcast %get3A_36 : vector<1x640xf32> to vector<128x640xf32>
    %mul3A_39 = arith.mulf %mul3A_37, %mul3A_38 : vector<128x640xf32>
    %iota3A = tpu.iota {dimensions = array<i32: 0>} : vector<128x640xi32>
    %mul3A_40 = arith.constant 128 : i32
    %mul3A_41 = arith.muli %arg1, %mul3A_40 : i32
    %add3A_42 = vector.broadcast %mul3A_41 : i32 to vector<128x640xi32>
    %add3A_43 = arith.addi %iota3A, %add3A_42 : vector<128x640xi32>
    %iota3A_44 = tpu.iota {dimensions = array<i32: 1>} : vector<128x640xi32>
    %gt3A = arith.constant 0.000000e+00 : f32
    %gt3A_45 = vector.broadcast %gt3A : f32 to vector<128x640xf32>
    %gt3A_46 = arith.cmpf ogt, %mul3A_39, %gt3A_45 : vector<128x640xf32>
    %jit3A = arith.constant 1.000000e+10 : f32
    %broadcast_in_dim3A_47 = vector.broadcast %jit3A : f32 to vector<128x640xf32>
    %select_n3A = arith.select %gt3A_46, %add3A_26, %broadcast_in_dim3A_47 : vector<128x640xi1>, vector<128x640xf32>
    %eq3A = arith.cmpi eq, %iota3A_44, %add3A_43 : vector<128x640xi32>
    %jit3A_48 = arith.constant 1.000000e+10 : f32
    %jit3A_49 = arith.constant 0.000000e+00 : f32
    %broadcast_in_dim3A_50 = vector.broadcast %jit3A_48 : f32 to vector<128x640xf32>
    %broadcast_in_dim3A_51 = vector.broadcast %jit3A_49 : f32 to vector<128x640xf32>
    %select_n3A_52 = arith.select %eq3A, %broadcast_in_dim3A_50, %broadcast_in_dim3A_51 : vector<128x640xi1>, vector<128x640xf32>
    %add3A_53 = arith.addf %select_n3A, %select_n3A_52 : vector<128x640xf32>
    %reduce_min3A = arith.constant dense<0x7F800000> : vector<128xf32>
    %reduce_min3A_54 = vector.multi_reduction <minimumf>, %add3A_53, %reduce_min3A [1] : vector<128x640xf32> to vector<128xf32>
    %broadcast_in_dim3A_55 = vector.shape_cast %reduce_min3A_54 : vector<128xf32> to vector<128x1xf32>
    %le3A = vector.broadcast %broadcast_in_dim3A_55 : vector<128x1xf32> to vector<128x640xf32>
    %le3A_56 = arith.cmpf ole, %add3A_53, %le3A : vector<128x640xf32>
    %jit3A_57 = arith.constant 640 : i32
    %broadcast_in_dim3A_58 = vector.broadcast %jit3A_57 : i32 to vector<128x640xi32>
    %select_n3A_59 = arith.select %le3A_56, %iota3A_44, %broadcast_in_dim3A_58 : vector<128x640xi1>, vector<128x640xi32>
    %reduce_min3A_60 = arith.constant dense<2147483647> : vector<128xi32>
    %reduce_min3A_61 = vector.multi_reduction <minsi>, %select_n3A_59, %reduce_min3A_60 [1] : vector<128x640xi32> to vector<128xi32>
    %broadcast_in_dim3A_62 = vector.shape_cast %reduce_min3A_61 : vector<128xi32> to vector<128x1xi32>
    %eq3A_63 = vector.broadcast %broadcast_in_dim3A_62 : vector<128x1xi32> to vector<128x640xi32>
    %eq3A_64 = arith.cmpi eq, %iota3A_44, %eq3A_63 : vector<128x640xi32>
    %jit3A_65 = arith.constant 3.000000e+10 : f32
    %broadcast_in_dim3A_66 = vector.broadcast %jit3A_65 : f32 to vector<128x640xf32>
    %select_n3A_67 = arith.select %eq3A_64, %broadcast_in_dim3A_66, %add3A_53 : vector<128x640xi1>, vector<128x640xf32>
    %reduce_min3A_68 = arith.constant dense<0x7F800000> : vector<128xf32>
    %reduce_min3A_69 = vector.multi_reduction <minimumf>, %select_n3A_67, %reduce_min3A_68 [1] : vector<128x640xf32> to vector<128xf32>
    %broadcast_in_dim3A_70 = vector.shape_cast %reduce_min3A_69 : vector<128xf32> to vector<128x1xf32>
    %le3A_71 = vector.broadcast %broadcast_in_dim3A_70 : vector<128x1xf32> to vector<128x640xf32>
    %le3A_72 = arith.cmpf ole, %select_n3A_67, %le3A_71 : vector<128x640xf32>
    %jit3A_73 = arith.constant 640 : i32
    %broadcast_in_dim3A_74 = vector.broadcast %jit3A_73 : i32 to vector<128x640xi32>
    %select_n3A_75 = arith.select %le3A_72, %iota3A_44, %broadcast_in_dim3A_74 : vector<128x640xi1>, vector<128x640xi32>
    %reduce_min3A_76 = arith.constant dense<2147483647> : vector<128xi32>
    %reduce_min3A_77 = vector.multi_reduction <minsi>, %select_n3A_75, %reduce_min3A_76 [1] : vector<128x640xi32> to vector<128xi32>
    %broadcast_in_dim3A_78 = vector.shape_cast %reduce_min3A_77 : vector<128xi32> to vector<128x1xi32>
    %eq3A_79 = vector.broadcast %broadcast_in_dim3A_78 : vector<128x1xi32> to vector<128x640xi32>
    %eq3A_80 = arith.cmpi eq, %iota3A_44, %eq3A_79 : vector<128x640xi32>
    %jit3A_81 = arith.constant 3.000000e+10 : f32
    %broadcast_in_dim3A_82 = vector.broadcast %jit3A_81 : f32 to vector<128x640xf32>
    %select_n3A_83 = arith.select %eq3A_80, %broadcast_in_dim3A_82, %select_n3A_67 : vector<128x640xi1>, vector<128x640xf32>
    %reduce_min3A_84 = arith.constant dense<0x7F800000> : vector<128xf32>
    %reduce_min3A_85 = vector.multi_reduction <minimumf>, %select_n3A_83, %reduce_min3A_84 [1] : vector<128x640xf32> to vector<128xf32>
    %broadcast_in_dim3A_86 = vector.shape_cast %reduce_min3A_85 : vector<128xf32> to vector<128x1xf32>
    %le3A_87 = vector.broadcast %broadcast_in_dim3A_86 : vector<128x1xf32> to vector<128x640xf32>
    %le3A_88 = arith.cmpf ole, %select_n3A_83, %le3A_87 : vector<128x640xf32>
    %jit3A_89 = arith.constant 640 : i32
    %broadcast_in_dim3A_90 = vector.broadcast %jit3A_89 : i32 to vector<128x640xi32>
    %select_n3A_91 = arith.select %le3A_88, %iota3A_44, %broadcast_in_dim3A_90 : vector<128x640xi1>, vector<128x640xi32>
    %reduce_min3A_92 = arith.constant dense<2147483647> : vector<128xi32>
    %reduce_min3A_93 = vector.multi_reduction <minsi>, %select_n3A_91, %reduce_min3A_92 [1] : vector<128x640xi32> to vector<128xi32>
    %broadcast_in_dim3A_94 = vector.shape_cast %reduce_min3A_93 : vector<128xi32> to vector<128x1xi32>
    %eq3A_95 = vector.broadcast %broadcast_in_dim3A_94 : vector<128x1xi32> to vector<128x640xi32>
    %eq3A_96 = arith.cmpi eq, %iota3A_44, %eq3A_95 : vector<128x640xi32>
    %jit3A_97 = arith.constant 3.000000e+10 : f32
    %broadcast_in_dim3A_98 = vector.broadcast %jit3A_97 : f32 to vector<128x640xf32>
    %select_n3A_99 = arith.select %eq3A_96, %broadcast_in_dim3A_98, %select_n3A_83 : vector<128x640xi1>, vector<128x640xf32>
    %reduce_min3A_100 = arith.constant dense<0x7F800000> : vector<128xf32>
    %reduce_min3A_101 = vector.multi_reduction <minimumf>, %select_n3A_99, %reduce_min3A_100 [1] : vector<128x640xf32> to vector<128xf32>
    %broadcast_in_dim3A_102 = vector.shape_cast %reduce_min3A_101 : vector<128xf32> to vector<128x1xf32>
    %le3A_103 = vector.broadcast %broadcast_in_dim3A_102 : vector<128x1xf32> to vector<128x640xf32>
    %le3A_104 = arith.cmpf ole, %select_n3A_99, %le3A_103 : vector<128x640xf32>
    %jit3A_105 = arith.constant 640 : i32
    %broadcast_in_dim3A_106 = vector.broadcast %jit3A_105 : i32 to vector<128x640xi32>
    %select_n3A_107 = arith.select %le3A_104, %iota3A_44, %broadcast_in_dim3A_106 : vector<128x640xi1>, vector<128x640xi32>
    %reduce_min3A_108 = arith.constant dense<2147483647> : vector<128xi32>
    %reduce_min3A_109 = vector.multi_reduction <minsi>, %select_n3A_107, %reduce_min3A_108 [1] : vector<128x640xi32> to vector<128xi32>
    %broadcast_in_dim3A_110 = vector.shape_cast %reduce_min3A_109 : vector<128xi32> to vector<128x1xi32>
    %eq3A_111 = vector.broadcast %broadcast_in_dim3A_110 : vector<128x1xi32> to vector<128x640xi32>
    %eq3A_112 = arith.cmpi eq, %iota3A_44, %eq3A_111 : vector<128x640xi32>
    %jit3A_113 = arith.constant 3.000000e+10 : f32
    %broadcast_in_dim3A_114 = vector.broadcast %jit3A_113 : f32 to vector<128x640xf32>
    %select_n3A_115 = arith.select %eq3A_112, %broadcast_in_dim3A_114, %select_n3A_99 : vector<128x640xi1>, vector<128x640xf32>
    %reduce_min3A_116 = arith.constant dense<0x7F800000> : vector<128xf32>
    %reduce_min3A_117 = vector.multi_reduction <minimumf>, %select_n3A_115, %reduce_min3A_116 [1] : vector<128x640xf32> to vector<128xf32>
    %broadcast_in_dim3A_118 = vector.shape_cast %reduce_min3A_117 : vector<128xf32> to vector<128x1xf32>
    %le3A_119 = vector.broadcast %broadcast_in_dim3A_118 : vector<128x1xf32> to vector<128x640xf32>
    %le3A_120 = arith.cmpf ole, %select_n3A_115, %le3A_119 : vector<128x640xf32>
    %jit3A_121 = arith.constant 640 : i32
    %broadcast_in_dim3A_122 = vector.broadcast %jit3A_121 : i32 to vector<128x640xi32>
    %select_n3A_123 = arith.select %le3A_120, %iota3A_44, %broadcast_in_dim3A_122 : vector<128x640xi1>, vector<128x640xi32>
    %reduce_min3A_124 = arith.constant dense<2147483647> : vector<128xi32>
    %reduce_min3A_125 = vector.multi_reduction <minsi>, %select_n3A_123, %reduce_min3A_124 [1] : vector<128x640xi32> to vector<128xi32>
    %broadcast_in_dim3A_126 = vector.shape_cast %reduce_min3A_125 : vector<128xi32> to vector<128x1xi32>
    %eq3A_127 = vector.broadcast %broadcast_in_dim3A_126 : vector<128x1xi32> to vector<128x640xi32>
    %eq3A_128 = arith.cmpi eq, %iota3A_44, %eq3A_127 : vector<128x640xi32>
    %jit3A_129 = arith.constant 3.000000e+10 : f32
    %broadcast_in_dim3A_130 = vector.broadcast %jit3A_129 : f32 to vector<128x640xf32>
    %select_n3A_131 = arith.select %eq3A_128, %broadcast_in_dim3A_130, %select_n3A_115 : vector<128x640xi1>, vector<128x640xf32>
    %reduce_min3A_132 = arith.constant dense<0x7F800000> : vector<128xf32>
    %reduce_min3A_133 = vector.multi_reduction <minimumf>, %select_n3A_131, %reduce_min3A_132 [1] : vector<128x640xf32> to vector<128xf32>
    %broadcast_in_dim3A_134 = vector.shape_cast %reduce_min3A_133 : vector<128xf32> to vector<128x1xf32>
    %le3A_135 = vector.broadcast %broadcast_in_dim3A_134 : vector<128x1xf32> to vector<128x640xf32>
    %le3A_136 = arith.cmpf ole, %select_n3A_131, %le3A_135 : vector<128x640xf32>
    %jit3A_137 = arith.constant 640 : i32
    %broadcast_in_dim3A_138 = vector.broadcast %jit3A_137 : i32 to vector<128x640xi32>
    %select_n3A_139 = arith.select %le3A_136, %iota3A_44, %broadcast_in_dim3A_138 : vector<128x640xi1>, vector<128x640xi32>
    %reduce_min3A_140 = arith.constant dense<2147483647> : vector<128xi32>
    %reduce_min3A_141 = vector.multi_reduction <minsi>, %select_n3A_139, %reduce_min3A_140 [1] : vector<128x640xi32> to vector<128xi32>
    %broadcast_in_dim3A_142 = vector.shape_cast %reduce_min3A_141 : vector<128xi32> to vector<128x1xi32>
    %eq3A_143 = vector.broadcast %broadcast_in_dim3A_142 : vector<128x1xi32> to vector<128x640xi32>
    %eq3A_144 = arith.cmpi eq, %iota3A_44, %eq3A_143 : vector<128x640xi32>
    %jit3A_145 = arith.constant 3.000000e+10 : f32
    %broadcast_in_dim3A_146 = vector.broadcast %jit3A_145 : f32 to vector<128x640xf32>
    %select_n3A_147 = arith.select %eq3A_144, %broadcast_in_dim3A_146, %select_n3A_131 : vector<128x640xi1>, vector<128x640xf32>
    %reduce_min3A_148 = arith.constant dense<0x7F800000> : vector<128xf32>
    %reduce_min3A_149 = vector.multi_reduction <minimumf>, %select_n3A_147, %reduce_min3A_148 [1] : vector<128x640xf32> to vector<128xf32>
    %broadcast_in_dim3A_150 = vector.shape_cast %reduce_min3A_149 : vector<128xf32> to vector<128x1xf32>
    %le3A_151 = vector.broadcast %broadcast_in_dim3A_150 : vector<128x1xf32> to vector<128x640xf32>
    %le3A_152 = arith.cmpf ole, %select_n3A_147, %le3A_151 : vector<128x640xf32>
    %jit3A_153 = arith.constant 640 : i32
    %broadcast_in_dim3A_154 = vector.broadcast %jit3A_153 : i32 to vector<128x640xi32>
    %select_n3A_155 = arith.select %le3A_152, %iota3A_44, %broadcast_in_dim3A_154 : vector<128x640xi1>, vector<128x640xi32>
    %reduce_min3A_156 = arith.constant dense<2147483647> : vector<128xi32>
    %reduce_min3A_157 = vector.multi_reduction <minsi>, %select_n3A_155, %reduce_min3A_156 [1] : vector<128x640xi32> to vector<128xi32>
    %broadcast_in_dim3A_158 = vector.shape_cast %reduce_min3A_157 : vector<128xi32> to vector<128x1xi32>
    %eq3A_159 = vector.broadcast %broadcast_in_dim3A_158 : vector<128x1xi32> to vector<128x640xi32>
    %eq3A_160 = arith.cmpi eq, %iota3A_44, %eq3A_159 : vector<128x640xi32>
    %jit3A_161 = arith.constant 3.000000e+10 : f32
    %broadcast_in_dim3A_162 = vector.broadcast %jit3A_161 : f32 to vector<128x640xf32>
    %select_n3A_163 = arith.select %eq3A_160, %broadcast_in_dim3A_162, %select_n3A_147 : vector<128x640xi1>, vector<128x640xf32>
    %reduce_min3A_164 = arith.constant dense<0x7F800000> : vector<128xf32>
    %reduce_min3A_165 = vector.multi_reduction <minimumf>, %select_n3A_163, %reduce_min3A_164 [1] : vector<128x640xf32> to vector<128xf32>
    %broadcast_in_dim3A_166 = vector.shape_cast %reduce_min3A_165 : vector<128xf32> to vector<128x1xf32>
    %le3A_167 = vector.broadcast %broadcast_in_dim3A_166 : vector<128x1xf32> to vector<128x640xf32>
    %le3A_168 = arith.cmpf ole, %select_n3A_163, %le3A_167 : vector<128x640xf32>
    %jit3A_169 = arith.constant 640 : i32
    %broadcast_in_dim3A_170 = vector.broadcast %jit3A_169 : i32 to vector<128x640xi32>
    %select_n3A_171 = arith.select %le3A_168, %iota3A_44, %broadcast_in_dim3A_170 : vector<128x640xi1>, vector<128x640xi32>
    %reduce_min3A_172 = arith.constant dense<2147483647> : vector<128xi32>
    %reduce_min3A_173 = vector.multi_reduction <minsi>, %select_n3A_171, %reduce_min3A_172 [1] : vector<128x640xi32> to vector<128xi32>
    %broadcast_in_dim3A_174 = vector.shape_cast %reduce_min3A_173 : vector<128xi32> to vector<128x1xi32>
    %eq3A_175 = vector.broadcast %broadcast_in_dim3A_174 : vector<128x1xi32> to vector<128x640xi32>
    %eq3A_176 = arith.cmpi eq, %iota3A_44, %eq3A_175 : vector<128x640xi32>
    %jit3A_177 = arith.constant 3.000000e+10 : f32
    %broadcast_in_dim3A_178 = vector.broadcast %jit3A_177 : f32 to vector<128x640xf32>
    %select_n3A_179 = arith.select %eq3A_176, %broadcast_in_dim3A_178, %select_n3A_163 : vector<128x640xi1>, vector<128x640xf32>
    %reduce_min3A_180 = arith.constant dense<0x7F800000> : vector<128xf32>
    %reduce_min3A_181 = vector.multi_reduction <minimumf>, %select_n3A_179, %reduce_min3A_180 [1] : vector<128x640xf32> to vector<128xf32>
    %broadcast_in_dim3A_182 = vector.shape_cast %reduce_min3A_181 : vector<128xf32> to vector<128x1xf32>
    %le3A_183 = vector.broadcast %broadcast_in_dim3A_182 : vector<128x1xf32> to vector<128x640xf32>
    %le3A_184 = arith.cmpf ole, %select_n3A_179, %le3A_183 : vector<128x640xf32>
    %jit3A_185 = arith.constant 640 : i32
    %broadcast_in_dim3A_186 = vector.broadcast %jit3A_185 : i32 to vector<128x640xi32>
    %select_n3A_187 = arith.select %le3A_184, %iota3A_44, %broadcast_in_dim3A_186 : vector<128x640xi1>, vector<128x640xi32>
    %reduce_min3A_188 = arith.constant dense<2147483647> : vector<128xi32>
    %reduce_min3A_189 = vector.multi_reduction <minsi>, %select_n3A_187, %reduce_min3A_188 [1] : vector<128x640xi32> to vector<128xi32>
    %broadcast_in_dim3A_190 = vector.shape_cast %reduce_min3A_189 : vector<128xi32> to vector<128x1xi32>
    %eq3A_191 = vector.broadcast %broadcast_in_dim3A_190 : vector<128x1xi32> to vector<128x640xi32>
    %eq3A_192 = arith.cmpi eq, %iota3A_44, %eq3A_191 : vector<128x640xi32>
    %jit3A_193 = arith.constant 3.000000e+10 : f32
    %broadcast_in_dim3A_194 = vector.broadcast %jit3A_193 : f32 to vector<128x640xf32>
    %select_n3A_195 = arith.select %eq3A_192, %broadcast_in_dim3A_194, %select_n3A_179 : vector<128x640xi1>, vector<128x640xf32>
    %reduce_min3A_196 = arith.constant dense<0x7F800000> : vector<128xf32>
    %reduce_min3A_197 = vector.multi_reduction <minimumf>, %select_n3A_195, %reduce_min3A_196 [1] : vector<128x640xf32> to vector<128xf32>
    %broadcast_in_dim3A_198 = vector.shape_cast %reduce_min3A_197 : vector<128xf32> to vector<128x1xf32>
    %le3A_199 = vector.broadcast %broadcast_in_dim3A_198 : vector<128x1xf32> to vector<128x640xf32>
    %le3A_200 = arith.cmpf ole, %select_n3A_195, %le3A_199 : vector<128x640xf32>
    %jit3A_201 = arith.constant 640 : i32
    %broadcast_in_dim3A_202 = vector.broadcast %jit3A_201 : i32 to vector<128x640xi32>
    %select_n3A_203 = arith.select %le3A_200, %iota3A_44, %broadcast_in_dim3A_202 : vector<128x640xi1>, vector<128x640xi32>
    %reduce_min3A_204 = arith.constant dense<2147483647> : vector<128xi32>
    %reduce_min3A_205 = vector.multi_reduction <minsi>, %select_n3A_203, %reduce_min3A_204 [1] : vector<128x640xi32> to vector<128xi32>
    %broadcast_in_dim3A_206 = vector.shape_cast %reduce_min3A_205 : vector<128xi32> to vector<128x1xi32>
    %eq3A_207 = vector.broadcast %broadcast_in_dim3A_206 : vector<128x1xi32> to vector<128x640xi32>
    %eq3A_208 = arith.cmpi eq, %iota3A_44, %eq3A_207 : vector<128x640xi32>
    %jit3A_209 = arith.constant 3.000000e+10 : f32
    %broadcast_in_dim3A_210 = vector.broadcast %jit3A_209 : f32 to vector<128x640xf32>
    %select_n3A_211 = arith.select %eq3A_208, %broadcast_in_dim3A_210, %select_n3A_195 : vector<128x640xi1>, vector<128x640xf32>
    %reduce_min3A_212 = arith.constant dense<0x7F800000> : vector<128xf32>
    %reduce_min3A_213 = vector.multi_reduction <minimumf>, %select_n3A_211, %reduce_min3A_212 [1] : vector<128x640xf32> to vector<128xf32>
    %broadcast_in_dim3A_214 = vector.shape_cast %reduce_min3A_213 : vector<128xf32> to vector<128x1xf32>
    %le3A_215 = vector.broadcast %broadcast_in_dim3A_214 : vector<128x1xf32> to vector<128x640xf32>
    %le3A_216 = arith.cmpf ole, %select_n3A_211, %le3A_215 : vector<128x640xf32>
    %jit3A_217 = arith.constant 640 : i32
    %broadcast_in_dim3A_218 = vector.broadcast %jit3A_217 : i32 to vector<128x640xi32>
    %select_n3A_219 = arith.select %le3A_216, %iota3A_44, %broadcast_in_dim3A_218 : vector<128x640xi1>, vector<128x640xi32>
    %reduce_min3A_220 = arith.constant dense<2147483647> : vector<128xi32>
    %reduce_min3A_221 = vector.multi_reduction <minsi>, %select_n3A_219, %reduce_min3A_220 [1] : vector<128x640xi32> to vector<128xi32>
    %broadcast_in_dim3A_222 = vector.shape_cast %reduce_min3A_221 : vector<128xi32> to vector<128x1xi32>
    %eq3A_223 = vector.broadcast %broadcast_in_dim3A_222 : vector<128x1xi32> to vector<128x640xi32>
    %eq3A_224 = arith.cmpi eq, %iota3A_44, %eq3A_223 : vector<128x640xi32>
    %jit3A_225 = arith.constant 3.000000e+10 : f32
    %broadcast_in_dim3A_226 = vector.broadcast %jit3A_225 : f32 to vector<128x640xf32>
    %select_n3A_227 = arith.select %eq3A_224, %broadcast_in_dim3A_226, %select_n3A_211 : vector<128x640xi1>, vector<128x640xf32>
    %reduce_min3A_228 = arith.constant dense<0x7F800000> : vector<128xf32>
    %reduce_min3A_229 = vector.multi_reduction <minimumf>, %select_n3A_227, %reduce_min3A_228 [1] : vector<128x640xf32> to vector<128xf32>
    %broadcast_in_dim3A_230 = vector.shape_cast %reduce_min3A_229 : vector<128xf32> to vector<128x1xf32>
    %le3A_231 = vector.broadcast %broadcast_in_dim3A_230 : vector<128x1xf32> to vector<128x640xf32>
    %le3A_232 = arith.cmpf ole, %select_n3A_227, %le3A_231 : vector<128x640xf32>
    %jit3A_233 = arith.constant 640 : i32
    %broadcast_in_dim3A_234 = vector.broadcast %jit3A_233 : i32 to vector<128x640xi32>
    %select_n3A_235 = arith.select %le3A_232, %iota3A_44, %broadcast_in_dim3A_234 : vector<128x640xi1>, vector<128x640xi32>
    %reduce_min3A_236 = arith.constant dense<2147483647> : vector<128xi32>
    %reduce_min3A_237 = vector.multi_reduction <minsi>, %select_n3A_235, %reduce_min3A_236 [1] : vector<128x640xi32> to vector<128xi32>
    %broadcast_in_dim3A_238 = vector.shape_cast %reduce_min3A_237 : vector<128xi32> to vector<128x1xi32>
    %eq3A_239 = vector.broadcast %broadcast_in_dim3A_238 : vector<128x1xi32> to vector<128x640xi32>
    %eq3A_240 = arith.cmpi eq, %iota3A_44, %eq3A_239 : vector<128x640xi32>
    %jit3A_241 = arith.constant 3.000000e+10 : f32
    %broadcast_in_dim3A_242 = vector.broadcast %jit3A_241 : f32 to vector<128x640xf32>
    %select_n3A_243 = arith.select %eq3A_240, %broadcast_in_dim3A_242, %select_n3A_227 : vector<128x640xi1>, vector<128x640xf32>
    %reduce_min3A_244 = arith.constant dense<0x7F800000> : vector<128xf32>
    %reduce_min3A_245 = vector.multi_reduction <minimumf>, %select_n3A_243, %reduce_min3A_244 [1] : vector<128x640xf32> to vector<128xf32>
    %broadcast_in_dim3A_246 = vector.shape_cast %reduce_min3A_245 : vector<128xf32> to vector<128x1xf32>
    %le3A_247 = vector.broadcast %broadcast_in_dim3A_246 : vector<128x1xf32> to vector<128x640xf32>
    %le3A_248 = arith.cmpf ole, %select_n3A_243, %le3A_247 : vector<128x640xf32>
    %jit3A_249 = arith.constant 640 : i32
    %broadcast_in_dim3A_250 = vector.broadcast %jit3A_249 : i32 to vector<128x640xi32>
    %select_n3A_251 = arith.select %le3A_248, %iota3A_44, %broadcast_in_dim3A_250 : vector<128x640xi1>, vector<128x640xi32>
    %reduce_min3A_252 = arith.constant dense<2147483647> : vector<128xi32>
    %reduce_min3A_253 = vector.multi_reduction <minsi>, %select_n3A_251, %reduce_min3A_252 [1] : vector<128x640xi32> to vector<128xi32>
    %broadcast_in_dim3A_254 = vector.shape_cast %reduce_min3A_253 : vector<128xi32> to vector<128x1xi32>
    %eq3A_255 = vector.broadcast %broadcast_in_dim3A_254 : vector<128x1xi32> to vector<128x640xi32>
    %eq3A_256 = arith.cmpi eq, %iota3A_44, %eq3A_255 : vector<128x640xi32>
    %jit3A_257 = arith.constant 3.000000e+10 : f32
    %broadcast_in_dim3A_258 = vector.broadcast %jit3A_257 : f32 to vector<128x640xf32>
    %select_n3A_259 = arith.select %eq3A_256, %broadcast_in_dim3A_258, %select_n3A_243 : vector<128x640xi1>, vector<128x640xf32>
    %reduce_min3A_260 = arith.constant dense<0x7F800000> : vector<128xf32>
    %reduce_min3A_261 = vector.multi_reduction <minimumf>, %select_n3A_259, %reduce_min3A_260 [1] : vector<128x640xf32> to vector<128xf32>
    %broadcast_in_dim3A_262 = vector.shape_cast %reduce_min3A_261 : vector<128xf32> to vector<128x1xf32>
    %le3A_263 = vector.broadcast %broadcast_in_dim3A_262 : vector<128x1xf32> to vector<128x640xf32>
    %le3A_264 = arith.cmpf ole, %select_n3A_259, %le3A_263 : vector<128x640xf32>
    %jit3A_265 = arith.constant 640 : i32
    %broadcast_in_dim3A_266 = vector.broadcast %jit3A_265 : i32 to vector<128x640xi32>
    %select_n3A_267 = arith.select %le3A_264, %iota3A_44, %broadcast_in_dim3A_266 : vector<128x640xi1>, vector<128x640xi32>
    %reduce_min3A_268 = arith.constant dense<2147483647> : vector<128xi32>
    %reduce_min3A_269 = vector.multi_reduction <minsi>, %select_n3A_267, %reduce_min3A_268 [1] : vector<128x640xi32> to vector<128xi32>
    %broadcast_in_dim3A_270 = vector.shape_cast %reduce_min3A_269 : vector<128xi32> to vector<128x1xi32>
    %eq3A_271 = vector.broadcast %broadcast_in_dim3A_270 : vector<128x1xi32> to vector<128x640xi32>
    %eq3A_272 = arith.cmpi eq, %iota3A_44, %eq3A_271 : vector<128x640xi32>
    %jit3A_273 = arith.constant 3.000000e+10 : f32
    %broadcast_in_dim3A_274 = vector.broadcast %jit3A_273 : f32 to vector<128x640xf32>
    %select_n3A_275 = arith.select %eq3A_272, %broadcast_in_dim3A_274, %select_n3A_259 : vector<128x640xi1>, vector<128x640xf32>
    %reduce_min3A_276 = arith.constant dense<0x7F800000> : vector<128xf32>
    %reduce_min3A_277 = vector.multi_reduction <minimumf>, %select_n3A_275, %reduce_min3A_276 [1] : vector<128x640xf32> to vector<128xf32>
    %broadcast_in_dim3A_278 = vector.shape_cast %reduce_min3A_277 : vector<128xf32> to vector<128x1xf32>
    %le3A_279 = vector.broadcast %broadcast_in_dim3A_278 : vector<128x1xf32> to vector<128x640xf32>
    %le3A_280 = arith.cmpf ole, %select_n3A_275, %le3A_279 : vector<128x640xf32>
    %jit3A_281 = arith.constant 640 : i32
    %broadcast_in_dim3A_282 = vector.broadcast %jit3A_281 : i32 to vector<128x640xi32>
    %select_n3A_283 = arith.select %le3A_280, %iota3A_44, %broadcast_in_dim3A_282 : vector<128x640xi1>, vector<128x640xi32>
    %reduce_min3A_284 = arith.constant dense<2147483647> : vector<128xi32>
    %reduce_min3A_285 = vector.multi_reduction <minsi>, %select_n3A_283, %reduce_min3A_284 [1] : vector<128x640xi32> to vector<128xi32>
    %broadcast_in_dim3A_286 = vector.shape_cast %reduce_min3A_285 : vector<128xi32> to vector<128x1xi32>
    %eq3A_287 = vector.broadcast %broadcast_in_dim3A_286 : vector<128x1xi32> to vector<128x640xi32>
    %eq3A_288 = arith.cmpi eq, %iota3A_44, %eq3A_287 : vector<128x640xi32>
    %jit3A_289 = arith.constant 3.000000e+10 : f32
    %broadcast_in_dim3A_290 = vector.broadcast %jit3A_289 : f32 to vector<128x640xf32>
    %select_n3A_291 = arith.select %eq3A_288, %broadcast_in_dim3A_290, %select_n3A_275 : vector<128x640xi1>, vector<128x640xf32>
    %reduce_min3A_292 = arith.constant dense<0x7F800000> : vector<128xf32>
    %reduce_min3A_293 = vector.multi_reduction <minimumf>, %select_n3A_291, %reduce_min3A_292 [1] : vector<128x640xf32> to vector<128xf32>
    %broadcast_in_dim3A_294 = vector.shape_cast %reduce_min3A_293 : vector<128xf32> to vector<128x1xf32>
    %le3A_295 = vector.broadcast %broadcast_in_dim3A_294 : vector<128x1xf32> to vector<128x640xf32>
    %le3A_296 = arith.cmpf ole, %select_n3A_291, %le3A_295 : vector<128x640xf32>
    %jit3A_297 = arith.constant 640 : i32
    %broadcast_in_dim3A_298 = vector.broadcast %jit3A_297 : i32 to vector<128x640xi32>
    %select_n3A_299 = arith.select %le3A_296, %iota3A_44, %broadcast_in_dim3A_298 : vector<128x640xi1>, vector<128x640xi32>
    %reduce_min3A_300 = arith.constant dense<2147483647> : vector<128xi32>
    %reduce_min3A_301 = vector.multi_reduction <minsi>, %select_n3A_299, %reduce_min3A_300 [1] : vector<128x640xi32> to vector<128xi32>
    %broadcast_in_dim3A_302 = vector.shape_cast %reduce_min3A_301 : vector<128xi32> to vector<128x1xi32>
    %concatenate3A = tpu.concatenate %broadcast_in_dim3A_62, %broadcast_in_dim3A_78, %broadcast_in_dim3A_94, %broadcast_in_dim3A_110, %broadcast_in_dim3A_126, %broadcast_in_dim3A_142, %broadcast_in_dim3A_158, %broadcast_in_dim3A_174, %broadcast_in_dim3A_190, %broadcast_in_dim3A_206, %broadcast_in_dim3A_222, %broadcast_in_dim3A_238, %broadcast_in_dim3A_254, %broadcast_in_dim3A_270, %broadcast_in_dim3A_286, %broadcast_in_dim3A_302 in 1 : vector<128x1xi32>, vector<128x1xi32>, vector<128x1xi32>, vector<128x1xi32>, vector<128x1xi32>, vector<128x1xi32>, vector<128x1xi32>, vector<128x1xi32>, vector<128x1xi32>, vector<128x1xi32>, vector<128x1xi32>, vector<128x1xi32>, vector<128x1xi32>, vector<128x1xi32>, vector<128x1xi32>, vector<128x1xi32> -> vector<128x16xi32>
    %swap3A = arith.constant 0 : index
    %swap3A_303 = arith.constant 0 : index
    %swap3A_304 = vector.load %arg6[%swap3A, %swap3A_303] : memref<128x16xi32, #tpu.memory_space<vmem>>, vector<128x16xi32>
    tpu.vector_store %arg6[%swap3A, %swap3A_303], %concatenate3A {strides = array<i32>} : memref<128x16xi32, #tpu.memory_space<vmem>>, vector<128x16xi32>,
    return
  }
  func.func @transform_0(%arg0: i32, %arg1: i32) -> (i32, i32, i32) {
    %c0_i32 = arith.constant 0 : i32
    %c0_i32_0 = arith.constant 0 : i32
    return %arg0, %arg1, %c0_i32 : i32, i32, i32
  }
  func.func @transform_1(%arg0: i32, %arg1: i32) -> (i32, i32, i32) {
    %c0_i32 = arith.constant 0 : i32
    %c0_i32_0 = arith.constant 0 : i32
    %c0_i32_1 = arith.constant 0 : i32
    return %arg0, %c0_i32, %c0_i32_0 : i32, i32, i32
  }
  func.func @transform_2(%arg0: i32, %arg1: i32) -> (i32, i32, i32) {
    %c0_i32 = arith.constant 0 : i32
    %c0_i32_0 = arith.constant 0 : i32
    return %arg0, %arg1, %c0_i32 : i32, i32, i32
  }
  func.func @transform_3(%arg0: i32, %arg1: i32) -> (i32, i32, i32) {
    %c0_i32 = arith.constant 0 : i32
    %c0_i32_0 = arith.constant 0 : i32
    %c0_i32_1 = arith.constant 0 : i32
    return %arg0, %c0_i32, %c0_i32_0 : i32, i32, i32
  }
  func.func @transform_4(%arg0: i32, %arg1: i32) -> (i32, i32) {
    %mul3A = arith.constant 5 : i32
    %mul3A_0 = arith.muli %arg0, %mul3A : i32
    %add3A = arith.addi %mul3A_0, %arg1 : i32
    %c0_i32 = arith.constant 0 : i32
    %c0_i32_1 = arith.constant 0 : i32
    return %add3A, %c0_i32 : i32, i32
  }
}

module attributes {stable_mosaic.version = 14 : i64} {
  func.func @_node_body(%arg0: i32, %arg1: memref<128x8xf32, #tpu.memory_space<vmem>>, %arg2: memref<128x16xf32, #tpu.memory_space<vmem>>, %arg3: memref<128x16xf32, #tpu.memory_space<vmem>>, %arg4: memref<3x16xf32, #tpu.memory_space<vmem>>, %arg5: memref<16x16xf32, #tpu.memory_space<vmem>>, %arg6: memref<7x128xf32, #tpu.memory_space<vmem>>, %arg7: memref<16x128xf32, #tpu.memory_space<vmem>>, %arg8: memref<1x128xf32, #tpu.memory_space<vmem>>, %arg9: memref<128x16xf32, #tpu.memory_space<vmem>>, %arg10: memref<1x16xf32, #tpu.memory_space<vmem>>, %arg11: memref<1x128xf32, #tpu.memory_space<vmem>>, %arg12: memref<1x128xf32, #tpu.memory_space<vmem>>, %arg13: memref<128x256xf32, #tpu.memory_space<vmem>>, %arg14: memref<128x128xf32, #tpu.memory_space<vmem>>) attributes {dimension_semantics = [#tpu.dimension_semantics<arbitrary>], iteration_bounds = array<i64: 80>, scalar_prefetch = 0 : i64, scratch_operands = 0 : i64, tpu.core_type = #tpu.core_type<tc>, window_params = [{transform_indices = @transform_0, window_bounds = array<i64: 128, 8>}, {transform_indices = @transform_1, window_bounds = array<i64: 128, 16>}, {transform_indices = @transform_2, window_bounds = array<i64: 128, 16>}, {pipeline_mode = #tpu.pipeline_mode<synchronous>, transform_indices = @transform_3, window_bounds = array<i64: 3, 16>}, {pipeline_mode = #tpu.pipeline_mode<synchronous>, transform_indices = @transform_4, window_bounds = array<i64: 16, 16>}, {pipeline_mode = #tpu.pipeline_mode<synchronous>, transform_indices = @transform_5, window_bounds = array<i64: 7, 128>}, {pipeline_mode = #tpu.pipeline_mode<synchronous>, transform_indices = @transform_6, window_bounds = array<i64: 16, 128>}, {pipeline_mode = #tpu.pipeline_mode<synchronous>, transform_indices = @transform_7, window_bounds = array<i64: 1, 128>}, {pipeline_mode = #tpu.pipeline_mode<synchronous>, transform_indices = @transform_8, window_bounds = array<i64: 128, 16>}, {pipeline_mode = #tpu.pipeline_mode<synchronous>, transform_indices = @transform_9, window_bounds = array<i64: 1, 16>}, {pipeline_mode = #tpu.pipeline_mode<synchronous>, transform_indices = @transform_10, window_bounds = array<i64: 1, 128>}, {pipeline_mode = #tpu.pipeline_mode<synchronous>, transform_indices = @transform_11, window_bounds = array<i64: 1, 128>}, {transform_indices = @transform_12, window_bounds = array<i64: 128, 256>}, {transform_indices = @transform_13, window_bounds = array<i64: 128, 128>}]} {
    %get3A = arith.constant 0 : index
    %get3A_0 = arith.constant 0 : index
    %get3A_1 = vector.load %arg1[%get3A, %get3A_0] : memref<128x8xf32, #tpu.memory_space<vmem>>, vector<128x8xf32>
    %slice3A = vector.extract_strided_slice %get3A_1 {offsets = [0, 0], sizes = [128, 7], strides = [1, 1]} : vector<128x8xf32> to vector<128x7xf32>
    %get3A_2 = arith.constant 0 : index
    %get3A_3 = arith.constant 0 : index
    %get3A_4 = vector.load %arg2[%get3A_2, %get3A_3] : memref<128x16xf32, #tpu.memory_space<vmem>>, vector<128x16xf32>
    %slice3A_5 = vector.extract_strided_slice %get3A_4 {offsets = [0, 0], sizes = [128, 3], strides = [1, 1]} : vector<128x16xf32> to vector<128x3xf32>
    %get3A_6 = arith.constant 0 : index
    %get3A_7 = arith.constant 0 : index
    %get3A_8 = vector.load %arg2[%get3A_6, %get3A_7] : memref<128x16xf32, #tpu.memory_space<vmem>>, vector<128x16xf32>
    %slice3A_9 = vector.extract_strided_slice %get3A_8 {offsets = [0, 3], sizes = [128, 3], strides = [1, 1]} : vector<128x16xf32> to vector<128x3xf32>
    %get3A_10 = arith.constant 0 : index
    %get3A_11 = arith.constant 0 : index
    %get3A_12 = vector.load %arg2[%get3A_10, %get3A_11] : memref<128x16xf32, #tpu.memory_space<vmem>>, vector<128x16xf32>
    %slice3A_13 = vector.extract_strided_slice %get3A_12 {offsets = [0, 6], sizes = [128, 3], strides = [1, 1]} : vector<128x16xf32> to vector<128x3xf32>
    %get3A_14 = arith.constant 0 : index
    %get3A_15 = arith.constant 0 : index
    %get3A_16 = vector.load %arg4[%get3A_14, %get3A_15] : memref<3x16xf32, #tpu.memory_space<vmem>>, vector<3x16xf32>
    %dot_general3A = arith.constant dense<0.000000e+00> : vector<128x16xf32>
    %dot_general3A_17 = tpu.matmul %slice3A_5, %get3A_16, %dot_general3A {dimension_numbers = #tpu.dot_dimension_numbers<[1], [0], [0], [1], [0, 0, 1, 1], [], []>, transpose_lhs_hint = false} : vector<128x3xf32>, vector<3x16xf32>, vector<128x16xf32> -> vector<128x16xf32>
    %get3A_18 = arith.constant 0 : index
    %get3A_19 = arith.constant 0 : index
    %get3A_20 = vector.load %arg4[%get3A_18, %get3A_19] : memref<3x16xf32, #tpu.memory_space<vmem>>, vector<3x16xf32>
    %dot_general3A_21 = arith.constant dense<0.000000e+00> : vector<128x16xf32>
    %dot_general3A_22 = tpu.matmul %slice3A_9, %get3A_20, %dot_general3A_21 {dimension_numbers = #tpu.dot_dimension_numbers<[1], [0], [0], [1], [0, 0, 1, 1], [], []>, transpose_lhs_hint = false} : vector<128x3xf32>, vector<3x16xf32>, vector<128x16xf32> -> vector<128x16xf32>
    %get3A_23 = arith.constant 0 : index
    %get3A_24 = arith.constant 0 : index
    %get3A_25 = vector.load %arg4[%get3A_23, %get3A_24] : memref<3x16xf32, #tpu.memory_space<vmem>>, vector<3x16xf32>
    %dot_general3A_26 = arith.constant dense<0.000000e+00> : vector<128x16xf32>
    %dot_general3A_27 = tpu.matmul %slice3A_13, %get3A_25, %dot_general3A_26 {dimension_numbers = #tpu.dot_dimension_numbers<[1], [0], [0], [1], [0, 0, 1, 1], [], []>, transpose_lhs_hint = false} : vector<128x3xf32>, vector<3x16xf32>, vector<128x16xf32> -> vector<128x16xf32>
    %mul3A = arith.mulf %dot_general3A_17, %dot_general3A_17 : vector<128x16xf32>
    %mul3A_28 = arith.mulf %dot_general3A_22, %dot_general3A_22 : vector<128x16xf32>
    %add3A = arith.addf %mul3A, %mul3A_28 : vector<128x16xf32>
    %mul3A_29 = arith.mulf %dot_general3A_27, %dot_general3A_27 : vector<128x16xf32>
    %add3A_30 = arith.addf %add3A, %mul3A_29 : vector<128x16xf32>
    %add3A_31 = arith.constant 9.99999993E-9 : f32
    %add3A_32 = vector.broadcast %add3A_31 : f32 to vector<128x16xf32>
    %add3A_33 = arith.addf %add3A_30, %add3A_32 : vector<128x16xf32>
    %sqrt3A = math.sqrt %add3A_33 : vector<128x16xf32>
    %get3A_34 = arith.constant 0 : index
    %get3A_35 = arith.constant 0 : index
    %get3A_36 = vector.load %arg6[%get3A_34, %get3A_35] : memref<7x128xf32, #tpu.memory_space<vmem>>, vector<7x128xf32>
    %dot_general3A_37 = arith.constant dense<0.000000e+00> : vector<128x128xf32>
    %dot_general3A_38 = tpu.matmul %slice3A, %get3A_36, %dot_general3A_37 {dimension_numbers = #tpu.dot_dimension_numbers<[1], [0], [0], [1], [0, 0, 1, 1], [], []>, transpose_lhs_hint = false} : vector<128x7xf32>, vector<7x128xf32>, vector<128x128xf32> -> vector<128x128xf32>
    %get3A_39 = arith.constant 0 : index
    %get3A_40 = arith.constant 0 : index
    %get3A_41 = vector.load %arg7[%get3A_39, %get3A_40] : memref<16x128xf32, #tpu.memory_space<vmem>>, vector<16x128xf32>
    %dot_general3A_42 = arith.constant dense<0.000000e+00> : vector<128x128xf32>
    %dot_general3A_43 = tpu.matmul %sqrt3A, %get3A_41, %dot_general3A_42 {dimension_numbers = #tpu.dot_dimension_numbers<[1], [0], [0], [1], [0, 0, 1, 1], [], []>, transpose_lhs_hint = false} : vector<128x16xf32>, vector<16x128xf32>, vector<128x128xf32> -> vector<128x128xf32>
    %add3A_44 = arith.addf %dot_general3A_38, %dot_general3A_43 : vector<128x128xf32>
    %get3A_45 = arith.constant 0 : index
    %get3A_46 = arith.constant 0 : index
    %get3A_47 = vector.load %arg8[%get3A_45, %get3A_46] : memref<1x128xf32, #tpu.memory_space<vmem>>, vector<1x128xf32>
    %add3A_48 = vector.broadcast %get3A_47 : vector<1x128xf32> to vector<128x128xf32>
    %add3A_49 = arith.addf %add3A_44, %add3A_48 : vector<128x128xf32>
    %get3A_50 = arith.constant 0 : index
    %get3A_51 = arith.constant 0 : index
    %get3A_52 = vector.load %arg5[%get3A_50, %get3A_51] : memref<16x16xf32, #tpu.memory_space<vmem>>, vector<16x16xf32>
    %dot_general3A_53 = arith.constant dense<0.000000e+00> : vector<128x16xf32>
    %dot_general3A_54 = tpu.matmul %dot_general3A_17, %get3A_52, %dot_general3A_53 {dimension_numbers = #tpu.dot_dimension_numbers<[1], [0], [0], [1], [0, 0, 1, 1], [], []>, transpose_lhs_hint = false} : vector<128x16xf32>, vector<16x16xf32>, vector<128x16xf32> -> vector<128x16xf32>
    %get3A_55 = arith.constant 0 : index
    %get3A_56 = arith.constant 0 : index
    %get3A_57 = vector.load %arg5[%get3A_55, %get3A_56] : memref<16x16xf32, #tpu.memory_space<vmem>>, vector<16x16xf32>
    %dot_general3A_58 = arith.constant dense<0.000000e+00> : vector<128x16xf32>
    %dot_general3A_59 = tpu.matmul %dot_general3A_22, %get3A_57, %dot_general3A_58 {dimension_numbers = #tpu.dot_dimension_numbers<[1], [0], [0], [1], [0, 0, 1, 1], [], []>, transpose_lhs_hint = false} : vector<128x16xf32>, vector<16x16xf32>, vector<128x16xf32> -> vector<128x16xf32>
    %get3A_60 = arith.constant 0 : index
    %get3A_61 = arith.constant 0 : index
    %get3A_62 = vector.load %arg5[%get3A_60, %get3A_61] : memref<16x16xf32, #tpu.memory_space<vmem>>, vector<16x16xf32>
    %dot_general3A_63 = arith.constant dense<0.000000e+00> : vector<128x16xf32>
    %dot_general3A_64 = tpu.matmul %dot_general3A_27, %get3A_62, %dot_general3A_63 {dimension_numbers = #tpu.dot_dimension_numbers<[1], [0], [0], [1], [0, 0, 1, 1], [], []>, transpose_lhs_hint = false} : vector<128x16xf32>, vector<16x16xf32>, vector<128x16xf32> -> vector<128x16xf32>
    %get3A_65 = arith.constant 0 : index
    %get3A_66 = arith.constant 0 : index
    %get3A_67 = vector.load %arg9[%get3A_65, %get3A_66] : memref<128x16xf32, #tpu.memory_space<vmem>>, vector<128x16xf32>
    %dot_general3A_68 = arith.constant dense<0.000000e+00> : vector<128x16xf32>
    %dot_general3A_69 = tpu.matmul %add3A_49, %get3A_67, %dot_general3A_68 {dimension_numbers = #tpu.dot_dimension_numbers<[1], [0], [0], [1], [0, 0, 1, 1], [], []>, transpose_lhs_hint = false} : vector<128x128xf32>, vector<128x16xf32>, vector<128x16xf32> -> vector<128x16xf32>
    %get3A_70 = arith.constant 0 : index
    %get3A_71 = arith.constant 0 : index
    %get3A_72 = vector.load %arg10[%get3A_70, %get3A_71] : memref<1x16xf32, #tpu.memory_space<vmem>>, vector<1x16xf32>
    %add3A_73 = vector.broadcast %get3A_72 : vector<1x16xf32> to vector<128x16xf32>
    %add3A_74 = arith.addf %dot_general3A_69, %add3A_73 : vector<128x16xf32>
    %logistic3A = arith.negf %add3A_74 : vector<128x16xf32>
    %logistic3A_75 = math.exp %logistic3A : vector<128x16xf32>
    %logistic3A_76 = arith.constant 1.000000e+00 : f32
    %logistic3A_77 = vector.broadcast %logistic3A_76 : f32 to vector<128x16xf32>
    %logistic3A_78 = arith.addf %logistic3A_77, %logistic3A_75 : vector<128x16xf32>
    %logistic3A_79 = arith.divf %logistic3A_77, %logistic3A_78 : vector<128x16xf32>
    %mul3A_80 = arith.mulf %dot_general3A_54, %logistic3A_79 : vector<128x16xf32>
    %mul3A_81 = arith.mulf %dot_general3A_59, %logistic3A_79 : vector<128x16xf32>
    %mul3A_82 = arith.mulf %dot_general3A_64, %logistic3A_79 : vector<128x16xf32>
    %get3A_83 = arith.constant 0 : index
    %get3A_84 = arith.constant 0 : index
    %get3A_85 = vector.load %arg11[%get3A_83, %get3A_84] : memref<1x128xf32, #tpu.memory_space<vmem>>, vector<1x128xf32>
    %get3A_86 = arith.constant 0 : index
    %get3A_87 = arith.constant 0 : index
    %get3A_88 = vector.load %arg12[%get3A_86, %get3A_87] : memref<1x128xf32, #tpu.memory_space<vmem>>, vector<1x128xf32>
    %reduce_sum3A = arith.constant dense<0.000000e+00> : vector<128xf32>
    %reduce_sum3A_89 = vector.multi_reduction <add>, %add3A_49, %reduce_sum3A [1] : vector<128x128xf32> to vector<128xf32>
    %broadcast_in_dim3A = vector.shape_cast %reduce_sum3A_89 : vector<128xf32> to vector<128x1xf32>
    %div3A = arith.constant 1.280000e+02 : f32
    %div3A_90 = vector.broadcast %div3A : f32 to vector<128x1xf32>
    %div3A_91 = arith.divf %broadcast_in_dim3A, %div3A_90 : vector<128x1xf32>
    %sub3A = vector.broadcast %div3A_91 : vector<128x1xf32> to vector<128x128xf32>
    %sub3A_92 = arith.subf %add3A_49, %sub3A : vector<128x128xf32>
    %mul3A_93 = arith.mulf %sub3A_92, %sub3A_92 : vector<128x128xf32>
    %reduce_sum3A_94 = arith.constant dense<0.000000e+00> : vector<128xf32>
    %reduce_sum3A_95 = vector.multi_reduction <add>, %mul3A_93, %reduce_sum3A_94 [1] : vector<128x128xf32> to vector<128xf32>
    %broadcast_in_dim3A_96 = vector.shape_cast %reduce_sum3A_95 : vector<128xf32> to vector<128x1xf32>
    %div3A_97 = arith.constant 1.280000e+02 : f32
    %div3A_98 = vector.broadcast %div3A_97 : f32 to vector<128x1xf32>
    %div3A_99 = arith.divf %broadcast_in_dim3A_96, %div3A_98 : vector<128x1xf32>
    %mul3A_100 = vector.broadcast %get3A_85 : vector<1x128xf32> to vector<128x128xf32>
    %mul3A_101 = arith.mulf %mul3A_100, %sub3A_92 : vector<128x128xf32>
    %add3A_102 = arith.constant 9.99999974E-5 : f32
    %add3A_103 = vector.broadcast %add3A_102 : f32 to vector<128x1xf32>
    %add3A_104 = arith.addf %div3A_99, %add3A_103 : vector<128x1xf32>
    %sqrt3A_105 = math.sqrt %add3A_104 : vector<128x1xf32>
    %div3A_106 = vector.broadcast %sqrt3A_105 : vector<128x1xf32> to vector<128x128xf32>
    %div3A_107 = arith.divf %mul3A_101, %div3A_106 : vector<128x128xf32>
    %add3A_108 = vector.broadcast %get3A_88 : vector<1x128xf32> to vector<128x128xf32>
    %add3A_109 = arith.addf %div3A_107, %add3A_108 : vector<128x128xf32>
    %mul3A_110 = arith.mulf %mul3A_80, %mul3A_80 : vector<128x16xf32>
    %mul3A_111 = arith.mulf %mul3A_81, %mul3A_81 : vector<128x16xf32>
    %add3A_112 = arith.addf %mul3A_110, %mul3A_111 : vector<128x16xf32>
    %mul3A_113 = arith.mulf %mul3A_82, %mul3A_82 : vector<128x16xf32>
    %add3A_114 = arith.addf %add3A_112, %mul3A_113 : vector<128x16xf32>
    %reduce_sum3A_115 = arith.constant dense<0.000000e+00> : vector<128xf32>
    %reduce_sum3A_116 = vector.multi_reduction <add>, %add3A_114, %reduce_sum3A_115 [1] : vector<128x16xf32> to vector<128xf32>
    %broadcast_in_dim3A_117 = vector.shape_cast %reduce_sum3A_116 : vector<128xf32> to vector<128x1xf32>
    %div3A_118 = arith.constant 1.600000e+01 : f32
    %div3A_119 = vector.broadcast %div3A_118 : f32 to vector<128x1xf32>
    %div3A_120 = arith.divf %broadcast_in_dim3A_117, %div3A_119 : vector<128x1xf32>
    %add3A_121 = arith.constant 9.99999974E-5 : f32
    %add3A_122 = vector.broadcast %add3A_121 : f32 to vector<128x1xf32>
    %add3A_123 = arith.addf %div3A_120, %add3A_122 : vector<128x1xf32>
    %sqrt3A_124 = math.sqrt %add3A_123 : vector<128x1xf32>
    %div3A_125 = vector.broadcast %sqrt3A_124 : vector<128x1xf32> to vector<128x16xf32>
    %div3A_126 = arith.divf %mul3A_80, %div3A_125 : vector<128x16xf32>
    %div3A_127 = vector.broadcast %sqrt3A_124 : vector<128x1xf32> to vector<128x16xf32>
    %div3A_128 = arith.divf %mul3A_81, %div3A_127 : vector<128x16xf32>
    %div3A_129 = vector.broadcast %sqrt3A_124 : vector<128x1xf32> to vector<128x16xf32>
    %div3A_130 = arith.divf %mul3A_82, %div3A_129 : vector<128x16xf32>
    %get3A_131 = arith.constant 0 : index
    %get3A_132 = arith.constant 0 : index
    %get3A_133 = vector.load %arg3[%get3A_131, %get3A_132] : memref<128x16xf32, #tpu.memory_space<vmem>>, vector<128x16xf32>
    %slice3A_134 = vector.extract_strided_slice %get3A_133 {offsets = [0, 0], sizes = [128, 3], strides = [1, 1]} : vector<128x16xf32> to vector<128x3xf32>
    %broadcast_in_dim3A_135 = arith.constant 0.000000e+00 : f32
    %broadcast_in_dim3A_136 = vector.broadcast %broadcast_in_dim3A_135 : f32 to vector<128x77xf32>
    %concatenate3A = tpu.concatenate %add3A_109, %div3A_126, %div3A_128, %div3A_130, %slice3A_134, %broadcast_in_dim3A_136 in 1 : vector<128x128xf32>, vector<128x16xf32>, vector<128x16xf32>, vector<128x16xf32>, vector<128x3xf32>, vector<128x77xf32> -> vector<128x256xf32>
    %swap3A = arith.constant 0 : index
    %swap3A_137 = arith.constant 0 : index
    %swap3A_138 = vector.load %arg13[%swap3A, %swap3A_137] : memref<128x256xf32, #tpu.memory_space<vmem>>, vector<128x256xf32>
    tpu.vector_store %arg13[%swap3A, %swap3A_137], %concatenate3A {strides = array<i32>} : memref<128x256xf32, #tpu.memory_space<vmem>>, vector<128x256xf32>,
    %convert_element_type3A = arith.truncf %add3A_109 : vector<128x128xf32> to vector<128x128xbf16>
    %convert_element_type3A_139 = arith.extf %convert_element_type3A : vector<128x128xbf16> to vector<128x128xf32>
    %bitcast_convert_type3A = tpu.bitcast %convert_element_type3A_139 : vector<128x128xf32> -> vector<128x128xi32>
    %slice3A_140 = vector.extract_strided_slice %bitcast_convert_type3A {offsets = [0, 0], sizes = [128, 64], strides = [1, 1]} : vector<128x128xi32> to vector<128x64xi32>
    %shift_right_logical3A = arith.constant 16 : i32
    %shift_right_logical3A_141 = vector.broadcast %shift_right_logical3A : i32 to vector<128x64xi32>
    %shift_right_logical3A_142 = arith.shrui %slice3A_140, %shift_right_logical3A_141 : vector<128x64xi32>
    %slice3A_143 = vector.extract_strided_slice %bitcast_convert_type3A {offsets = [0, 64], sizes = [128, 64], strides = [1, 1]} : vector<128x128xi32> to vector<128x64xi32>
    %or3A = arith.ori %shift_right_logical3A_142, %slice3A_143 : vector<128x64xi32>
    %bitcast_convert_type3A_144 = tpu.bitcast %or3A : vector<128x64xi32> -> vector<128x64xf32>
    %concatenate3A_145 = tpu.concatenate %div3A_126, %div3A_128, %div3A_130 in 1 : vector<128x16xf32>, vector<128x16xf32>, vector<128x16xf32> -> vector<128x48xf32>
    %convert_element_type3A_146 = arith.truncf %concatenate3A_145 : vector<128x48xf32> to vector<128x48xbf16>
    %convert_element_type3A_147 = arith.extf %convert_element_type3A_146 : vector<128x48xbf16> to vector<128x48xf32>
    %bitcast_convert_type3A_148 = tpu.bitcast %convert_element_type3A_147 : vector<128x48xf32> -> vector<128x48xi32>
    %slice3A_149 = vector.extract_strided_slice %bitcast_convert_type3A_148 {offsets = [0, 0], sizes = [128, 24], strides = [1, 1]} : vector<128x48xi32> to vector<128x24xi32>
    %shift_right_logical3A_150 = arith.constant 16 : i32
    %shift_right_logical3A_151 = vector.broadcast %shift_right_logical3A_150 : i32 to vector<128x24xi32>
    %shift_right_logical3A_152 = arith.shrui %slice3A_149, %shift_right_logical3A_151 : vector<128x24xi32>
    %slice3A_153 = vector.extract_strided_slice %bitcast_convert_type3A_148 {offsets = [0, 24], sizes = [128, 24], strides = [1, 1]} : vector<128x48xi32> to vector<128x24xi32>
    %or3A_154 = arith.ori %shift_right_logical3A_152, %slice3A_153 : vector<128x24xi32>
    %bitcast_convert_type3A_155 = tpu.bitcast %or3A_154 : vector<128x24xi32> -> vector<128x24xf32>
    %broadcast_in_dim3A_156 = arith.constant 0.000000e+00 : f32
    %broadcast_in_dim3A_157 = vector.broadcast %broadcast_in_dim3A_156 : f32 to vector<128x37xf32>
    %concatenate3A_158 = tpu.concatenate %bitcast_convert_type3A_144, %bitcast_convert_type3A_155, %slice3A_134, %broadcast_in_dim3A_157 in 1 : vector<128x64xf32>, vector<128x24xf32>, vector<128x3xf32>, vector<128x37xf32> -> vector<128x128xf32>
    %swap3A_159 = arith.constant 0 : index
    %swap3A_160 = arith.constant 0 : index
    %swap3A_161 = vector.load %arg14[%swap3A_159, %swap3A_160] : memref<128x128xf32, #tpu.memory_space<vmem>>, vector<128x128xf32>
    tpu.vector_store %arg14[%swap3A_159, %swap3A_160], %concatenate3A_158 {strides = array<i32>} : memref<128x128xf32, #tpu.memory_space<vmem>>, vector<128x128xf32>,
    return
  }
  func.func @transform_0(%arg0: i32) -> (i32, i32) {
    %c0_i32 = arith.constant 0 : i32
    %c0_i32_0 = arith.constant 0 : i32
    return %arg0, %c0_i32 : i32, i32
  }
  func.func @transform_1(%arg0: i32) -> (i32, i32) {
    %c0_i32 = arith.constant 0 : i32
    %c0_i32_0 = arith.constant 0 : i32
    return %arg0, %c0_i32 : i32, i32
  }
  func.func @transform_2(%arg0: i32) -> (i32, i32) {
    %c0_i32 = arith.constant 0 : i32
    %c0_i32_0 = arith.constant 0 : i32
    return %arg0, %c0_i32 : i32, i32
  }
  func.func @transform_3(%arg0: i32) -> (i32, i32) {
    %c0_i32 = arith.constant 0 : i32
    %c0_i32_0 = arith.constant 0 : i32
    %c0_i32_1 = arith.constant 0 : i32
    return %c0_i32, %c0_i32_0 : i32, i32
  }
  func.func @transform_4(%arg0: i32) -> (i32, i32) {
    %c0_i32 = arith.constant 0 : i32
    %c0_i32_0 = arith.constant 0 : i32
    %c0_i32_1 = arith.constant 0 : i32
    return %c0_i32, %c0_i32_0 : i32, i32
  }
  func.func @transform_5(%arg0: i32) -> (i32, i32) {
    %c0_i32 = arith.constant 0 : i32
    %c0_i32_0 = arith.constant 0 : i32
    %c0_i32_1 = arith.constant 0 : i32
    return %c0_i32, %c0_i32_0 : i32, i32
  }
  func.func @transform_6(%arg0: i32) -> (i32, i32) {
    %c0_i32 = arith.constant 0 : i32
    %c0_i32_0 = arith.constant 0 : i32
    %c0_i32_1 = arith.constant 0 : i32
    return %c0_i32, %c0_i32_0 : i32, i32
  }
  func.func @transform_7(%arg0: i32) -> (i32, i32) {
    %c0_i32 = arith.constant 0 : i32
    %c0_i32_0 = arith.constant 0 : i32
    %c0_i32_1 = arith.constant 0 : i32
    return %c0_i32, %c0_i32_0 : i32, i32
  }
  func.func @transform_8(%arg0: i32) -> (i32, i32) {
    %c0_i32 = arith.constant 0 : i32
    %c0_i32_0 = arith.constant 0 : i32
    %c0_i32_1 = arith.constant 0 : i32
    return %c0_i32, %c0_i32_0 : i32, i32
  }
  func.func @transform_9(%arg0: i32) -> (i32, i32) {
    %c0_i32 = arith.constant 0 : i32
    %c0_i32_0 = arith.constant 0 : i32
    %c0_i32_1 = arith.constant 0 : i32
    return %c0_i32, %c0_i32_0 : i32, i32
  }
  func.func @transform_10(%arg0: i32) -> (i32, i32) {
    %c0_i32 = arith.constant 0 : i32
    %c0_i32_0 = arith.constant 0 : i32
    %c0_i32_1 = arith.constant 0 : i32
    return %c0_i32, %c0_i32_0 : i32, i32
  }
  func.func @transform_11(%arg0: i32) -> (i32, i32) {
    %c0_i32 = arith.constant 0 : i32
    %c0_i32_0 = arith.constant 0 : i32
    %c0_i32_1 = arith.constant 0 : i32
    return %c0_i32, %c0_i32_0 : i32, i32
  }
  func.func @transform_12(%arg0: i32) -> (i32, i32) {
    %c0_i32 = arith.constant 0 : i32
    %c0_i32_0 = arith.constant 0 : i32
    return %arg0, %c0_i32 : i32, i32
  }
  func.func @transform_13(%arg0: i32) -> (i32, i32) {
    %c0_i32 = arith.constant 0 : i32
    %c0_i32_0 = arith.constant 0 : i32
    return %arg0, %c0_i32 : i32, i32
  }
}

module attributes {stable_mosaic.version = 14 : i64} {
  func.func @_edge_body(%arg0: i32, %arg1: memref<128x16xf32, #tpu.memory_space<vmem>>, %arg2: memref<2048x128xf32, #tpu.memory_space<vmem>>, %arg3: memref<2048x8xf32, #tpu.memory_space<vmem>>, %arg4: memref<1x1xf32, #tpu.memory_space<vmem>>, %arg5: memref<1x1xf32, #tpu.memory_space<vmem>>, %arg6: memref<32x32xf32, #tpu.memory_space<vmem>>, %arg7: memref<1x32xf32, #tpu.memory_space<vmem>>, %arg8: memref<1x32xf32, #tpu.memory_space<vmem>>, %arg9: memref<1x32xf32, #tpu.memory_space<vmem>>, %arg10: memref<1x1xf32, #tpu.memory_space<vmem>>, %arg11: memref<2048x48xf32, #tpu.memory_space<vmem>>) attributes {dimension_semantics = [#tpu.dimension_semantics<arbitrary>], iteration_bounds = array<i64: 80>, scalar_prefetch = 0 : i64, scratch_operands = 0 : i64, tpu.core_type = #tpu.core_type<tc>, window_params = [{transform_indices = @transform_0, window_bounds = array<i64: 128, 16>}, {transform_indices = @transform_1, window_bounds = array<i64: 2048, 128>}, {transform_indices = @transform_2, window_bounds = array<i64: 2048, 8>}, {pipeline_mode = #tpu.pipeline_mode<synchronous>, transform_indices = @transform_3, window_bounds = array<i64: 1, 1>}, {pipeline_mode = #tpu.pipeline_mode<synchronous>, transform_indices = @transform_4, window_bounds = array<i64: 1, 1>}, {pipeline_mode = #tpu.pipeline_mode<synchronous>, transform_indices = @transform_5, window_bounds = array<i64: 32, 32>}, {pipeline_mode = #tpu.pipeline_mode<synchronous>, transform_indices = @transform_6, window_bounds = array<i64: 1, 32>}, {pipeline_mode = #tpu.pipeline_mode<synchronous>, transform_indices = @transform_7, window_bounds = array<i64: 1, 32>}, {pipeline_mode = #tpu.pipeline_mode<synchronous>, transform_indices = @transform_8, window_bounds = array<i64: 1, 32>}, {pipeline_mode = #tpu.pipeline_mode<synchronous>, transform_indices = @transform_9, window_bounds = array<i64: 1, 1>}, {transform_indices = @transform_10, window_bounds = array<i64: 2048, 48>}]} {
    %get3A = arith.constant 0 : index
    %get3A_0 = arith.constant 0 : index
    %get3A_1 = vector.load %arg1[%get3A, %get3A_0] : memref<128x16xf32, #tpu.memory_space<vmem>>, vector<128x16xf32>
    %broadcast_in_dim3A = vector.shape_cast %get3A_1 : vector<128x16xf32> to vector<128x1x16xf32>
    %broadcast_in_dim3A_2 = vector.shape_cast %broadcast_in_dim3A : vector<128x1x16xf32> to vector<128x1x16xf32>
    %broadcast_in_dim3A_3 = vector.broadcast %broadcast_in_dim3A_2 : vector<128x1x16xf32> to vector<128x16x16xf32>
    %reshape3A = vector.shape_cast %broadcast_in_dim3A_3 : vector<128x16x16xf32> to vector<2048x16xf32>
    %get3A_4 = arith.constant 0 : index
    %get3A_5 = arith.constant 0 : index
    %get3A_6 = vector.load %arg2[%get3A_4, %get3A_5] : memref<2048x128xf32, #tpu.memory_space<vmem>>, vector<2048x128xf32>
    %slice3A = vector.extract_strided_slice %get3A_6 {offsets = [0, 88], sizes = [2048, 3], strides = [1, 1]} : vector<2048x128xf32> to vector<2048x3xf32>
    %slice3A_7 = vector.extract_strided_slice %slice3A {offsets = [0, 0], sizes = [2048, 1], strides = [1, 1]} : vector<2048x3xf32> to vector<2048x1xf32>
    %slice3A_8 = vector.extract_strided_slice %reshape3A {offsets = [0, 0], sizes = [2048, 1], strides = [1, 1]} : vector<2048x16xf32> to vector<2048x1xf32>
    %sub3A = arith.subf %slice3A_7, %slice3A_8 : vector<2048x1xf32>
    %slice3A_9 = vector.extract_strided_slice %slice3A {offsets = [0, 1], sizes = [2048, 1], strides = [1, 1]} : vector<2048x3xf32> to vector<2048x1xf32>
    %slice3A_10 = vector.extract_strided_slice %reshape3A {offsets = [0, 1], sizes = [2048, 1], strides = [1, 1]} : vector<2048x16xf32> to vector<2048x1xf32>
    %sub3A_11 = arith.subf %slice3A_9, %slice3A_10 : vector<2048x1xf32>
    %slice3A_12 = vector.extract_strided_slice %slice3A {offsets = [0, 2], sizes = [2048, 1], strides = [1, 1]} : vector<2048x3xf32> to vector<2048x1xf32>
    %slice3A_13 = vector.extract_strided_slice %reshape3A {offsets = [0, 2], sizes = [2048, 1], strides = [1, 1]} : vector<2048x16xf32> to vector<2048x1xf32>
    %sub3A_14 = arith.subf %slice3A_12, %slice3A_13 : vector<2048x1xf32>
    %mul3A = arith.mulf %sub3A, %sub3A : vector<2048x1xf32>
    %mul3A_15 = arith.mulf %sub3A_11, %sub3A_11 : vector<2048x1xf32>
    %add3A = arith.addf %mul3A, %mul3A_15 : vector<2048x1xf32>
    %mul3A_16 = arith.mulf %sub3A_14, %sub3A_14 : vector<2048x1xf32>
    %add3A_17 = arith.addf %add3A, %mul3A_16 : vector<2048x1xf32>
    %sqrt3A = math.sqrt %add3A_17 : vector<2048x1xf32>
    %add3A_18 = arith.constant 9.99999993E-9 : f32
    %add3A_19 = vector.broadcast %add3A_18 : f32 to vector<2048x1xf32>
    %add3A_20 = arith.addf %sqrt3A, %add3A_19 : vector<2048x1xf32>
    %div3A = arith.divf %sub3A, %add3A_20 : vector<2048x1xf32>
    %add3A_21 = arith.constant 9.99999993E-9 : f32
    %add3A_22 = vector.broadcast %add3A_21 : f32 to vector<2048x1xf32>
    %add3A_23 = arith.addf %sqrt3A, %add3A_22 : vector<2048x1xf32>
    %div3A_24 = arith.divf %sub3A_11, %add3A_23 : vector<2048x1xf32>
    %add3A_25 = arith.constant 9.99999993E-9 : f32
    %add3A_26 = vector.broadcast %add3A_25 : f32 to vector<2048x1xf32>
    %add3A_27 = arith.addf %sqrt3A, %add3A_26 : vector<2048x1xf32>
    %div3A_28 = arith.divf %sub3A_14, %add3A_27 : vector<2048x1xf32>
    %iota3A = tpu.iota {dimensions = array<i32: 1>} : vector<1x16xi32>
    %convert_element_type3A = arith.sitofp %iota3A : vector<1x16xi32> to vector<1x16xf32>
    %mul3A_29 = arith.constant 1.33333337 : f32
    %mul3A_30 = vector.broadcast %mul3A_29 : f32 to vector<1x16xf32>
    %mul3A_31 = arith.mulf %convert_element_type3A, %mul3A_30 : vector<1x16xf32>
    %sub3A_32 = vector.broadcast %sqrt3A : vector<2048x1xf32> to vector<2048x16xf32>
    %sub3A_33 = vector.broadcast %mul3A_31 : vector<1x16xf32> to vector<2048x16xf32>
    %sub3A_34 = arith.subf %sub3A_32, %sub3A_33 : vector<2048x16xf32>
    %div3A_35 = arith.constant 1.250000e+00 : f32
    %div3A_36 = vector.broadcast %div3A_35 : f32 to vector<2048x16xf32>
    %div3A_37 = arith.divf %sub3A_34, %div3A_36 : vector<2048x16xf32>
    %integer_pow3A = arith.mulf %div3A_37, %div3A_37 : vector<2048x16xf32>
    %neg3A = arith.constant 0.000000e+00 : f32
    %neg3A_38 = vector.broadcast %neg3A : f32 to vector<2048x16xf32>
    %neg3A_39 = arith.subf %neg3A_38, %integer_pow3A : vector<2048x16xf32>
    %exp3A = math.exp %neg3A_39 : vector<2048x16xf32>
    %iota3A_40 = tpu.iota {dimensions = array<i32: 1>} : vector<1x8xi32>
    %convert_element_type3A_41 = arith.sitofp %iota3A_40 : vector<1x8xi32> to vector<1x8xf32>
    %mul3A_42 = arith.constant 2.000000e+00 : f32
    %mul3A_43 = vector.broadcast %mul3A_42 : f32 to vector<1x8xf32>
    %mul3A_44 = arith.mulf %convert_element_type3A_41, %mul3A_43 : vector<1x8xf32>
    %mul3A_45 = arith.constant -0.575646281 : f32
    %mul3A_46 = vector.broadcast %mul3A_45 : f32 to vector<1x8xf32>
    %mul3A_47 = arith.mulf %mul3A_44, %mul3A_46 : vector<1x8xf32>
    %exp3A_48 = math.exp %mul3A_47 : vector<1x8xf32>
    %get3A_49 = arith.constant 0 : index
    %get3A_50 = arith.constant 0 : index
    %get3A_51 = vector.load %arg3[%get3A_49, %get3A_50] : memref<2048x8xf32, #tpu.memory_space<vmem>>, vector<2048x8xf32>
    %mul3A_52 = vector.broadcast %exp3A_48 : vector<1x8xf32> to vector<2048x8xf32>
    %mul3A_53 = arith.mulf %get3A_51, %mul3A_52 : vector<2048x8xf32>
    %cos3A = math.cos %mul3A_53 : vector<2048x8xf32>
    %sin3A = math.sin %mul3A_53 : vector<2048x8xf32>
    %concatenate3A = tpu.concatenate %cos3A, %sin3A in 1 : vector<2048x8xf32>, vector<2048x8xf32> -> vector<2048x16xf32>
    %concatenate3A_54 = tpu.concatenate %exp3A, %concatenate3A in 1 : vector<2048x16xf32>, vector<2048x16xf32> -> vector<2048x32xf32>
    %get3A_55 = arith.constant 0 : index
    %get3A_56 = arith.constant 0 : index
    %get3A_57 = vector.load %arg4[%get3A_55, %get3A_56] : memref<1x1xf32, #tpu.memory_space<vmem>>, vector<1x1xf32>
    %mul3A_58 = vector.broadcast %get3A_57 : vector<1x1xf32> to vector<2048x1xf32>
    %mul3A_59 = arith.mulf %div3A, %mul3A_58 : vector<2048x1xf32>
    %get3A_60 = arith.constant 0 : index
    %get3A_61 = arith.constant 0 : index
    %get3A_62 = vector.load %arg4[%get3A_60, %get3A_61] : memref<1x1xf32, #tpu.memory_space<vmem>>, vector<1x1xf32>
    %mul3A_63 = vector.broadcast %get3A_62 : vector<1x1xf32> to vector<2048x1xf32>
    %mul3A_64 = arith.mulf %div3A_24, %mul3A_63 : vector<2048x1xf32>
    %get3A_65 = arith.constant 0 : index
    %get3A_66 = arith.constant 0 : index
    %get3A_67 = vector.load %arg4[%get3A_65, %get3A_66] : memref<1x1xf32, #tpu.memory_space<vmem>>, vector<1x1xf32>
    %mul3A_68 = vector.broadcast %get3A_67 : vector<1x1xf32> to vector<2048x1xf32>
    %mul3A_69 = arith.mulf %div3A_28, %mul3A_68 : vector<2048x1xf32>
    %mul3A_70 = arith.mulf %mul3A_59, %mul3A_59 : vector<2048x1xf32>
    %mul3A_71 = arith.mulf %mul3A_64, %mul3A_64 : vector<2048x1xf32>
    %add3A_72 = arith.addf %mul3A_70, %mul3A_71 : vector<2048x1xf32>
    %mul3A_73 = arith.mulf %mul3A_69, %mul3A_69 : vector<2048x1xf32>
    %add3A_74 = arith.addf %add3A_72, %mul3A_73 : vector<2048x1xf32>
    %add3A_75 = arith.constant 9.99999993E-9 : f32
    %add3A_76 = vector.broadcast %add3A_75 : f32 to vector<2048x1xf32>
    %add3A_77 = arith.addf %add3A_74, %add3A_76 : vector<2048x1xf32>
    %sqrt3A_78 = math.sqrt %add3A_77 : vector<2048x1xf32>
    %get3A_79 = arith.constant 0 : index
    %get3A_80 = arith.constant 0 : index
    %get3A_81 = vector.load %arg6[%get3A_79, %get3A_80] : memref<32x32xf32, #tpu.memory_space<vmem>>, vector<32x32xf32>
    %dot_general3A = arith.constant dense<0.000000e+00> : vector<2048x32xf32>
    %dot_general3A_82 = tpu.matmul %concatenate3A_54, %get3A_81, %dot_general3A {dimension_numbers = #tpu.dot_dimension_numbers<[1], [0], [0], [1], [0, 0, 1, 1], [], []>, transpose_lhs_hint = false} : vector<2048x32xf32>, vector<32x32xf32>, vector<2048x32xf32> -> vector<2048x32xf32>
    %get3A_83 = arith.constant 0 : index
    %get3A_84 = arith.constant 0 : index
    %get3A_85 = vector.load %arg7[%get3A_83, %get3A_84] : memref<1x32xf32, #tpu.memory_space<vmem>>, vector<1x32xf32>
    %mul3A_86 = vector.broadcast %sqrt3A_78 : vector<2048x1xf32> to vector<2048x32xf32>
    %mul3A_87 = vector.broadcast %get3A_85 : vector<1x32xf32> to vector<2048x32xf32>
    %mul3A_88 = arith.mulf %mul3A_86, %mul3A_87 : vector<2048x32xf32>
    %add3A_89 = arith.addf %dot_general3A_82, %mul3A_88 : vector<2048x32xf32>
    %get3A_90 = arith.constant 0 : index
    %get3A_91 = arith.constant 0 : index
    %get3A_92 = vector.load %arg8[%get3A_90, %get3A_91] : memref<1x32xf32, #tpu.memory_space<vmem>>, vector<1x32xf32>
    %add3A_93 = vector.broadcast %get3A_92 : vector<1x32xf32> to vector<2048x32xf32>
    %add3A_94 = arith.addf %add3A_89, %add3A_93 : vector<2048x32xf32>
    %get3A_95 = arith.constant 0 : index
    %get3A_96 = arith.constant 0 : index
    %get3A_97 = vector.load %arg9[%get3A_95, %get3A_96] : memref<1x32xf32, #tpu.memory_space<vmem>>, vector<1x32xf32>
    %mul3A_98 = vector.broadcast %get3A_97 : vector<1x32xf32> to vector<2048x32xf32>
    %mul3A_99 = arith.mulf %add3A_94, %mul3A_98 : vector<2048x32xf32>
    %reduce_sum3A = arith.constant dense<0.000000e+00> : vector<2048xf32>
    %reduce_sum3A_100 = vector.multi_reduction <add>, %mul3A_99, %reduce_sum3A [1] : vector<2048x32xf32> to vector<2048xf32>
    %broadcast_in_dim3A_101 = vector.shape_cast %reduce_sum3A_100 : vector<2048xf32> to vector<2048x1xf32>
    %get3A_102 = arith.constant 0 : index
    %get3A_103 = arith.constant 0 : index
    %get3A_104 = vector.load %arg10[%get3A_102, %get3A_103] : memref<1x1xf32, #tpu.memory_space<vmem>>, vector<1x1xf32>
    %add3A_105 = vector.broadcast %get3A_104 : vector<1x1xf32> to vector<2048x1xf32>
    %add3A_106 = arith.addf %broadcast_in_dim3A_101, %add3A_105 : vector<2048x1xf32>
    %logistic3A = arith.negf %add3A_106 : vector<2048x1xf32>
    %logistic3A_107 = math.exp %logistic3A : vector<2048x1xf32>
    %logistic3A_108 = arith.constant 1.000000e+00 : f32
    %logistic3A_109 = vector.broadcast %logistic3A_108 : f32 to vector<2048x1xf32>
    %logistic3A_110 = arith.addf %logistic3A_109, %logistic3A_107 : vector<2048x1xf32>
    %logistic3A_111 = arith.divf %logistic3A_109, %logistic3A_110 : vector<2048x1xf32>
    %get3A_112 = arith.constant 0 : index
    %get3A_113 = arith.constant 0 : index
    %get3A_114 = vector.load %arg5[%get3A_112, %get3A_113] : memref<1x1xf32, #tpu.memory_space<vmem>>, vector<1x1xf32>
    %mul3A_115 = vector.broadcast %get3A_114 : vector<1x1xf32> to vector<2048x1xf32>
    %mul3A_116 = arith.mulf %mul3A_59, %mul3A_115 : vector<2048x1xf32>
    %mul3A_117 = arith.mulf %mul3A_116, %logistic3A_111 : vector<2048x1xf32>
    %get3A_118 = arith.constant 0 : index
    %get3A_119 = arith.constant 0 : index
    %get3A_120 = vector.load %arg5[%get3A_118, %get3A_119] : memref<1x1xf32, #tpu.memory_space<vmem>>, vector<1x1xf32>
    %mul3A_121 = vector.broadcast %get3A_120 : vector<1x1xf32> to vector<2048x1xf32>
    %mul3A_122 = arith.mulf %mul3A_64, %mul3A_121 : vector<2048x1xf32>
    %mul3A_123 = arith.mulf %mul3A_122, %logistic3A_111 : vector<2048x1xf32>
    %get3A_124 = arith.constant 0 : index
    %get3A_125 = arith.constant 0 : index
    %get3A_126 = vector.load %arg5[%get3A_124, %get3A_125] : memref<1x1xf32, #tpu.memory_space<vmem>>, vector<1x1xf32>
    %mul3A_127 = vector.broadcast %get3A_126 : vector<1x1xf32> to vector<2048x1xf32>
    %mul3A_128 = arith.mulf %mul3A_69, %mul3A_127 : vector<2048x1xf32>
    %mul3A_129 = arith.mulf %mul3A_128, %logistic3A_111 : vector<2048x1xf32>
    %broadcast_in_dim3A_130 = arith.constant 0.000000e+00 : f32
    %broadcast_in_dim3A_131 = vector.broadcast %broadcast_in_dim3A_130 : f32 to vector<2048x13xf32>
    %concatenate3A_132 = tpu.concatenate %add3A_94, %mul3A_117, %mul3A_123, %mul3A_129, %broadcast_in_dim3A_131 in 1 : vector<2048x32xf32>, vector<2048x1xf32>, vector<2048x1xf32>, vector<2048x1xf32>, vector<2048x13xf32> -> vector<2048x48xf32>
    %swap3A = arith.constant 0 : index
    %swap3A_133 = arith.constant 0 : index
    %swap3A_134 = vector.load %arg11[%swap3A, %swap3A_133] : memref<2048x48xf32, #tpu.memory_space<vmem>>, vector<2048x48xf32>
    tpu.vector_store %arg11[%swap3A, %swap3A_133], %concatenate3A_132 {strides = array<i32>} : memref<2048x48xf32, #tpu.memory_space<vmem>>, vector<2048x48xf32>,
    return
  }
  func.func @transform_0(%arg0: i32) -> (i32, i32) {
    %c0_i32 = arith.constant 0 : i32
    %c0_i32_0 = arith.constant 0 : i32
    return %arg0, %c0_i32 : i32, i32
  }
  func.func @transform_1(%arg0: i32) -> (i32, i32) {
    %c0_i32 = arith.constant 0 : i32
    %c0_i32_0 = arith.constant 0 : i32
    return %arg0, %c0_i32 : i32, i32
  }
  func.func @transform_2(%arg0: i32) -> (i32, i32) {
    %c0_i32 = arith.constant 0 : i32
    %c0_i32_0 = arith.constant 0 : i32
    return %arg0, %c0_i32 : i32, i32
  }
  func.func @transform_3(%arg0: i32) -> (i32, i32) {
    %c0_i32 = arith.constant 0 : i32
    %c0_i32_0 = arith.constant 0 : i32
    %c0_i32_1 = arith.constant 0 : i32
    return %c0_i32, %c0_i32_0 : i32, i32
  }
  func.func @transform_4(%arg0: i32) -> (i32, i32) {
    %c0_i32 = arith.constant 0 : i32
    %c0_i32_0 = arith.constant 0 : i32
    %c0_i32_1 = arith.constant 0 : i32
    return %c0_i32, %c0_i32_0 : i32, i32
  }
  func.func @transform_5(%arg0: i32) -> (i32, i32) {
    %c0_i32 = arith.constant 0 : i32
    %c0_i32_0 = arith.constant 0 : i32
    %c0_i32_1 = arith.constant 0 : i32
    return %c0_i32, %c0_i32_0 : i32, i32
  }
  func.func @transform_6(%arg0: i32) -> (i32, i32) {
    %c0_i32 = arith.constant 0 : i32
    %c0_i32_0 = arith.constant 0 : i32
    %c0_i32_1 = arith.constant 0 : i32
    return %c0_i32, %c0_i32_0 : i32, i32
  }
  func.func @transform_7(%arg0: i32) -> (i32, i32) {
    %c0_i32 = arith.constant 0 : i32
    %c0_i32_0 = arith.constant 0 : i32
    %c0_i32_1 = arith.constant 0 : i32
    return %c0_i32, %c0_i32_0 : i32, i32
  }
  func.func @transform_8(%arg0: i32) -> (i32, i32) {
    %c0_i32 = arith.constant 0 : i32
    %c0_i32_0 = arith.constant 0 : i32
    %c0_i32_1 = arith.constant 0 : i32
    return %c0_i32, %c0_i32_0 : i32, i32
  }
  func.func @transform_9(%arg0: i32) -> (i32, i32) {
    %c0_i32 = arith.constant 0 : i32
    %c0_i32_0 = arith.constant 0 : i32
    %c0_i32_1 = arith.constant 0 : i32
    return %c0_i32, %c0_i32_0 : i32, i32
  }
  func.func @transform_10(%arg0: i32) -> (i32, i32) {
    %c0_i32 = arith.constant 0 : i32
    %c0_i32_0 = arith.constant 0 : i32
    return %arg0, %c0_i32 : i32, i32
  }
}

module attributes {stable_mosaic.version = 14 : i64} {
  func.func @body(%arg0: i32, %arg1: memref<128x256xf32, #tpu.memory_space<vmem>>, %arg2: memref<2048x128xf32, #tpu.memory_space<vmem>>, %arg3: memref<2048x48xf32, #tpu.memory_space<vmem>>, %arg4: memref<16x33xbf16, #tpu.memory_space<vmem>>, %arg5: memref<16x33xbf16, #tpu.memory_space<vmem>>, %arg6: memref<1x33xf32, #tpu.memory_space<vmem>>, %arg7: memref<128x128xbf16, #tpu.memory_space<vmem>>, %arg8: memref<128x128xbf16, #tpu.memory_space<vmem>>, %arg9: memref<32x128xbf16, #tpu.memory_space<vmem>>, %arg10: memref<33x128xbf16, #tpu.memory_space<vmem>>, %arg11: memref<1x128xf32, #tpu.memory_space<vmem>>, %arg12: memref<33x16xbf16, #tpu.memory_space<vmem>>, %arg13: memref<128x16xbf16, #tpu.memory_space<vmem>>, %arg14: memref<1x16xf32, #tpu.memory_space<vmem>>, %arg15: memref<16x16xbf16, #tpu.memory_space<vmem>>, %arg16: memref<128x128xbf16, #tpu.memory_space<vmem>>, %arg17: memref<16x128xbf16, #tpu.memory_space<vmem>>, %arg18: memref<1x128xf32, #tpu.memory_space<vmem>>, %arg19: memref<16x16xbf16, #tpu.memory_space<vmem>>, %arg20: memref<128x16xbf16, #tpu.memory_space<vmem>>, %arg21: memref<1x16xf32, #tpu.memory_space<vmem>>, %arg22: memref<16x16xbf16, #tpu.memory_space<vmem>>, %arg23: memref<128x128xbf16, #tpu.memory_space<vmem>>, %arg24: memref<16x128xbf16, #tpu.memory_space<vmem>>, %arg25: memref<1x128xf32, #tpu.memory_space<vmem>>, %arg26: memref<16x16xbf16, #tpu.memory_space<vmem>>, %arg27: memref<128x16xbf16, #tpu.memory_space<vmem>>, %arg28: memref<1x16xf32, #tpu.memory_space<vmem>>, %arg29: memref<16x32xbf16, #tpu.memory_space<vmem>>, %arg30: memref<128x256xbf16, #tpu.memory_space<vmem>>, %arg31: memref<32x256xbf16, #tpu.memory_space<vmem>>, %arg32: memref<1x256xf32, #tpu.memory_space<vmem>>, %arg33: memref<32x32xbf16, #tpu.memory_space<vmem>>, %arg34: memref<256x32xbf16, #tpu.memory_space<vmem>>, %arg35: memref<1x32xf32, #tpu.memory_space<vmem>>, %arg36: memref<32x32xbf16, #tpu.memory_space<vmem>>, %arg37: memref<256x128xbf16, #tpu.memory_space<vmem>>, %arg38: memref<32x128xbf16, #tpu.memory_space<vmem>>, %arg39: memref<1x128xf32, #tpu.memory_space<vmem>>, %arg40: memref<32x16xbf16, #tpu.memory_space<vmem>>, %arg41: memref<128x16xbf16, #tpu.memory_space<vmem>>, %arg42: memref<1x16xf32, #tpu.memory_space<vmem>>, %arg43: memref<1x128xf32, #tpu.memory_space<vmem>>, %arg44: memref<1x128xf32, #tpu.memory_space<vmem>>, %arg45: memref<1x128xf32, #tpu.memory_space<vmem>>, %arg46: memref<1x128xf32, #tpu.memory_space<vmem>>, %arg47: memref<128x256xf32, #tpu.memory_space<vmem>>, %arg48: memref<128x128xf32, #tpu.memory_space<vmem>>) attributes {dimension_semantics = [#tpu.dimension_semantics<arbitrary>], iteration_bounds = array<i64: 80>, scalar_prefetch = 0 : i64, scratch_operands = 0 : i64, tpu.core_type = #tpu.core_type<tc>, window_params = [{transform_indices = @transform_0, window_bounds = array<i64: 128, 256>}, {transform_indices = @transform_1, window_bounds = array<i64: 2048, 128>}, {transform_indices = @transform_2, window_bounds = array<i64: 2048, 48>}, {pipeline_mode = #tpu.pipeline_mode<synchronous>, transform_indices = @transform_3, window_bounds = array<i64: 16, 33>}, {pipeline_mode = #tpu.pipeline_mode<synchronous>, transform_indices = @transform_4, window_bounds = array<i64: 16, 33>}, {pipeline_mode = #tpu.pipeline_mode<synchronous>, transform_indices = @transform_5, window_bounds = array<i64: 1, 33>}, {pipeline_mode = #tpu.pipeline_mode<synchronous>, transform_indices = @transform_6, window_bounds = array<i64: 128, 128>}, {pipeline_mode = #tpu.pipeline_mode<synchronous>, transform_indices = @transform_7, window_bounds = array<i64: 128, 128>}, {pipeline_mode = #tpu.pipeline_mode<synchronous>, transform_indices = @transform_8, window_bounds = array<i64: 32, 128>}, {pipeline_mode = #tpu.pipeline_mode<synchronous>, transform_indices = @transform_9, window_bounds = array<i64: 33, 128>}, {pipeline_mode = #tpu.pipeline_mode<synchronous>, transform_indices = @transform_10, window_bounds = array<i64: 1, 128>}, {pipeline_mode = #tpu.pipeline_mode<synchronous>, transform_indices = @transform_11, window_bounds = array<i64: 33, 16>}, {pipeline_mode = #tpu.pipeline_mode<synchronous>, transform_indices = @transform_12, window_bounds = array<i64: 128, 16>}, {pipeline_mode = #tpu.pipeline_mode<synchronous>, transform_indices = @transform_13, window_bounds = array<i64: 1, 16>}, {pipeline_mode = #tpu.pipeline_mode<synchronous>, transform_indices = @transform_14, window_bounds = array<i64: 16, 16>}, {pipeline_mode = #tpu.pipeline_mode<synchronous>, transform_indices = @transform_15, window_bounds = array<i64: 128, 128>}, {pipeline_mode = #tpu.pipeline_mode<synchronous>, transform_indices = @transform_16, window_bounds = array<i64: 16, 128>}, {pipeline_mode = #tpu.pipeline_mode<synchronous>, transform_indices = @transform_17, window_bounds = array<i64: 1, 128>}, {pipeline_mode = #tpu.pipeline_mode<synchronous>, transform_indices = @transform_18, window_bounds = array<i64: 16, 16>}, {pipeline_mode = #tpu.pipeline_mode<synchronous>, transform_indices = @transform_19, window_bounds = array<i64: 128, 16>}, {pipeline_mode = #tpu.pipeline_mode<synchronous>, transform_indices = @transform_20, window_bounds = array<i64: 1, 16>}, {pipeline_mode = #tpu.pipeline_mode<synchronous>, transform_indices = @transform_21, window_bounds = array<i64: 16, 16>}, {pipeline_mode = #tpu.pipeline_mode<synchronous>, transform_indices = @transform_22, window_bounds = array<i64: 128, 128>}, {pipeline_mode = #tpu.pipeline_mode<synchronous>, transform_indices = @transform_23, window_bounds = array<i64: 16, 128>}, {pipeline_mode = #tpu.pipeline_mode<synchronous>, transform_indices = @transform_24, window_bounds = array<i64: 1, 128>}, {pipeline_mode = #tpu.pipeline_mode<synchronous>, transform_indices = @transform_25, window_bounds = array<i64: 16, 16>}, {pipeline_mode = #tpu.pipeline_mode<synchronous>, transform_indices = @transform_26, window_bounds = array<i64: 128, 16>}, {pipeline_mode = #tpu.pipeline_mode<synchronous>, transform_indices = @transform_27, window_bounds = array<i64: 1, 16>}, {pipeline_mode = #tpu.pipeline_mode<synchronous>, transform_indices = @transform_28, window_bounds = array<i64: 16, 32>}, {pipeline_mode = #tpu.pipeline_mode<synchronous>, transform_indices = @transform_29, window_bounds = array<i64: 128, 256>}, {pipeline_mode = #tpu.pipeline_mode<synchronous>, transform_indices = @transform_30, window_bounds = array<i64: 32, 256>}, {pipeline_mode = #tpu.pipeline_mode<synchronous>, transform_indices = @transform_31, window_bounds = array<i64: 1, 256>}, {pipeline_mode = #tpu.pipeline_mode<synchronous>, transform_indices = @transform_32, window_bounds = array<i64: 32, 32>}, {pipeline_mode = #tpu.pipeline_mode<synchronous>, transform_indices = @transform_33, window_bounds = array<i64: 256, 32>}, {pipeline_mode = #tpu.pipeline_mode<synchronous>, transform_indices = @transform_34, window_bounds = array<i64: 1, 32>}, {pipeline_mode = #tpu.pipeline_mode<synchronous>, transform_indices = @transform_35, window_bounds = array<i64: 32, 32>}, {pipeline_mode = #tpu.pipeline_mode<synchronous>, transform_indices = @transform_36, window_bounds = array<i64: 256, 128>}, {pipeline_mode = #tpu.pipeline_mode<synchronous>, transform_indices = @transform_37, window_bounds = array<i64: 32, 128>}, {pipeline_mode = #tpu.pipeline_mode<synchronous>, transform_indices = @transform_38, window_bounds = array<i64: 1, 128>}, {pipeline_mode = #tpu.pipeline_mode<synchronous>, transform_indices = @transform_39, window_bounds = array<i64: 32, 16>}, {pipeline_mode = #tpu.pipeline_mode<synchronous>, transform_indices = @transform_40, window_bounds = array<i64: 128, 16>}, {pipeline_mode = #tpu.pipeline_mode<synchronous>, transform_indices = @transform_41, window_bounds = array<i64: 1, 16>}, {pipeline_mode = #tpu.pipeline_mode<synchronous>, transform_indices = @transform_42, window_bounds = array<i64: 1, 128>}, {pipeline_mode = #tpu.pipeline_mode<synchronous>, transform_indices = @transform_43, window_bounds = array<i64: 1, 128>}, {pipeline_mode = #tpu.pipeline_mode<synchronous>, transform_indices = @transform_44, window_bounds = array<i64: 1, 128>}, {pipeline_mode = #tpu.pipeline_mode<synchronous>, transform_indices = @transform_45, window_bounds = array<i64: 1, 128>}, {transform_indices = @transform_46, window_bounds = array<i64: 128, 256>}, {transform_indices = @transform_47, window_bounds = array<i64: 128, 128>}]} {
    %get3A = arith.constant 0 : index
    %get3A_0 = arith.constant 0 : index
    %get3A_1 = vector.load %arg1[%get3A, %get3A_0] : memref<128x256xf32, #tpu.memory_space<vmem>>, vector<128x256xf32>
    %get3A_2 = arith.constant 0 : index
    %get3A_3 = arith.constant 0 : index
    %get3A_4 = vector.load %arg2[%get3A_2, %get3A_3] : memref<2048x128xf32, #tpu.memory_space<vmem>>, vector<2048x128xf32>
    %get3A_5 = arith.constant 0 : index
    %get3A_6 = arith.constant 0 : index
    %get3A_7 = vector.load %arg3[%get3A_5, %get3A_6] : memref<2048x48xf32, #tpu.memory_space<vmem>>, vector<2048x48xf32>
    %get3A_8 = arith.constant 0 : index
    %get3A_9 = arith.constant 0 : index
    %get3A_10 = vector.load %arg4[%get3A_8, %get3A_9] : memref<16x33xbf16, #tpu.memory_space<vmem>>, vector<16x33xbf16>
    %get3A_11 = arith.constant 0 : index
    %get3A_12 = arith.constant 0 : index
    %get3A_13 = vector.load %arg5[%get3A_11, %get3A_12] : memref<16x33xbf16, #tpu.memory_space<vmem>>, vector<16x33xbf16>
    %get3A_14 = arith.constant 0 : index
    %get3A_15 = arith.constant 0 : index
    %get3A_16 = vector.load %arg6[%get3A_14, %get3A_15] : memref<1x33xf32, #tpu.memory_space<vmem>>, vector<1x33xf32>
    %get3A_17 = arith.constant 0 : index
    %get3A_18 = arith.constant 0 : index
    %get3A_19 = vector.load %arg7[%get3A_17, %get3A_18] : memref<128x128xbf16, #tpu.memory_space<vmem>>, vector<128x128xbf16>
    %get3A_20 = arith.constant 0 : index
    %get3A_21 = arith.constant 0 : index
    %get3A_22 = vector.load %arg8[%get3A_20, %get3A_21] : memref<128x128xbf16, #tpu.memory_space<vmem>>, vector<128x128xbf16>
    %get3A_23 = arith.constant 0 : index
    %get3A_24 = arith.constant 0 : index
    %get3A_25 = vector.load %arg9[%get3A_23, %get3A_24] : memref<32x128xbf16, #tpu.memory_space<vmem>>, vector<32x128xbf16>
    %get3A_26 = arith.constant 0 : index
    %get3A_27 = arith.constant 0 : index
    %get3A_28 = vector.load %arg10[%get3A_26, %get3A_27] : memref<33x128xbf16, #tpu.memory_space<vmem>>, vector<33x128xbf16>
    %get3A_29 = arith.constant 0 : index
    %get3A_30 = arith.constant 0 : index
    %get3A_31 = vector.load %arg11[%get3A_29, %get3A_30] : memref<1x128xf32, #tpu.memory_space<vmem>>, vector<1x128xf32>
    %get3A_32 = arith.constant 0 : index
    %get3A_33 = arith.constant 0 : index
    %get3A_34 = vector.load %arg12[%get3A_32, %get3A_33] : memref<33x16xbf16, #tpu.memory_space<vmem>>, vector<33x16xbf16>
    %get3A_35 = arith.constant 0 : index
    %get3A_36 = arith.constant 0 : index
    %get3A_37 = vector.load %arg13[%get3A_35, %get3A_36] : memref<128x16xbf16, #tpu.memory_space<vmem>>, vector<128x16xbf16>
    %get3A_38 = arith.constant 0 : index
    %get3A_39 = arith.constant 0 : index
    %get3A_40 = vector.load %arg14[%get3A_38, %get3A_39] : memref<1x16xf32, #tpu.memory_space<vmem>>, vector<1x16xf32>
    %get3A_41 = arith.constant 0 : index
    %get3A_42 = arith.constant 0 : index
    %get3A_43 = vector.load %arg15[%get3A_41, %get3A_42] : memref<16x16xbf16, #tpu.memory_space<vmem>>, vector<16x16xbf16>
    %get3A_44 = arith.constant 0 : index
    %get3A_45 = arith.constant 0 : index
    %get3A_46 = vector.load %arg16[%get3A_44, %get3A_45] : memref<128x128xbf16, #tpu.memory_space<vmem>>, vector<128x128xbf16>
    %get3A_47 = arith.constant 0 : index
    %get3A_48 = arith.constant 0 : index
    %get3A_49 = vector.load %arg17[%get3A_47, %get3A_48] : memref<16x128xbf16, #tpu.memory_space<vmem>>, vector<16x128xbf16>
    %get3A_50 = arith.constant 0 : index
    %get3A_51 = arith.constant 0 : index
    %get3A_52 = vector.load %arg18[%get3A_50, %get3A_51] : memref<1x128xf32, #tpu.memory_space<vmem>>, vector<1x128xf32>
    %get3A_53 = arith.constant 0 : index
    %get3A_54 = arith.constant 0 : index
    %get3A_55 = vector.load %arg19[%get3A_53, %get3A_54] : memref<16x16xbf16, #tpu.memory_space<vmem>>, vector<16x16xbf16>
    %get3A_56 = arith.constant 0 : index
    %get3A_57 = arith.constant 0 : index
    %get3A_58 = vector.load %arg20[%get3A_56, %get3A_57] : memref<128x16xbf16, #tpu.memory_space<vmem>>, vector<128x16xbf16>
    %get3A_59 = arith.constant 0 : index
    %get3A_60 = arith.constant 0 : index
    %get3A_61 = vector.load %arg21[%get3A_59, %get3A_60] : memref<1x16xf32, #tpu.memory_space<vmem>>, vector<1x16xf32>
    %get3A_62 = arith.constant 0 : index
    %get3A_63 = arith.constant 0 : index
    %get3A_64 = vector.load %arg22[%get3A_62, %get3A_63] : memref<16x16xbf16, #tpu.memory_space<vmem>>, vector<16x16xbf16>
    %get3A_65 = arith.constant 0 : index
    %get3A_66 = arith.constant 0 : index
    %get3A_67 = vector.load %arg23[%get3A_65, %get3A_66] : memref<128x128xbf16, #tpu.memory_space<vmem>>, vector<128x128xbf16>
    %get3A_68 = arith.constant 0 : index
    %get3A_69 = arith.constant 0 : index
    %get3A_70 = vector.load %arg24[%get3A_68, %get3A_69] : memref<16x128xbf16, #tpu.memory_space<vmem>>, vector<16x128xbf16>
    %get3A_71 = arith.constant 0 : index
    %get3A_72 = arith.constant 0 : index
    %get3A_73 = vector.load %arg25[%get3A_71, %get3A_72] : memref<1x128xf32, #tpu.memory_space<vmem>>, vector<1x128xf32>
    %get3A_74 = arith.constant 0 : index
    %get3A_75 = arith.constant 0 : index
    %get3A_76 = vector.load %arg26[%get3A_74, %get3A_75] : memref<16x16xbf16, #tpu.memory_space<vmem>>, vector<16x16xbf16>
    %get3A_77 = arith.constant 0 : index
    %get3A_78 = arith.constant 0 : index
    %get3A_79 = vector.load %arg27[%get3A_77, %get3A_78] : memref<128x16xbf16, #tpu.memory_space<vmem>>, vector<128x16xbf16>
    %get3A_80 = arith.constant 0 : index
    %get3A_81 = arith.constant 0 : index
    %get3A_82 = vector.load %arg28[%get3A_80, %get3A_81] : memref<1x16xf32, #tpu.memory_space<vmem>>, vector<1x16xf32>
    %get3A_83 = arith.constant 0 : index
    %get3A_84 = arith.constant 0 : index
    %get3A_85 = vector.load %arg29[%get3A_83, %get3A_84] : memref<16x32xbf16, #tpu.memory_space<vmem>>, vector<16x32xbf16>
    %get3A_86 = arith.constant 0 : index
    %get3A_87 = arith.constant 0 : index
    %get3A_88 = vector.load %arg30[%get3A_86, %get3A_87] : memref<128x256xbf16, #tpu.memory_space<vmem>>, vector<128x256xbf16>
    %get3A_89 = arith.constant 0 : index
    %get3A_90 = arith.constant 0 : index
    %get3A_91 = vector.load %arg31[%get3A_89, %get3A_90] : memref<32x256xbf16, #tpu.memory_space<vmem>>, vector<32x256xbf16>
    %get3A_92 = arith.constant 0 : index
    %get3A_93 = arith.constant 0 : index
    %get3A_94 = vector.load %arg32[%get3A_92, %get3A_93] : memref<1x256xf32, #tpu.memory_space<vmem>>, vector<1x256xf32>
    %get3A_95 = arith.constant 0 : index
    %get3A_96 = arith.constant 0 : index
    %get3A_97 = vector.load %arg33[%get3A_95, %get3A_96] : memref<32x32xbf16, #tpu.memory_space<vmem>>, vector<32x32xbf16>
    %get3A_98 = arith.constant 0 : index
    %get3A_99 = arith.constant 0 : index
    %get3A_100 = vector.load %arg34[%get3A_98, %get3A_99] : memref<256x32xbf16, #tpu.memory_space<vmem>>, vector<256x32xbf16>
    %get3A_101 = arith.constant 0 : index
    %get3A_102 = arith.constant 0 : index
    %get3A_103 = vector.load %arg35[%get3A_101, %get3A_102] : memref<1x32xf32, #tpu.memory_space<vmem>>, vector<1x32xf32>
    %get3A_104 = arith.constant 0 : index
    %get3A_105 = arith.constant 0 : index
    %get3A_106 = vector.load %arg36[%get3A_104, %get3A_105] : memref<32x32xbf16, #tpu.memory_space<vmem>>, vector<32x32xbf16>
    %get3A_107 = arith.constant 0 : index
    %get3A_108 = arith.constant 0 : index
    %get3A_109 = vector.load %arg37[%get3A_107, %get3A_108] : memref<256x128xbf16, #tpu.memory_space<vmem>>, vector<256x128xbf16>
    %get3A_110 = arith.constant 0 : index
    %get3A_111 = arith.constant 0 : index
    %get3A_112 = vector.load %arg38[%get3A_110, %get3A_111] : memref<32x128xbf16, #tpu.memory_space<vmem>>, vector<32x128xbf16>
    %get3A_113 = arith.constant 0 : index
    %get3A_114 = arith.constant 0 : index
    %get3A_115 = vector.load %arg39[%get3A_113, %get3A_114] : memref<1x128xf32, #tpu.memory_space<vmem>>, vector<1x128xf32>
    %get3A_116 = arith.constant 0 : index
    %get3A_117 = arith.constant 0 : index
    %get3A_118 = vector.load %arg40[%get3A_116, %get3A_117] : memref<32x16xbf16, #tpu.memory_space<vmem>>, vector<32x16xbf16>
    %get3A_119 = arith.constant 0 : index
    %get3A_120 = arith.constant 0 : index
    %get3A_121 = vector.load %arg41[%get3A_119, %get3A_120] : memref<128x16xbf16, #tpu.memory_space<vmem>>, vector<128x16xbf16>
    %get3A_122 = arith.constant 0 : index
    %get3A_123 = arith.constant 0 : index
    %get3A_124 = vector.load %arg42[%get3A_122, %get3A_123] : memref<1x16xf32, #tpu.memory_space<vmem>>, vector<1x16xf32>
    %get3A_125 = arith.constant 0 : index
    %get3A_126 = arith.constant 0 : index
    %get3A_127 = vector.load %arg43[%get3A_125, %get3A_126] : memref<1x128xf32, #tpu.memory_space<vmem>>, vector<1x128xf32>
    %get3A_128 = arith.constant 0 : index
    %get3A_129 = arith.constant 0 : index
    %get3A_130 = vector.load %arg44[%get3A_128, %get3A_129] : memref<1x128xf32, #tpu.memory_space<vmem>>, vector<1x128xf32>
    %get3A_131 = arith.constant 0 : index
    %get3A_132 = arith.constant 0 : index
    %get3A_133 = vector.load %arg45[%get3A_131, %get3A_132] : memref<1x128xf32, #tpu.memory_space<vmem>>, vector<1x128xf32>
    %get3A_134 = arith.constant 0 : index
    %get3A_135 = arith.constant 0 : index
    %get3A_136 = vector.load %arg46[%get3A_134, %get3A_135] : memref<1x128xf32, #tpu.memory_space<vmem>>, vector<1x128xf32>
    %slice3A = vector.extract_strided_slice %get3A_1 {offsets = [0, 0], sizes = [128, 128], strides = [1, 1]} : vector<128x256xf32> to vector<128x128xf32>
    %slice3A_137 = vector.extract_strided_slice %get3A_1 {offsets = [0, 128], sizes = [128, 16], strides = [1, 1]} : vector<128x256xf32> to vector<128x16xf32>
    %slice3A_138 = vector.extract_strided_slice %get3A_1 {offsets = [0, 144], sizes = [128, 16], strides = [1, 1]} : vector<128x256xf32> to vector<128x16xf32>
    %slice3A_139 = vector.extract_strided_slice %get3A_1 {offsets = [0, 160], sizes = [128, 16], strides = [1, 1]} : vector<128x256xf32> to vector<128x16xf32>
    %slice3A_140 = vector.extract_strided_slice %get3A_4 {offsets = [0, 0], sizes = [2048, 64], strides = [1, 1]} : vector<2048x128xf32> to vector<2048x64xf32>
    %bitcast_convert_type3A = tpu.bitcast %slice3A_140 : vector<2048x64xf32> -> vector<2048x64xi32>
    %shift_left3A = arith.constant 16 : i32
    %shift_left3A_141 = vector.broadcast %shift_left3A : i32 to vector<2048x64xi32>
    %shift_left3A_142 = arith.shli %bitcast_convert_type3A, %shift_left3A_141 : vector<2048x64xi32>
    %and3A = arith.constant -65536 : i32
    %and3A_143 = vector.broadcast %and3A : i32 to vector<2048x64xi32>
    %and3A_144 = arith.andi %bitcast_convert_type3A, %and3A_143 : vector<2048x64xi32>
    %bitcast_convert_type3A_145 = tpu.bitcast %shift_left3A_142 : vector<2048x64xi32> -> vector<2048x64xf32>
    %bitcast_convert_type3A_146 = tpu.bitcast %and3A_144 : vector<2048x64xi32> -> vector<2048x64xf32>
    %concatenate3A = tpu.concatenate %bitcast_convert_type3A_145, %bitcast_convert_type3A_146 in 1 : vector<2048x64xf32>, vector<2048x64xf32> -> vector<2048x128xf32>
    %slice3A_147 = vector.extract_strided_slice %get3A_4 {offsets = [0, 64], sizes = [2048, 24], strides = [1, 1]} : vector<2048x128xf32> to vector<2048x24xf32>
    %bitcast_convert_type3A_148 = tpu.bitcast %slice3A_147 : vector<2048x24xf32> -> vector<2048x24xi32>
    %shift_left3A_149 = arith.constant 16 : i32
    %shift_left3A_150 = vector.broadcast %shift_left3A_149 : i32 to vector<2048x24xi32>
    %shift_left3A_151 = arith.shli %bitcast_convert_type3A_148, %shift_left3A_150 : vector<2048x24xi32>
    %and3A_152 = arith.constant -65536 : i32
    %and3A_153 = vector.broadcast %and3A_152 : i32 to vector<2048x24xi32>
    %and3A_154 = arith.andi %bitcast_convert_type3A_148, %and3A_153 : vector<2048x24xi32>
    %bitcast_convert_type3A_155 = tpu.bitcast %shift_left3A_151 : vector<2048x24xi32> -> vector<2048x24xf32>
    %bitcast_convert_type3A_156 = tpu.bitcast %and3A_154 : vector<2048x24xi32> -> vector<2048x24xf32>
    %concatenate3A_157 = tpu.concatenate %bitcast_convert_type3A_155, %bitcast_convert_type3A_156 in 1 : vector<2048x24xf32>, vector<2048x24xf32> -> vector<2048x48xf32>
    %slice3A_158 = vector.extract_strided_slice %concatenate3A_157 {offsets = [0, 0], sizes = [2048, 16], strides = [1, 1]} : vector<2048x48xf32> to vector<2048x16xf32>
    %slice3A_159 = vector.extract_strided_slice %concatenate3A_157 {offsets = [0, 16], sizes = [2048, 16], strides = [1, 1]} : vector<2048x48xf32> to vector<2048x16xf32>
    %slice3A_160 = vector.extract_strided_slice %concatenate3A_157 {offsets = [0, 32], sizes = [2048, 16], strides = [1, 1]} : vector<2048x48xf32> to vector<2048x16xf32>
    %slice3A_161 = vector.extract_strided_slice %get3A_7 {offsets = [0, 0], sizes = [2048, 32], strides = [1, 1]} : vector<2048x48xf32> to vector<2048x32xf32>
    %slice3A_162 = vector.extract_strided_slice %get3A_7 {offsets = [0, 32], sizes = [2048, 1], strides = [1, 1]} : vector<2048x48xf32> to vector<2048x1xf32>
    %slice3A_163 = vector.extract_strided_slice %get3A_7 {offsets = [0, 33], sizes = [2048, 1], strides = [1, 1]} : vector<2048x48xf32> to vector<2048x1xf32>
    %slice3A_164 = vector.extract_strided_slice %get3A_7 {offsets = [0, 34], sizes = [2048, 1], strides = [1, 1]} : vector<2048x48xf32> to vector<2048x1xf32>
    %convert_element_type3A = arith.truncf %slice3A_137 : vector<128x16xf32> to vector<128x16xbf16>
    %dot_general3A = arith.constant dense<0.000000e+00> : vector<128x33xf32>
    %dot_general3A_165 = tpu.matmul %convert_element_type3A, %get3A_10, %dot_general3A {dimension_numbers = #tpu.dot_dimension_numbers<[1], [0], [0], [1], [0, 0, 1, 1], [], []>, transpose_lhs_hint = false} : vector<128x16xbf16>, vector<16x33xbf16>, vector<128x33xf32> -> vector<128x33xf32>
    %broadcast_in_dim3A = vector.shape_cast %dot_general3A_165 : vector<128x33xf32> to vector<128x1x33xf32>
    %broadcast_in_dim3A_166 = vector.shape_cast %broadcast_in_dim3A : vector<128x1x33xf32> to vector<128x1x33xf32>
    %broadcast_in_dim3A_167 = vector.broadcast %broadcast_in_dim3A_166 : vector<128x1x33xf32> to vector<128x16x33xf32>
    %reshape3A = vector.shape_cast %broadcast_in_dim3A_167 : vector<128x16x33xf32> to vector<2048x33xf32>
    %convert_element_type3A_168 = arith.truncf %slice3A_158 : vector<2048x16xf32> to vector<2048x16xbf16>
    %dot_general3A_169 = arith.constant dense<0.000000e+00> : vector<2048x33xf32>
    %dot_general3A_170 = tpu.matmul %convert_element_type3A_168, %get3A_13, %dot_general3A_169 {dimension_numbers = #tpu.dot_dimension_numbers<[1], [0], [0], [1], [0, 0, 1, 1], [], []>, transpose_lhs_hint = false} : vector<2048x16xbf16>, vector<16x33xbf16>, vector<2048x33xf32> -> vector<2048x33xf32>
    %add3A = arith.addf %reshape3A, %dot_general3A_170 : vector<2048x33xf32>
    %mul3A = vector.broadcast %slice3A_162 : vector<2048x1xf32> to vector<2048x33xf32>
    %mul3A_171 = vector.broadcast %get3A_16 : vector<1x33xf32> to vector<2048x33xf32>
    %mul3A_172 = arith.mulf %mul3A, %mul3A_171 : vector<2048x33xf32>
    %add3A_173 = arith.addf %add3A, %mul3A_172 : vector<2048x33xf32>
    %convert_element_type3A_174 = arith.truncf %slice3A_138 : vector<128x16xf32> to vector<128x16xbf16>
    %dot_general3A_175 = arith.constant dense<0.000000e+00> : vector<128x33xf32>
    %dot_general3A_176 = tpu.matmul %convert_element_type3A_174, %get3A_10, %dot_general3A_175 {dimension_numbers = #tpu.dot_dimension_numbers<[1], [0], [0], [1], [0, 0, 1, 1], [], []>, transpose_lhs_hint = false} : vector<128x16xbf16>, vector<16x33xbf16>, vector<128x33xf32> -> vector<128x33xf32>
    %broadcast_in_dim3A_177 = vector.shape_cast %dot_general3A_176 : vector<128x33xf32> to vector<128x1x33xf32>
    %broadcast_in_dim3A_178 = vector.shape_cast %broadcast_in_dim3A_177 : vector<128x1x33xf32> to vector<128x1x33xf32>
    %broadcast_in_dim3A_179 = vector.broadcast %broadcast_in_dim3A_178 : vector<128x1x33xf32> to vector<128x16x33xf32>
    %reshape3A_180 = vector.shape_cast %broadcast_in_dim3A_179 : vector<128x16x33xf32> to vector<2048x33xf32>
    %convert_element_type3A_181 = arith.truncf %slice3A_159 : vector<2048x16xf32> to vector<2048x16xbf16>
    %dot_general3A_182 = arith.constant dense<0.000000e+00> : vector<2048x33xf32>
    %dot_general3A_183 = tpu.matmul %convert_element_type3A_181, %get3A_13, %dot_general3A_182 {dimension_numbers = #tpu.dot_dimension_numbers<[1], [0], [0], [1], [0, 0, 1, 1], [], []>, transpose_lhs_hint = false} : vector<2048x16xbf16>, vector<16x33xbf16>, vector<2048x33xf32> -> vector<2048x33xf32>
    %add3A_184 = arith.addf %reshape3A_180, %dot_general3A_183 : vector<2048x33xf32>
    %mul3A_185 = vector.broadcast %slice3A_163 : vector<2048x1xf32> to vector<2048x33xf32>
    %mul3A_186 = vector.broadcast %get3A_16 : vector<1x33xf32> to vector<2048x33xf32>
    %mul3A_187 = arith.mulf %mul3A_185, %mul3A_186 : vector<2048x33xf32>
    %add3A_188 = arith.addf %add3A_184, %mul3A_187 : vector<2048x33xf32>
    %convert_element_type3A_189 = arith.truncf %slice3A_139 : vector<128x16xf32> to vector<128x16xbf16>
    %dot_general3A_190 = arith.constant dense<0.000000e+00> : vector<128x33xf32>
    %dot_general3A_191 = tpu.matmul %convert_element_type3A_189, %get3A_10, %dot_general3A_190 {dimension_numbers = #tpu.dot_dimension_numbers<[1], [0], [0], [1], [0, 0, 1, 1], [], []>, transpose_lhs_hint = false} : vector<128x16xbf16>, vector<16x33xbf16>, vector<128x33xf32> -> vector<128x33xf32>
    %broadcast_in_dim3A_192 = vector.shape_cast %dot_general3A_191 : vector<128x33xf32> to vector<128x1x33xf32>
    %broadcast_in_dim3A_193 = vector.shape_cast %broadcast_in_dim3A_192 : vector<128x1x33xf32> to vector<128x1x33xf32>
    %broadcast_in_dim3A_194 = vector.broadcast %broadcast_in_dim3A_193 : vector<128x1x33xf32> to vector<128x16x33xf32>
    %reshape3A_195 = vector.shape_cast %broadcast_in_dim3A_194 : vector<128x16x33xf32> to vector<2048x33xf32>
    %convert_element_type3A_196 = arith.truncf %slice3A_160 : vector<2048x16xf32> to vector<2048x16xbf16>
    %dot_general3A_197 = arith.constant dense<0.000000e+00> : vector<2048x33xf32>
    %dot_general3A_198 = tpu.matmul %convert_element_type3A_196, %get3A_13, %dot_general3A_197 {dimension_numbers = #tpu.dot_dimension_numbers<[1], [0], [0], [1], [0, 0, 1, 1], [], []>, transpose_lhs_hint = false} : vector<2048x16xbf16>, vector<16x33xbf16>, vector<2048x33xf32> -> vector<2048x33xf32>
    %add3A_199 = arith.addf %reshape3A_195, %dot_general3A_198 : vector<2048x33xf32>
    %mul3A_200 = vector.broadcast %slice3A_164 : vector<2048x1xf32> to vector<2048x33xf32>
    %mul3A_201 = vector.broadcast %get3A_16 : vector<1x33xf32> to vector<2048x33xf32>
    %mul3A_202 = arith.mulf %mul3A_200, %mul3A_201 : vector<2048x33xf32>
    %add3A_203 = arith.addf %add3A_199, %mul3A_202 : vector<2048x33xf32>
    %mul3A_204 = arith.mulf %add3A_173, %add3A_173 : vector<2048x33xf32>
    %mul3A_205 = arith.mulf %add3A_188, %add3A_188 : vector<2048x33xf32>
    %add3A_206 = arith.addf %mul3A_204, %mul3A_205 : vector<2048x33xf32>
    %mul3A_207 = arith.mulf %add3A_203, %add3A_203 : vector<2048x33xf32>
    %add3A_208 = arith.addf %add3A_206, %mul3A_207 : vector<2048x33xf32>
    %add3A_209 = arith.constant 9.99999993E-9 : f32
    %add3A_210 = vector.broadcast %add3A_209 : f32 to vector<2048x33xf32>
    %add3A_211 = arith.addf %add3A_208, %add3A_210 : vector<2048x33xf32>
    %sqrt3A = math.sqrt %add3A_211 : vector<2048x33xf32>
    %convert_element_type3A_212 = arith.truncf %slice3A : vector<128x128xf32> to vector<128x128xbf16>
    %dot_general3A_213 = arith.constant dense<0.000000e+00> : vector<128x128xf32>
    %dot_general3A_214 = tpu.matmul %convert_element_type3A_212, %get3A_19, %dot_general3A_213 {dimension_numbers = #tpu.dot_dimension_numbers<[1], [0], [0], [1], [0, 0, 1, 1], [], []>, transpose_lhs_hint = false} : vector<128x128xbf16>, vector<128x128xbf16>, vector<128x128xf32> -> vector<128x128xf32>
    %broadcast_in_dim3A_215 = vector.shape_cast %dot_general3A_214 : vector<128x128xf32> to vector<128x1x128xf32>
    %broadcast_in_dim3A_216 = vector.shape_cast %broadcast_in_dim3A_215 : vector<128x1x128xf32> to vector<128x1x128xf32>
    %broadcast_in_dim3A_217 = vector.broadcast %broadcast_in_dim3A_216 : vector<128x1x128xf32> to vector<128x16x128xf32>
    %reshape3A_218 = vector.shape_cast %broadcast_in_dim3A_217 : vector<128x16x128xf32> to vector<2048x128xf32>
    %convert_element_type3A_219 = arith.truncf %concatenate3A : vector<2048x128xf32> to vector<2048x128xbf16>
    %dot_general3A_220 = arith.constant dense<0.000000e+00> : vector<2048x128xf32>
    %dot_general3A_221 = tpu.matmul %convert_element_type3A_219, %get3A_22, %dot_general3A_220 {dimension_numbers = #tpu.dot_dimension_numbers<[1], [0], [0], [1], [0, 0, 1, 1], [], []>, transpose_lhs_hint = false} : vector<2048x128xbf16>, vector<128x128xbf16>, vector<2048x128xf32> -> vector<2048x128xf32>
    %add3A_222 = arith.addf %reshape3A_218, %dot_general3A_221 : vector<2048x128xf32>
    %convert_element_type3A_223 = arith.truncf %slice3A_161 : vector<2048x32xf32> to vector<2048x32xbf16>
    %dot_general3A_224 = arith.constant dense<0.000000e+00> : vector<2048x128xf32>
    %dot_general3A_225 = tpu.matmul %convert_element_type3A_223, %get3A_25, %dot_general3A_224 {dimension_numbers = #tpu.dot_dimension_numbers<[1], [0], [0], [1], [0, 0, 1, 1], [], []>, transpose_lhs_hint = false} : vector<2048x32xbf16>, vector<32x128xbf16>, vector<2048x128xf32> -> vector<2048x128xf32>
    %add3A_226 = arith.addf %add3A_222, %dot_general3A_225 : vector<2048x128xf32>
    %convert_element_type3A_227 = arith.truncf %sqrt3A : vector<2048x33xf32> to vector<2048x33xbf16>
    %dot_general3A_228 = arith.constant dense<0.000000e+00> : vector<2048x128xf32>
    %dot_general3A_229 = tpu.matmul %convert_element_type3A_227, %get3A_28, %dot_general3A_228 {dimension_numbers = #tpu.dot_dimension_numbers<[1], [0], [0], [1], [0, 0, 1, 1], [], []>, transpose_lhs_hint = false} : vector<2048x33xbf16>, vector<33x128xbf16>, vector<2048x128xf32> -> vector<2048x128xf32>
    %add3A_230 = arith.addf %add3A_226, %dot_general3A_229 : vector<2048x128xf32>
    %add3A_231 = vector.broadcast %get3A_31 : vector<1x128xf32> to vector<2048x128xf32>
    %add3A_232 = arith.addf %add3A_230, %add3A_231 : vector<2048x128xf32>
    %convert_element_type3A_233 = arith.truncf %add3A_173 : vector<2048x33xf32> to vector<2048x33xbf16>
    %dot_general3A_234 = arith.constant dense<0.000000e+00> : vector<2048x16xf32>
    %dot_general3A_235 = tpu.matmul %convert_element_type3A_233, %get3A_34, %dot_general3A_234 {dimension_numbers = #tpu.dot_dimension_numbers<[1], [0], [0], [1], [0, 0, 1, 1], [], []>, transpose_lhs_hint = false} : vector<2048x33xbf16>, vector<33x16xbf16>, vector<2048x16xf32> -> vector<2048x16xf32>
    %convert_element_type3A_236 = arith.truncf %add3A_188 : vector<2048x33xf32> to vector<2048x33xbf16>
    %dot_general3A_237 = arith.constant dense<0.000000e+00> : vector<2048x16xf32>
    %dot_general3A_238 = tpu.matmul %convert_element_type3A_236, %get3A_34, %dot_general3A_237 {dimension_numbers = #tpu.dot_dimension_numbers<[1], [0], [0], [1], [0, 0, 1, 1], [], []>, transpose_lhs_hint = false} : vector<2048x33xbf16>, vector<33x16xbf16>, vector<2048x16xf32> -> vector<2048x16xf32>
    %convert_element_type3A_239 = arith.truncf %add3A_203 : vector<2048x33xf32> to vector<2048x33xbf16>
    %dot_general3A_240 = arith.constant dense<0.000000e+00> : vector<2048x16xf32>
    %dot_general3A_241 = tpu.matmul %convert_element_type3A_239, %get3A_34, %dot_general3A_240 {dimension_numbers = #tpu.dot_dimension_numbers<[1], [0], [0], [1], [0, 0, 1, 1], [], []>, transpose_lhs_hint = false} : vector<2048x33xbf16>, vector<33x16xbf16>, vector<2048x16xf32> -> vector<2048x16xf32>
    %convert_element_type3A_242 = arith.truncf %add3A_232 : vector<2048x128xf32> to vector<2048x128xbf16>
    %dot_general3A_243 = arith.constant dense<0.000000e+00> : vector<2048x16xf32>
    %dot_general3A_244 = tpu.matmul %convert_element_type3A_242, %get3A_37, %dot_general3A_243 {dimension_numbers = #tpu.dot_dimension_numbers<[1], [0], [0], [1], [0, 0, 1, 1], [], []>, transpose_lhs_hint = false} : vector<2048x128xbf16>, vector<128x16xbf16>, vector<2048x16xf32> -> vector<2048x16xf32>
    %add3A_245 = vector.broadcast %get3A_40 : vector<1x16xf32> to vector<2048x16xf32>
    %add3A_246 = arith.addf %dot_general3A_244, %add3A_245 : vector<2048x16xf32>
    %logistic3A = arith.negf %add3A_246 : vector<2048x16xf32>
    %logistic3A_247 = math.exp %logistic3A : vector<2048x16xf32>
    %logistic3A_248 = arith.constant 1.000000e+00 : f32
    %logistic3A_249 = vector.broadcast %logistic3A_248 : f32 to vector<2048x16xf32>
    %logistic3A_250 = arith.addf %logistic3A_249, %logistic3A_247 : vector<2048x16xf32>
    %logistic3A_251 = arith.divf %logistic3A_249, %logistic3A_250 : vector<2048x16xf32>
    %mul3A_252 = arith.mulf %dot_general3A_235, %logistic3A_251 : vector<2048x16xf32>
    %mul3A_253 = arith.mulf %dot_general3A_238, %logistic3A_251 : vector<2048x16xf32>
    %mul3A_254 = arith.mulf %dot_general3A_241, %logistic3A_251 : vector<2048x16xf32>
    %max3A = arith.constant 0.000000e+00 : f32
    %max3A_255 = vector.broadcast %max3A : f32 to vector<2048x128xf32>
    %max3A_256 = arith.maximumf %add3A_232, %max3A_255 : vector<2048x128xf32>
    %convert_element_type3A_257 = arith.truncf %mul3A_252 : vector<2048x16xf32> to vector<2048x16xbf16>
    %dot_general3A_258 = arith.constant dense<0.000000e+00> : vector<2048x16xf32>
    %dot_general3A_259 = tpu.matmul %convert_element_type3A_257, %get3A_43, %dot_general3A_258 {dimension_numbers = #tpu.dot_dimension_numbers<[1], [0], [0], [1], [0, 0, 1, 1], [], []>, transpose_lhs_hint = false} : vector<2048x16xbf16>, vector<16x16xbf16>, vector<2048x16xf32> -> vector<2048x16xf32>
    %convert_element_type3A_260 = arith.truncf %mul3A_253 : vector<2048x16xf32> to vector<2048x16xbf16>
    %dot_general3A_261 = arith.constant dense<0.000000e+00> : vector<2048x16xf32>
    %dot_general3A_262 = tpu.matmul %convert_element_type3A_260, %get3A_43, %dot_general3A_261 {dimension_numbers = #tpu.dot_dimension_numbers<[1], [0], [0], [1], [0, 0, 1, 1], [], []>, transpose_lhs_hint = false} : vector<2048x16xbf16>, vector<16x16xbf16>, vector<2048x16xf32> -> vector<2048x16xf32>
    %convert_element_type3A_263 = arith.truncf %mul3A_254 : vector<2048x16xf32> to vector<2048x16xbf16>
    %dot_general3A_264 = arith.constant dense<0.000000e+00> : vector<2048x16xf32>
    %dot_general3A_265 = tpu.matmul %convert_element_type3A_263, %get3A_43, %dot_general3A_264 {dimension_numbers = #tpu.dot_dimension_numbers<[1], [0], [0], [1], [0, 0, 1, 1], [], []>, transpose_lhs_hint = false} : vector<2048x16xbf16>, vector<16x16xbf16>, vector<2048x16xf32> -> vector<2048x16xf32>
    %mul3A_266 = arith.mulf %dot_general3A_259, %dot_general3A_259 : vector<2048x16xf32>
    %mul3A_267 = arith.mulf %dot_general3A_262, %dot_general3A_262 : vector<2048x16xf32>
    %add3A_268 = arith.addf %mul3A_266, %mul3A_267 : vector<2048x16xf32>
    %mul3A_269 = arith.mulf %dot_general3A_265, %dot_general3A_265 : vector<2048x16xf32>
    %add3A_270 = arith.addf %add3A_268, %mul3A_269 : vector<2048x16xf32>
    %add3A_271 = arith.constant 9.99999993E-9 : f32
    %add3A_272 = vector.broadcast %add3A_271 : f32 to vector<2048x16xf32>
    %add3A_273 = arith.addf %add3A_270, %add3A_272 : vector<2048x16xf32>
    %sqrt3A_274 = math.sqrt %add3A_273 : vector<2048x16xf32>
    %convert_element_type3A_275 = arith.truncf %max3A_256 : vector<2048x128xf32> to vector<2048x128xbf16>
    %dot_general3A_276 = arith.constant dense<0.000000e+00> : vector<2048x128xf32>
    %dot_general3A_277 = tpu.matmul %convert_element_type3A_275, %get3A_46, %dot_general3A_276 {dimension_numbers = #tpu.dot_dimension_numbers<[1], [0], [0], [1], [0, 0, 1, 1], [], []>, transpose_lhs_hint = false} : vector<2048x128xbf16>, vector<128x128xbf16>, vector<2048x128xf32> -> vector<2048x128xf32>
    %convert_element_type3A_278 = arith.truncf %sqrt3A_274 : vector<2048x16xf32> to vector<2048x16xbf16>
    %dot_general3A_279 = arith.constant dense<0.000000e+00> : vector<2048x128xf32>
    %dot_general3A_280 = tpu.matmul %convert_element_type3A_278, %get3A_49, %dot_general3A_279 {dimension_numbers = #tpu.dot_dimension_numbers<[1], [0], [0], [1], [0, 0, 1, 1], [], []>, transpose_lhs_hint = false} : vector<2048x16xbf16>, vector<16x128xbf16>, vector<2048x128xf32> -> vector<2048x128xf32>
    %add3A_281 = arith.addf %dot_general3A_277, %dot_general3A_280 : vector<2048x128xf32>
    %add3A_282 = vector.broadcast %get3A_52 : vector<1x128xf32> to vector<2048x128xf32>
    %add3A_283 = arith.addf %add3A_281, %add3A_282 : vector<2048x128xf32>
    %convert_element_type3A_284 = arith.truncf %dot_general3A_259 : vector<2048x16xf32> to vector<2048x16xbf16>
    %dot_general3A_285 = arith.constant dense<0.000000e+00> : vector<2048x16xf32>
    %dot_general3A_286 = tpu.matmul %convert_element_type3A_284, %get3A_55, %dot_general3A_285 {dimension_numbers = #tpu.dot_dimension_numbers<[1], [0], [0], [1], [0, 0, 1, 1], [], []>, transpose_lhs_hint = false} : vector<2048x16xbf16>, vector<16x16xbf16>, vector<2048x16xf32> -> vector<2048x16xf32>
    %convert_element_type3A_287 = arith.truncf %dot_general3A_262 : vector<2048x16xf32> to vector<2048x16xbf16>
    %dot_general3A_288 = arith.constant dense<0.000000e+00> : vector<2048x16xf32>
    %dot_general3A_289 = tpu.matmul %convert_element_type3A_287, %get3A_55, %dot_general3A_288 {dimension_numbers = #tpu.dot_dimension_numbers<[1], [0], [0], [1], [0, 0, 1, 1], [], []>, transpose_lhs_hint = false} : vector<2048x16xbf16>, vector<16x16xbf16>, vector<2048x16xf32> -> vector<2048x16xf32>
    %convert_element_type3A_290 = arith.truncf %dot_general3A_265 : vector<2048x16xf32> to vector<2048x16xbf16>
    %dot_general3A_291 = arith.constant dense<0.000000e+00> : vector<2048x16xf32>
    %dot_general3A_292 = tpu.matmul %convert_element_type3A_290, %get3A_55, %dot_general3A_291 {dimension_numbers = #tpu.dot_dimension_numbers<[1], [0], [0], [1], [0, 0, 1, 1], [], []>, transpose_lhs_hint = false} : vector<2048x16xbf16>, vector<16x16xbf16>, vector<2048x16xf32> -> vector<2048x16xf32>
    %convert_element_type3A_293 = arith.truncf %add3A_283 : vector<2048x128xf32> to vector<2048x128xbf16>
    %dot_general3A_294 = arith.constant dense<0.000000e+00> : vector<2048x16xf32>
    %dot_general3A_295 = tpu.matmul %convert_element_type3A_293, %get3A_58, %dot_general3A_294 {dimension_numbers = #tpu.dot_dimension_numbers<[1], [0], [0], [1], [0, 0, 1, 1], [], []>, transpose_lhs_hint = false} : vector<2048x128xbf16>, vector<128x16xbf16>, vector<2048x16xf32> -> vector<2048x16xf32>
    %add3A_296 = vector.broadcast %get3A_61 : vector<1x16xf32> to vector<2048x16xf32>
    %add3A_297 = arith.addf %dot_general3A_295, %add3A_296 : vector<2048x16xf32>
    %logistic3A_298 = arith.negf %add3A_297 : vector<2048x16xf32>
    %logistic3A_299 = math.exp %logistic3A_298 : vector<2048x16xf32>
    %logistic3A_300 = arith.constant 1.000000e+00 : f32
    %logistic3A_301 = vector.broadcast %logistic3A_300 : f32 to vector<2048x16xf32>
    %logistic3A_302 = arith.addf %logistic3A_301, %logistic3A_299 : vector<2048x16xf32>
    %logistic3A_303 = arith.divf %logistic3A_301, %logistic3A_302 : vector<2048x16xf32>
    %mul3A_304 = arith.mulf %dot_general3A_286, %logistic3A_303 : vector<2048x16xf32>
    %mul3A_305 = arith.mulf %dot_general3A_289, %logistic3A_303 : vector<2048x16xf32>
    %mul3A_306 = arith.mulf %dot_general3A_292, %logistic3A_303 : vector<2048x16xf32>
    %max3A_307 = arith.constant 0.000000e+00 : f32
    %max3A_308 = vector.broadcast %max3A_307 : f32 to vector<2048x128xf32>
    %max3A_309 = arith.maximumf %add3A_283, %max3A_308 : vector<2048x128xf32>
    %convert_element_type3A_310 = arith.truncf %mul3A_304 : vector<2048x16xf32> to vector<2048x16xbf16>
    %dot_general3A_311 = arith.constant dense<0.000000e+00> : vector<2048x16xf32>
    %dot_general3A_312 = tpu.matmul %convert_element_type3A_310, %get3A_64, %dot_general3A_311 {dimension_numbers = #tpu.dot_dimension_numbers<[1], [0], [0], [1], [0, 0, 1, 1], [], []>, transpose_lhs_hint = false} : vector<2048x16xbf16>, vector<16x16xbf16>, vector<2048x16xf32> -> vector<2048x16xf32>
    %convert_element_type3A_313 = arith.truncf %mul3A_305 : vector<2048x16xf32> to vector<2048x16xbf16>
    %dot_general3A_314 = arith.constant dense<0.000000e+00> : vector<2048x16xf32>
    %dot_general3A_315 = tpu.matmul %convert_element_type3A_313, %get3A_64, %dot_general3A_314 {dimension_numbers = #tpu.dot_dimension_numbers<[1], [0], [0], [1], [0, 0, 1, 1], [], []>, transpose_lhs_hint = false} : vector<2048x16xbf16>, vector<16x16xbf16>, vector<2048x16xf32> -> vector<2048x16xf32>
    %convert_element_type3A_316 = arith.truncf %mul3A_306 : vector<2048x16xf32> to vector<2048x16xbf16>
    %dot_general3A_317 = arith.constant dense<0.000000e+00> : vector<2048x16xf32>
    %dot_general3A_318 = tpu.matmul %convert_element_type3A_316, %get3A_64, %dot_general3A_317 {dimension_numbers = #tpu.dot_dimension_numbers<[1], [0], [0], [1], [0, 0, 1, 1], [], []>, transpose_lhs_hint = false} : vector<2048x16xbf16>, vector<16x16xbf16>, vector<2048x16xf32> -> vector<2048x16xf32>
    %mul3A_319 = arith.mulf %dot_general3A_312, %dot_general3A_312 : vector<2048x16xf32>
    %mul3A_320 = arith.mulf %dot_general3A_315, %dot_general3A_315 : vector<2048x16xf32>
    %add3A_321 = arith.addf %mul3A_319, %mul3A_320 : vector<2048x16xf32>
    %mul3A_322 = arith.mulf %dot_general3A_318, %dot_general3A_318 : vector<2048x16xf32>
    %add3A_323 = arith.addf %add3A_321, %mul3A_322 : vector<2048x16xf32>
    %add3A_324 = arith.constant 9.99999993E-9 : f32
    %add3A_325 = vector.broadcast %add3A_324 : f32 to vector<2048x16xf32>
    %add3A_326 = arith.addf %add3A_323, %add3A_325 : vector<2048x16xf32>
    %sqrt3A_327 = math.sqrt %add3A_326 : vector<2048x16xf32>
    %convert_element_type3A_328 = arith.truncf %max3A_309 : vector<2048x128xf32> to vector<2048x128xbf16>
    %dot_general3A_329 = arith.constant dense<0.000000e+00> : vector<2048x128xf32>
    %dot_general3A_330 = tpu.matmul %convert_element_type3A_328, %get3A_67, %dot_general3A_329 {dimension_numbers = #tpu.dot_dimension_numbers<[1], [0], [0], [1], [0, 0, 1, 1], [], []>, transpose_lhs_hint = false} : vector<2048x128xbf16>, vector<128x128xbf16>, vector<2048x128xf32> -> vector<2048x128xf32>
    %convert_element_type3A_331 = arith.truncf %sqrt3A_327 : vector<2048x16xf32> to vector<2048x16xbf16>
    %dot_general3A_332 = arith.constant dense<0.000000e+00> : vector<2048x128xf32>
    %dot_general3A_333 = tpu.matmul %convert_element_type3A_331, %get3A_70, %dot_general3A_332 {dimension_numbers = #tpu.dot_dimension_numbers<[1], [0], [0], [1], [0, 0, 1, 1], [], []>, transpose_lhs_hint = false} : vector<2048x16xbf16>, vector<16x128xbf16>, vector<2048x128xf32> -> vector<2048x128xf32>
    %add3A_334 = arith.addf %dot_general3A_330, %dot_general3A_333 : vector<2048x128xf32>
    %add3A_335 = vector.broadcast %get3A_73 : vector<1x128xf32> to vector<2048x128xf32>
    %add3A_336 = arith.addf %add3A_334, %add3A_335 : vector<2048x128xf32>
    %convert_element_type3A_337 = arith.truncf %dot_general3A_312 : vector<2048x16xf32> to vector<2048x16xbf16>
    %dot_general3A_338 = arith.constant dense<0.000000e+00> : vector<2048x16xf32>
    %dot_general3A_339 = tpu.matmul %convert_element_type3A_337, %get3A_76, %dot_general3A_338 {dimension_numbers = #tpu.dot_dimension_numbers<[1], [0], [0], [1], [0, 0, 1, 1], [], []>, transpose_lhs_hint = false} : vector<2048x16xbf16>, vector<16x16xbf16>, vector<2048x16xf32> -> vector<2048x16xf32>
    %convert_element_type3A_340 = arith.truncf %dot_general3A_315 : vector<2048x16xf32> to vector<2048x16xbf16>
    %dot_general3A_341 = arith.constant dense<0.000000e+00> : vector<2048x16xf32>
    %dot_general3A_342 = tpu.matmul %convert_element_type3A_340, %get3A_76, %dot_general3A_341 {dimension_numbers = #tpu.dot_dimension_numbers<[1], [0], [0], [1], [0, 0, 1, 1], [], []>, transpose_lhs_hint = false} : vector<2048x16xbf16>, vector<16x16xbf16>, vector<2048x16xf32> -> vector<2048x16xf32>
    %convert_element_type3A_343 = arith.truncf %dot_general3A_318 : vector<2048x16xf32> to vector<2048x16xbf16>
    %dot_general3A_344 = arith.constant dense<0.000000e+00> : vector<2048x16xf32>
    %dot_general3A_345 = tpu.matmul %convert_element_type3A_343, %get3A_76, %dot_general3A_344 {dimension_numbers = #tpu.dot_dimension_numbers<[1], [0], [0], [1], [0, 0, 1, 1], [], []>, transpose_lhs_hint = false} : vector<2048x16xbf16>, vector<16x16xbf16>, vector<2048x16xf32> -> vector<2048x16xf32>
    %convert_element_type3A_346 = arith.truncf %add3A_336 : vector<2048x128xf32> to vector<2048x128xbf16>
    %dot_general3A_347 = arith.constant dense<0.000000e+00> : vector<2048x16xf32>
    %dot_general3A_348 = tpu.matmul %convert_element_type3A_346, %get3A_79, %dot_general3A_347 {dimension_numbers = #tpu.dot_dimension_numbers<[1], [0], [0], [1], [0, 0, 1, 1], [], []>, transpose_lhs_hint = false} : vector<2048x128xbf16>, vector<128x16xbf16>, vector<2048x16xf32> -> vector<2048x16xf32>
    %add3A_349 = vector.broadcast %get3A_82 : vector<1x16xf32> to vector<2048x16xf32>
    %add3A_350 = arith.addf %dot_general3A_348, %add3A_349 : vector<2048x16xf32>
    %logistic3A_351 = arith.negf %add3A_350 : vector<2048x16xf32>
    %logistic3A_352 = math.exp %logistic3A_351 : vector<2048x16xf32>
    %logistic3A_353 = arith.constant 1.000000e+00 : f32
    %logistic3A_354 = vector.broadcast %logistic3A_353 : f32 to vector<2048x16xf32>
    %logistic3A_355 = arith.addf %logistic3A_354, %logistic3A_352 : vector<2048x16xf32>
    %logistic3A_356 = arith.divf %logistic3A_354, %logistic3A_355 : vector<2048x16xf32>
    %mul3A_357 = arith.mulf %dot_general3A_339, %logistic3A_356 : vector<2048x16xf32>
    %mul3A_358 = arith.mulf %dot_general3A_342, %logistic3A_356 : vector<2048x16xf32>
    %mul3A_359 = arith.mulf %dot_general3A_345, %logistic3A_356 : vector<2048x16xf32>
    %reshape3A_360 = vector.shape_cast %add3A_336 : vector<2048x128xf32> to vector<128x16x128xf32>
    %reduce_sum3A = arith.constant dense<0.000000e+00> : vector<128x128xf32>
    %reduce_sum3A_361 = vector.multi_reduction <add>, %reshape3A_360, %reduce_sum3A [1] : vector<128x16x128xf32> to vector<128x128xf32>
    %mul3A_362 = arith.constant 6.250000e-02 : f32
    %mul3A_363 = vector.broadcast %mul3A_362 : f32 to vector<128x128xf32>
    %mul3A_364 = arith.mulf %reduce_sum3A_361, %mul3A_363 : vector<128x128xf32>
    %add3A_365 = arith.addf %slice3A, %mul3A_364 : vector<128x128xf32>
    %reduce_sum3A_366 = arith.constant dense<0.000000e+00> : vector<128xf32>
    %reduce_sum3A_367 = vector.multi_reduction <add>, %add3A_365, %reduce_sum3A_366 [1] : vector<128x128xf32> to vector<128xf32>
    %broadcast_in_dim3A_368 = vector.shape_cast %reduce_sum3A_367 : vector<128xf32> to vector<128x1xf32>
    %div3A = arith.constant 1.280000e+02 : f32
    %div3A_369 = vector.broadcast %div3A : f32 to vector<128x1xf32>
    %div3A_370 = arith.divf %broadcast_in_dim3A_368, %div3A_369 : vector<128x1xf32>
    %sub3A = vector.broadcast %div3A_370 : vector<128x1xf32> to vector<128x128xf32>
    %sub3A_371 = arith.subf %add3A_365, %sub3A : vector<128x128xf32>
    %mul3A_372 = arith.mulf %sub3A_371, %sub3A_371 : vector<128x128xf32>
    %reduce_sum3A_373 = arith.constant dense<0.000000e+00> : vector<128xf32>
    %reduce_sum3A_374 = vector.multi_reduction <add>, %mul3A_372, %reduce_sum3A_373 [1] : vector<128x128xf32> to vector<128xf32>
    %broadcast_in_dim3A_375 = vector.shape_cast %reduce_sum3A_374 : vector<128xf32> to vector<128x1xf32>
    %div3A_376 = arith.constant 1.280000e+02 : f32
    %div3A_377 = vector.broadcast %div3A_376 : f32 to vector<128x1xf32>
    %div3A_378 = arith.divf %broadcast_in_dim3A_375, %div3A_377 : vector<128x1xf32>
    %mul3A_379 = vector.broadcast %get3A_127 : vector<1x128xf32> to vector<128x128xf32>
    %mul3A_380 = arith.mulf %mul3A_379, %sub3A_371 : vector<128x128xf32>
    %add3A_381 = arith.constant 9.99999974E-5 : f32
    %add3A_382 = vector.broadcast %add3A_381 : f32 to vector<128x1xf32>
    %add3A_383 = arith.addf %div3A_378, %add3A_382 : vector<128x1xf32>
    %sqrt3A_384 = math.sqrt %add3A_383 : vector<128x1xf32>
    %div3A_385 = vector.broadcast %sqrt3A_384 : vector<128x1xf32> to vector<128x128xf32>
    %div3A_386 = arith.divf %mul3A_380, %div3A_385 : vector<128x128xf32>
    %add3A_387 = vector.broadcast %get3A_130 : vector<1x128xf32> to vector<128x128xf32>
    %add3A_388 = arith.addf %div3A_386, %add3A_387 : vector<128x128xf32>
    %reshape3A_389 = vector.shape_cast %mul3A_357 : vector<2048x16xf32> to vector<128x16x16xf32>
    %reduce_sum3A_390 = arith.constant dense<0.000000e+00> : vector<128x16xf32>
    %reduce_sum3A_391 = vector.multi_reduction <add>, %reshape3A_389, %reduce_sum3A_390 [1] : vector<128x16x16xf32> to vector<128x16xf32>
    %mul3A_392 = arith.constant 6.250000e-02 : f32
    %mul3A_393 = vector.broadcast %mul3A_392 : f32 to vector<128x16xf32>
    %mul3A_394 = arith.mulf %reduce_sum3A_391, %mul3A_393 : vector<128x16xf32>
    %add3A_395 = arith.addf %slice3A_137, %mul3A_394 : vector<128x16xf32>
    %reshape3A_396 = vector.shape_cast %mul3A_358 : vector<2048x16xf32> to vector<128x16x16xf32>
    %reduce_sum3A_397 = arith.constant dense<0.000000e+00> : vector<128x16xf32>
    %reduce_sum3A_398 = vector.multi_reduction <add>, %reshape3A_396, %reduce_sum3A_397 [1] : vector<128x16x16xf32> to vector<128x16xf32>
    %mul3A_399 = arith.constant 6.250000e-02 : f32
    %mul3A_400 = vector.broadcast %mul3A_399 : f32 to vector<128x16xf32>
    %mul3A_401 = arith.mulf %reduce_sum3A_398, %mul3A_400 : vector<128x16xf32>
    %add3A_402 = arith.addf %slice3A_138, %mul3A_401 : vector<128x16xf32>
    %reshape3A_403 = vector.shape_cast %mul3A_359 : vector<2048x16xf32> to vector<128x16x16xf32>
    %reduce_sum3A_404 = arith.constant dense<0.000000e+00> : vector<128x16xf32>
    %reduce_sum3A_405 = vector.multi_reduction <add>, %reshape3A_403, %reduce_sum3A_404 [1] : vector<128x16x16xf32> to vector<128x16xf32>
    %mul3A_406 = arith.constant 6.250000e-02 : f32
    %mul3A_407 = vector.broadcast %mul3A_406 : f32 to vector<128x16xf32>
    %mul3A_408 = arith.mulf %reduce_sum3A_405, %mul3A_407 : vector<128x16xf32>
    %add3A_409 = arith.addf %slice3A_139, %mul3A_408 : vector<128x16xf32>
    %mul3A_410 = arith.mulf %add3A_395, %add3A_395 : vector<128x16xf32>
    %mul3A_411 = arith.mulf %add3A_402, %add3A_402 : vector<128x16xf32>
    %add3A_412 = arith.addf %mul3A_410, %mul3A_411 : vector<128x16xf32>
    %mul3A_413 = arith.mulf %add3A_409, %add3A_409 : vector<128x16xf32>
    %add3A_414 = arith.addf %add3A_412, %mul3A_413 : vector<128x16xf32>
    %reduce_sum3A_415 = arith.constant dense<0.000000e+00> : vector<128xf32>
    %reduce_sum3A_416 = vector.multi_reduction <add>, %add3A_414, %reduce_sum3A_415 [1] : vector<128x16xf32> to vector<128xf32>
    %broadcast_in_dim3A_417 = vector.shape_cast %reduce_sum3A_416 : vector<128xf32> to vector<128x1xf32>
    %div3A_418 = arith.constant 1.600000e+01 : f32
    %div3A_419 = vector.broadcast %div3A_418 : f32 to vector<128x1xf32>
    %div3A_420 = arith.divf %broadcast_in_dim3A_417, %div3A_419 : vector<128x1xf32>
    %add3A_421 = arith.constant 9.99999974E-5 : f32
    %add3A_422 = vector.broadcast %add3A_421 : f32 to vector<128x1xf32>
    %add3A_423 = arith.addf %div3A_420, %add3A_422 : vector<128x1xf32>
    %sqrt3A_424 = math.sqrt %add3A_423 : vector<128x1xf32>
    %div3A_425 = vector.broadcast %sqrt3A_424 : vector<128x1xf32> to vector<128x16xf32>
    %div3A_426 = arith.divf %add3A_395, %div3A_425 : vector<128x16xf32>
    %div3A_427 = vector.broadcast %sqrt3A_424 : vector<128x1xf32> to vector<128x16xf32>
    %div3A_428 = arith.divf %add3A_402, %div3A_427 : vector<128x16xf32>
    %div3A_429 = vector.broadcast %sqrt3A_424 : vector<128x1xf32> to vector<128x16xf32>
    %div3A_430 = arith.divf %add3A_409, %div3A_429 : vector<128x16xf32>
    %convert_element_type3A_431 = arith.truncf %div3A_426 : vector<128x16xf32> to vector<128x16xbf16>
    %dot_general3A_432 = arith.constant dense<0.000000e+00> : vector<128x32xf32>
    %dot_general3A_433 = tpu.matmul %convert_element_type3A_431, %get3A_85, %dot_general3A_432 {dimension_numbers = #tpu.dot_dimension_numbers<[1], [0], [0], [1], [0, 0, 1, 1], [], []>, transpose_lhs_hint = false} : vector<128x16xbf16>, vector<16x32xbf16>, vector<128x32xf32> -> vector<128x32xf32>
    %convert_element_type3A_434 = arith.truncf %div3A_428 : vector<128x16xf32> to vector<128x16xbf16>
    %dot_general3A_435 = arith.constant dense<0.000000e+00> : vector<128x32xf32>
    %dot_general3A_436 = tpu.matmul %convert_element_type3A_434, %get3A_85, %dot_general3A_435 {dimension_numbers = #tpu.dot_dimension_numbers<[1], [0], [0], [1], [0, 0, 1, 1], [], []>, transpose_lhs_hint = false} : vector<128x16xbf16>, vector<16x32xbf16>, vector<128x32xf32> -> vector<128x32xf32>
    %convert_element_type3A_437 = arith.truncf %div3A_430 : vector<128x16xf32> to vector<128x16xbf16>
    %dot_general3A_438 = arith.constant dense<0.000000e+00> : vector<128x32xf32>
    %dot_general3A_439 = tpu.matmul %convert_element_type3A_437, %get3A_85, %dot_general3A_438 {dimension_numbers = #tpu.dot_dimension_numbers<[1], [0], [0], [1], [0, 0, 1, 1], [], []>, transpose_lhs_hint = false} : vector<128x16xbf16>, vector<16x32xbf16>, vector<128x32xf32> -> vector<128x32xf32>
    %mul3A_440 = arith.mulf %dot_general3A_433, %dot_general3A_433 : vector<128x32xf32>
    %mul3A_441 = arith.mulf %dot_general3A_436, %dot_general3A_436 : vector<128x32xf32>
    %add3A_442 = arith.addf %mul3A_440, %mul3A_441 : vector<128x32xf32>
    %mul3A_443 = arith.mulf %dot_general3A_439, %dot_general3A_439 : vector<128x32xf32>
    %add3A_444 = arith.addf %add3A_442, %mul3A_443 : vector<128x32xf32>
    %add3A_445 = arith.constant 9.99999993E-9 : f32
    %add3A_446 = vector.broadcast %add3A_445 : f32 to vector<128x32xf32>
    %add3A_447 = arith.addf %add3A_444, %add3A_446 : vector<128x32xf32>
    %sqrt3A_448 = math.sqrt %add3A_447 : vector<128x32xf32>
    %convert_element_type3A_449 = arith.truncf %add3A_388 : vector<128x128xf32> to vector<128x128xbf16>
    %dot_general3A_450 = arith.constant dense<0.000000e+00> : vector<128x256xf32>
    %dot_general3A_451 = tpu.matmul %convert_element_type3A_449, %get3A_88, %dot_general3A_450 {dimension_numbers = #tpu.dot_dimension_numbers<[1], [0], [0], [1], [0, 0, 1, 1], [], []>, transpose_lhs_hint = false} : vector<128x128xbf16>, vector<128x256xbf16>, vector<128x256xf32> -> vector<128x256xf32>
    %convert_element_type3A_452 = arith.truncf %sqrt3A_448 : vector<128x32xf32> to vector<128x32xbf16>
    %dot_general3A_453 = arith.constant dense<0.000000e+00> : vector<128x256xf32>
    %dot_general3A_454 = tpu.matmul %convert_element_type3A_452, %get3A_91, %dot_general3A_453 {dimension_numbers = #tpu.dot_dimension_numbers<[1], [0], [0], [1], [0, 0, 1, 1], [], []>, transpose_lhs_hint = false} : vector<128x32xbf16>, vector<32x256xbf16>, vector<128x256xf32> -> vector<128x256xf32>
    %add3A_455 = arith.addf %dot_general3A_451, %dot_general3A_454 : vector<128x256xf32>
    %add3A_456 = vector.broadcast %get3A_94 : vector<1x256xf32> to vector<128x256xf32>
    %add3A_457 = arith.addf %add3A_455, %add3A_456 : vector<128x256xf32>
    %convert_element_type3A_458 = arith.truncf %dot_general3A_433 : vector<128x32xf32> to vector<128x32xbf16>
    %dot_general3A_459 = arith.constant dense<0.000000e+00> : vector<128x32xf32>
    %dot_general3A_460 = tpu.matmul %convert_element_type3A_458, %get3A_97, %dot_general3A_459 {dimension_numbers = #tpu.dot_dimension_numbers<[1], [0], [0], [1], [0, 0, 1, 1], [], []>, transpose_lhs_hint = false} : vector<128x32xbf16>, vector<32x32xbf16>, vector<128x32xf32> -> vector<128x32xf32>
    %convert_element_type3A_461 = arith.truncf %dot_general3A_436 : vector<128x32xf32> to vector<128x32xbf16>
    %dot_general3A_462 = arith.constant dense<0.000000e+00> : vector<128x32xf32>
    %dot_general3A_463 = tpu.matmul %convert_element_type3A_461, %get3A_97, %dot_general3A_462 {dimension_numbers = #tpu.dot_dimension_numbers<[1], [0], [0], [1], [0, 0, 1, 1], [], []>, transpose_lhs_hint = false} : vector<128x32xbf16>, vector<32x32xbf16>, vector<128x32xf32> -> vector<128x32xf32>
    %convert_element_type3A_464 = arith.truncf %dot_general3A_439 : vector<128x32xf32> to vector<128x32xbf16>
    %dot_general3A_465 = arith.constant dense<0.000000e+00> : vector<128x32xf32>
    %dot_general3A_466 = tpu.matmul %convert_element_type3A_464, %get3A_97, %dot_general3A_465 {dimension_numbers = #tpu.dot_dimension_numbers<[1], [0], [0], [1], [0, 0, 1, 1], [], []>, transpose_lhs_hint = false} : vector<128x32xbf16>, vector<32x32xbf16>, vector<128x32xf32> -> vector<128x32xf32>
    %convert_element_type3A_467 = arith.truncf %add3A_457 : vector<128x256xf32> to vector<128x256xbf16>
    %dot_general3A_468 = arith.constant dense<0.000000e+00> : vector<128x32xf32>
    %dot_general3A_469 = tpu.matmul %convert_element_type3A_467, %get3A_100, %dot_general3A_468 {dimension_numbers = #tpu.dot_dimension_numbers<[1], [0], [0], [1], [0, 0, 1, 1], [], []>, transpose_lhs_hint = false} : vector<128x256xbf16>, vector<256x32xbf16>, vector<128x32xf32> -> vector<128x32xf32>
    %add3A_470 = vector.broadcast %get3A_103 : vector<1x32xf32> to vector<128x32xf32>
    %add3A_471 = arith.addf %dot_general3A_469, %add3A_470 : vector<128x32xf32>
    %logistic3A_472 = arith.negf %add3A_471 : vector<128x32xf32>
    %logistic3A_473 = math.exp %logistic3A_472 : vector<128x32xf32>
    %logistic3A_474 = arith.constant 1.000000e+00 : f32
    %logistic3A_475 = vector.broadcast %logistic3A_474 : f32 to vector<128x32xf32>
    %logistic3A_476 = arith.addf %logistic3A_475, %logistic3A_473 : vector<128x32xf32>
    %logistic3A_477 = arith.divf %logistic3A_475, %logistic3A_476 : vector<128x32xf32>
    %mul3A_478 = arith.mulf %dot_general3A_460, %logistic3A_477 : vector<128x32xf32>
    %mul3A_479 = arith.mulf %dot_general3A_463, %logistic3A_477 : vector<128x32xf32>
    %mul3A_480 = arith.mulf %dot_general3A_466, %logistic3A_477 : vector<128x32xf32>
    %max3A_481 = arith.constant 0.000000e+00 : f32
    %max3A_482 = vector.broadcast %max3A_481 : f32 to vector<128x256xf32>
    %max3A_483 = arith.maximumf %add3A_457, %max3A_482 : vector<128x256xf32>
    %convert_element_type3A_484 = arith.truncf %mul3A_478 : vector<128x32xf32> to vector<128x32xbf16>
    %dot_general3A_485 = arith.constant dense<0.000000e+00> : vector<128x32xf32>
    %dot_general3A_486 = tpu.matmul %convert_element_type3A_484, %get3A_106, %dot_general3A_485 {dimension_numbers = #tpu.dot_dimension_numbers<[1], [0], [0], [1], [0, 0, 1, 1], [], []>, transpose_lhs_hint = false} : vector<128x32xbf16>, vector<32x32xbf16>, vector<128x32xf32> -> vector<128x32xf32>
    %convert_element_type3A_487 = arith.truncf %mul3A_479 : vector<128x32xf32> to vector<128x32xbf16>
    %dot_general3A_488 = arith.constant dense<0.000000e+00> : vector<128x32xf32>
    %dot_general3A_489 = tpu.matmul %convert_element_type3A_487, %get3A_106, %dot_general3A_488 {dimension_numbers = #tpu.dot_dimension_numbers<[1], [0], [0], [1], [0, 0, 1, 1], [], []>, transpose_lhs_hint = false} : vector<128x32xbf16>, vector<32x32xbf16>, vector<128x32xf32> -> vector<128x32xf32>
    %convert_element_type3A_490 = arith.truncf %mul3A_480 : vector<128x32xf32> to vector<128x32xbf16>
    %dot_general3A_491 = arith.constant dense<0.000000e+00> : vector<128x32xf32>
    %dot_general3A_492 = tpu.matmul %convert_element_type3A_490, %get3A_106, %dot_general3A_491 {dimension_numbers = #tpu.dot_dimension_numbers<[1], [0], [0], [1], [0, 0, 1, 1], [], []>, transpose_lhs_hint = false} : vector<128x32xbf16>, vector<32x32xbf16>, vector<128x32xf32> -> vector<128x32xf32>
    %mul3A_493 = arith.mulf %dot_general3A_486, %dot_general3A_486 : vector<128x32xf32>
    %mul3A_494 = arith.mulf %dot_general3A_489, %dot_general3A_489 : vector<128x32xf32>
    %add3A_495 = arith.addf %mul3A_493, %mul3A_494 : vector<128x32xf32>
    %mul3A_496 = arith.mulf %dot_general3A_492, %dot_general3A_492 : vector<128x32xf32>
    %add3A_497 = arith.addf %add3A_495, %mul3A_496 : vector<128x32xf32>
    %add3A_498 = arith.constant 9.99999993E-9 : f32
    %add3A_499 = vector.broadcast %add3A_498 : f32 to vector<128x32xf32>
    %add3A_500 = arith.addf %add3A_497, %add3A_499 : vector<128x32xf32>
    %sqrt3A_501 = math.sqrt %add3A_500 : vector<128x32xf32>
    %convert_element_type3A_502 = arith.truncf %max3A_483 : vector<128x256xf32> to vector<128x256xbf16>
    %dot_general3A_503 = arith.constant dense<0.000000e+00> : vector<128x128xf32>
    %dot_general3A_504 = tpu.matmul %convert_element_type3A_502, %get3A_109, %dot_general3A_503 {dimension_numbers = #tpu.dot_dimension_numbers<[1], [0], [0], [1], [0, 0, 1, 1], [], []>, transpose_lhs_hint = false} : vector<128x256xbf16>, vector<256x128xbf16>, vector<128x128xf32> -> vector<128x128xf32>
    %convert_element_type3A_505 = arith.truncf %sqrt3A_501 : vector<128x32xf32> to vector<128x32xbf16>
    %dot_general3A_506 = arith.constant dense<0.000000e+00> : vector<128x128xf32>
    %dot_general3A_507 = tpu.matmul %convert_element_type3A_505, %get3A_112, %dot_general3A_506 {dimension_numbers = #tpu.dot_dimension_numbers<[1], [0], [0], [1], [0, 0, 1, 1], [], []>, transpose_lhs_hint = false} : vector<128x32xbf16>, vector<32x128xbf16>, vector<128x128xf32> -> vector<128x128xf32>
    %add3A_508 = arith.addf %dot_general3A_504, %dot_general3A_507 : vector<128x128xf32>
    %add3A_509 = vector.broadcast %get3A_115 : vector<1x128xf32> to vector<128x128xf32>
    %add3A_510 = arith.addf %add3A_508, %add3A_509 : vector<128x128xf32>
    %convert_element_type3A_511 = arith.truncf %dot_general3A_486 : vector<128x32xf32> to vector<128x32xbf16>
    %dot_general3A_512 = arith.constant dense<0.000000e+00> : vector<128x16xf32>
    %dot_general3A_513 = tpu.matmul %convert_element_type3A_511, %get3A_118, %dot_general3A_512 {dimension_numbers = #tpu.dot_dimension_numbers<[1], [0], [0], [1], [0, 0, 1, 1], [], []>, transpose_lhs_hint = false} : vector<128x32xbf16>, vector<32x16xbf16>, vector<128x16xf32> -> vector<128x16xf32>
    %convert_element_type3A_514 = arith.truncf %dot_general3A_489 : vector<128x32xf32> to vector<128x32xbf16>
    %dot_general3A_515 = arith.constant dense<0.000000e+00> : vector<128x16xf32>
    %dot_general3A_516 = tpu.matmul %convert_element_type3A_514, %get3A_118, %dot_general3A_515 {dimension_numbers = #tpu.dot_dimension_numbers<[1], [0], [0], [1], [0, 0, 1, 1], [], []>, transpose_lhs_hint = false} : vector<128x32xbf16>, vector<32x16xbf16>, vector<128x16xf32> -> vector<128x16xf32>
    %convert_element_type3A_517 = arith.truncf %dot_general3A_492 : vector<128x32xf32> to vector<128x32xbf16>
    %dot_general3A_518 = arith.constant dense<0.000000e+00> : vector<128x16xf32>
    %dot_general3A_519 = tpu.matmul %convert_element_type3A_517, %get3A_118, %dot_general3A_518 {dimension_numbers = #tpu.dot_dimension_numbers<[1], [0], [0], [1], [0, 0, 1, 1], [], []>, transpose_lhs_hint = false} : vector<128x32xbf16>, vector<32x16xbf16>, vector<128x16xf32> -> vector<128x16xf32>
    %convert_element_type3A_520 = arith.truncf %add3A_510 : vector<128x128xf32> to vector<128x128xbf16>
    %dot_general3A_521 = arith.constant dense<0.000000e+00> : vector<128x16xf32>
    %dot_general3A_522 = tpu.matmul %convert_element_type3A_520, %get3A_121, %dot_general3A_521 {dimension_numbers = #tpu.dot_dimension_numbers<[1], [0], [0], [1], [0, 0, 1, 1], [], []>, transpose_lhs_hint = false} : vector<128x128xbf16>, vector<128x16xbf16>, vector<128x16xf32> -> vector<128x16xf32>
    %add3A_523 = vector.broadcast %get3A_124 : vector<1x16xf32> to vector<128x16xf32>
    %add3A_524 = arith.addf %dot_general3A_522, %add3A_523 : vector<128x16xf32>
    %logistic3A_525 = arith.negf %add3A_524 : vector<128x16xf32>
    %logistic3A_526 = math.exp %logistic3A_525 : vector<128x16xf32>
    %logistic3A_527 = arith.constant 1.000000e+00 : f32
    %logistic3A_528 = vector.broadcast %logistic3A_527 : f32 to vector<128x16xf32>
    %logistic3A_529 = arith.addf %logistic3A_528, %logistic3A_526 : vector<128x16xf32>
    %logistic3A_530 = arith.divf %logistic3A_528, %logistic3A_529 : vector<128x16xf32>
    %mul3A_531 = arith.mulf %dot_general3A_513, %logistic3A_530 : vector<128x16xf32>
    %mul3A_532 = arith.mulf %dot_general3A_516, %logistic3A_530 : vector<128x16xf32>
    %mul3A_533 = arith.mulf %dot_general3A_519, %logistic3A_530 : vector<128x16xf32>
    %add3A_534 = arith.addf %add3A_388, %add3A_510 : vector<128x128xf32>
    %reduce_sum3A_535 = arith.constant dense<0.000000e+00> : vector<128xf32>
    %reduce_sum3A_536 = vector.multi_reduction <add>, %add3A_534, %reduce_sum3A_535 [1] : vector<128x128xf32> to vector<128xf32>
    %broadcast_in_dim3A_537 = vector.shape_cast %reduce_sum3A_536 : vector<128xf32> to vector<128x1xf32>
    %div3A_538 = arith.constant 1.280000e+02 : f32
    %div3A_539 = vector.broadcast %div3A_538 : f32 to vector<128x1xf32>
    %div3A_540 = arith.divf %broadcast_in_dim3A_537, %div3A_539 : vector<128x1xf32>
    %sub3A_541 = vector.broadcast %div3A_540 : vector<128x1xf32> to vector<128x128xf32>
    %sub3A_542 = arith.subf %add3A_534, %sub3A_541 : vector<128x128xf32>
    %mul3A_543 = arith.mulf %sub3A_542, %sub3A_542 : vector<128x128xf32>
    %reduce_sum3A_544 = arith.constant dense<0.000000e+00> : vector<128xf32>
    %reduce_sum3A_545 = vector.multi_reduction <add>, %mul3A_543, %reduce_sum3A_544 [1] : vector<128x128xf32> to vector<128xf32>
    %broadcast_in_dim3A_546 = vector.shape_cast %reduce_sum3A_545 : vector<128xf32> to vector<128x1xf32>
    %div3A_547 = arith.constant 1.280000e+02 : f32
    %div3A_548 = vector.broadcast %div3A_547 : f32 to vector<128x1xf32>
    %div3A_549 = arith.divf %broadcast_in_dim3A_546, %div3A_548 : vector<128x1xf32>
    %mul3A_550 = vector.broadcast %get3A_133 : vector<1x128xf32> to vector<128x128xf32>
    %mul3A_551 = arith.mulf %mul3A_550, %sub3A_542 : vector<128x128xf32>
    %add3A_552 = arith.constant 9.99999974E-5 : f32
    %add3A_553 = vector.broadcast %add3A_552 : f32 to vector<128x1xf32>
    %add3A_554 = arith.addf %div3A_549, %add3A_553 : vector<128x1xf32>
    %sqrt3A_555 = math.sqrt %add3A_554 : vector<128x1xf32>
    %div3A_556 = vector.broadcast %sqrt3A_555 : vector<128x1xf32> to vector<128x128xf32>
    %div3A_557 = arith.divf %mul3A_551, %div3A_556 : vector<128x128xf32>
    %add3A_558 = vector.broadcast %get3A_136 : vector<1x128xf32> to vector<128x128xf32>
    %add3A_559 = arith.addf %div3A_557, %add3A_558 : vector<128x128xf32>
    %add3A_560 = arith.addf %div3A_426, %mul3A_531 : vector<128x16xf32>
    %add3A_561 = arith.addf %div3A_428, %mul3A_532 : vector<128x16xf32>
    %add3A_562 = arith.addf %div3A_430, %mul3A_533 : vector<128x16xf32>
    %mul3A_563 = arith.mulf %add3A_560, %add3A_560 : vector<128x16xf32>
    %mul3A_564 = arith.mulf %add3A_561, %add3A_561 : vector<128x16xf32>
    %add3A_565 = arith.addf %mul3A_563, %mul3A_564 : vector<128x16xf32>
    %mul3A_566 = arith.mulf %add3A_562, %add3A_562 : vector<128x16xf32>
    %add3A_567 = arith.addf %add3A_565, %mul3A_566 : vector<128x16xf32>
    %reduce_sum3A_568 = arith.constant dense<0.000000e+00> : vector<128xf32>
    %reduce_sum3A_569 = vector.multi_reduction <add>, %add3A_567, %reduce_sum3A_568 [1] : vector<128x16xf32> to vector<128xf32>
    %broadcast_in_dim3A_570 = vector.shape_cast %reduce_sum3A_569 : vector<128xf32> to vector<128x1xf32>
    %div3A_571 = arith.constant 1.600000e+01 : f32
    %div3A_572 = vector.broadcast %div3A_571 : f32 to vector<128x1xf32>
    %div3A_573 = arith.divf %broadcast_in_dim3A_570, %div3A_572 : vector<128x1xf32>
    %add3A_574 = arith.constant 9.99999974E-5 : f32
    %add3A_575 = vector.broadcast %add3A_574 : f32 to vector<128x1xf32>
    %add3A_576 = arith.addf %div3A_573, %add3A_575 : vector<128x1xf32>
    %sqrt3A_577 = math.sqrt %add3A_576 : vector<128x1xf32>
    %div3A_578 = vector.broadcast %sqrt3A_577 : vector<128x1xf32> to vector<128x16xf32>
    %div3A_579 = arith.divf %add3A_560, %div3A_578 : vector<128x16xf32>
    %div3A_580 = vector.broadcast %sqrt3A_577 : vector<128x1xf32> to vector<128x16xf32>
    %div3A_581 = arith.divf %add3A_561, %div3A_580 : vector<128x16xf32>
    %div3A_582 = vector.broadcast %sqrt3A_577 : vector<128x1xf32> to vector<128x16xf32>
    %div3A_583 = arith.divf %add3A_562, %div3A_582 : vector<128x16xf32>
    %broadcast_in_dim3A_584 = arith.constant 0.000000e+00 : f32
    %broadcast_in_dim3A_585 = vector.broadcast %broadcast_in_dim3A_584 : f32 to vector<128x80xf32>
    %concatenate3A_586 = tpu.concatenate %add3A_559, %div3A_579, %div3A_581, %div3A_583, %broadcast_in_dim3A_585 in 1 : vector<128x128xf32>, vector<128x16xf32>, vector<128x16xf32>, vector<128x16xf32>, vector<128x80xf32> -> vector<128x256xf32>
    %swap3A = arith.constant 0 : index
    %swap3A_587 = arith.constant 0 : index
    %swap3A_588 = vector.load %arg47[%swap3A, %swap3A_587] : memref<128x256xf32, #tpu.memory_space<vmem>>, vector<128x256xf32>
    tpu.vector_store %arg47[%swap3A, %swap3A_587], %concatenate3A_586 {strides = array<i32>} : memref<128x256xf32, #tpu.memory_space<vmem>>, vector<128x256xf32>,
    %convert_element_type3A_589 = arith.truncf %add3A_559 : vector<128x128xf32> to vector<128x128xbf16>
    %convert_element_type3A_590 = arith.extf %convert_element_type3A_589 : vector<128x128xbf16> to vector<128x128xf32>
    %bitcast_convert_type3A_591 = tpu.bitcast %convert_element_type3A_590 : vector<128x128xf32> -> vector<128x128xi32>
    %slice3A_592 = vector.extract_strided_slice %bitcast_convert_type3A_591 {offsets = [0, 0], sizes = [128, 64], strides = [1, 1]} : vector<128x128xi32> to vector<128x64xi32>
    %shift_right_logical3A = arith.constant 16 : i32
    %shift_right_logical3A_593 = vector.broadcast %shift_right_logical3A : i32 to vector<128x64xi32>
    %shift_right_logical3A_594 = arith.shrui %slice3A_592, %shift_right_logical3A_593 : vector<128x64xi32>
    %slice3A_595 = vector.extract_strided_slice %bitcast_convert_type3A_591 {offsets = [0, 64], sizes = [128, 64], strides = [1, 1]} : vector<128x128xi32> to vector<128x64xi32>
    %or3A = arith.ori %shift_right_logical3A_594, %slice3A_595 : vector<128x64xi32>
    %bitcast_convert_type3A_596 = tpu.bitcast %or3A : vector<128x64xi32> -> vector<128x64xf32>
    %concatenate3A_597 = tpu.concatenate %div3A_579, %div3A_581, %div3A_583 in 1 : vector<128x16xf32>, vector<128x16xf32>, vector<128x16xf32> -> vector<128x48xf32>
    %convert_element_type3A_598 = arith.truncf %concatenate3A_597 : vector<128x48xf32> to vector<128x48xbf16>
    %convert_element_type3A_599 = arith.extf %convert_element_type3A_598 : vector<128x48xbf16> to vector<128x48xf32>
    %bitcast_convert_type3A_600 = tpu.bitcast %convert_element_type3A_599 : vector<128x48xf32> -> vector<128x48xi32>
    %slice3A_601 = vector.extract_strided_slice %bitcast_convert_type3A_600 {offsets = [0, 0], sizes = [128, 24], strides = [1, 1]} : vector<128x48xi32> to vector<128x24xi32>
    %shift_right_logical3A_602 = arith.constant 16 : i32
    %shift_right_logical3A_603 = vector.broadcast %shift_right_logical3A_602 : i32 to vector<128x24xi32>
    %shift_right_logical3A_604 = arith.shrui %slice3A_601, %shift_right_logical3A_603 : vector<128x24xi32>
    %slice3A_605 = vector.extract_strided_slice %bitcast_convert_type3A_600 {offsets = [0, 24], sizes = [128, 24], strides = [1, 1]} : vector<128x48xi32> to vector<128x24xi32>
    %or3A_606 = arith.ori %shift_right_logical3A_604, %slice3A_605 : vector<128x24xi32>
    %bitcast_convert_type3A_607 = tpu.bitcast %or3A_606 : vector<128x24xi32> -> vector<128x24xf32>
    %broadcast_in_dim3A_608 = arith.constant 0.000000e+00 : f32
    %broadcast_in_dim3A_609 = vector.broadcast %broadcast_in_dim3A_608 : f32 to vector<128x40xf32>
    %concatenate3A_610 = tpu.concatenate %bitcast_convert_type3A_596, %bitcast_convert_type3A_607, %broadcast_in_dim3A_609 in 1 : vector<128x64xf32>, vector<128x24xf32>, vector<128x40xf32> -> vector<128x128xf32>
    %swap3A_611 = arith.constant 0 : index
    %swap3A_612 = arith.constant 0 : index
    %swap3A_613 = vector.load %arg48[%swap3A_611, %swap3A_612] : memref<128x128xf32, #tpu.memory_space<vmem>>, vector<128x128xf32>
    tpu.vector_store %arg48[%swap3A_611, %swap3A_612], %concatenate3A_610 {strides = array<i32>} : memref<128x128xf32, #tpu.memory_space<vmem>>, vector<128x128xf32>,
    return
  }
  func.func @transform_0(%arg0: i32) -> (i32, i32) {
    %c0_i32 = arith.constant 0 : i32
    %c0_i32_0 = arith.constant 0 : i32
    return %arg0, %c0_i32 : i32, i32
  }
  func.func @transform_1(%arg0: i32) -> (i32, i32) {
    %c0_i32 = arith.constant 0 : i32
    %c0_i32_0 = arith.constant 0 : i32
    return %arg0, %c0_i32 : i32, i32
  }
  func.func @transform_2(%arg0: i32) -> (i32, i32) {
    %c0_i32 = arith.constant 0 : i32
    %c0_i32_0 = arith.constant 0 : i32
    return %arg0, %c0_i32 : i32, i32
  }
  func.func @transform_3(%arg0: i32) -> (i32, i32) {
    %c0_i32 = arith.constant 0 : i32
    %c0_i32_0 = arith.constant 0 : i32
    %c0_i32_1 = arith.constant 0 : i32
    return %c0_i32, %c0_i32_0 : i32, i32
  }
  func.func @transform_4(%arg0: i32) -> (i32, i32) {
    %c0_i32 = arith.constant 0 : i32
    %c0_i32_0 = arith.constant 0 : i32
    %c0_i32_1 = arith.constant 0 : i32
    return %c0_i32, %c0_i32_0 : i32, i32
  }
  func.func @transform_5(%arg0: i32) -> (i32, i32) {
    %c0_i32 = arith.constant 0 : i32
    %c0_i32_0 = arith.constant 0 : i32
    %c0_i32_1 = arith.constant 0 : i32
    return %c0_i32, %c0_i32_0 : i32, i32
  }
  func.func @transform_6(%arg0: i32) -> (i32, i32) {
    %c0_i32 = arith.constant 0 : i32
    %c0_i32_0 = arith.constant 0 : i32
    %c0_i32_1 = arith.constant 0 : i32
    return %c0_i32, %c0_i32_0 : i32, i32
  }
  func.func @transform_7(%arg0: i32) -> (i32, i32) {
    %c0_i32 = arith.constant 0 : i32
    %c0_i32_0 = arith.constant 0 : i32
    %c0_i32_1 = arith.constant 0 : i32
    return %c0_i32, %c0_i32_0 : i32, i32
  }
  func.func @transform_8(%arg0: i32) -> (i32, i32) {
    %c0_i32 = arith.constant 0 : i32
    %c0_i32_0 = arith.constant 0 : i32
    %c0_i32_1 = arith.constant 0 : i32
    return %c0_i32, %c0_i32_0 : i32, i32
  }
  func.func @transform_9(%arg0: i32) -> (i32, i32) {
    %c0_i32 = arith.constant 0 : i32
    %c0_i32_0 = arith.constant 0 : i32
    %c0_i32_1 = arith.constant 0 : i32
    return %c0_i32, %c0_i32_0 : i32, i32
  }
  func.func @transform_10(%arg0: i32) -> (i32, i32) {
    %c0_i32 = arith.constant 0 : i32
    %c0_i32_0 = arith.constant 0 : i32
    %c0_i32_1 = arith.constant 0 : i32
    return %c0_i32, %c0_i32_0 : i32, i32
  }
  func.func @transform_11(%arg0: i32) -> (i32, i32) {
    %c0_i32 = arith.constant 0 : i32
    %c0_i32_0 = arith.constant 0 : i32
    %c0_i32_1 = arith.constant 0 : i32
    return %c0_i32, %c0_i32_0 : i32, i32
  }
  func.func @transform_12(%arg0: i32) -> (i32, i32) {
    %c0_i32 = arith.constant 0 : i32
    %c0_i32_0 = arith.constant 0 : i32
    %c0_i32_1 = arith.constant 0 : i32
    return %c0_i32, %c0_i32_0 : i32, i32
  }
  func.func @transform_13(%arg0: i32) -> (i32, i32) {
    %c0_i32 = arith.constant 0 : i32
    %c0_i32_0 = arith.constant 0 : i32
    %c0_i32_1 = arith.constant 0 : i32
    return %c0_i32, %c0_i32_0 : i32, i32
  }
  func.func @transform_14(%arg0: i32) -> (i32, i32) {
    %c0_i32 = arith.constant 0 : i32
    %c0_i32_0 = arith.constant 0 : i32
    %c0_i32_1 = arith.constant 0 : i32
    return %c0_i32, %c0_i32_0 : i32, i32
  }
  func.func @transform_15(%arg0: i32) -> (i32, i32) {
    %c0_i32 = arith.constant 0 : i32
    %c0_i32_0 = arith.constant 0 : i32
    %c0_i32_1 = arith.constant 0 : i32
    return %c0_i32, %c0_i32_0 : i32, i32
  }
  func.func @transform_16(%arg0: i32) -> (i32, i32) {
    %c0_i32 = arith.constant 0 : i32
    %c0_i32_0 = arith.constant 0 : i32
    %c0_i32_1 = arith.constant 0 : i32
    return %c0_i32, %c0_i32_0 : i32, i32
  }
  func.func @transform_17(%arg0: i32) -> (i32, i32) {
    %c0_i32 = arith.constant 0 : i32
    %c0_i32_0 = arith.constant 0 : i32
    %c0_i32_1 = arith.constant 0 : i32
    return %c0_i32, %c0_i32_0 : i32, i32
  }
  func.func @transform_18(%arg0: i32) -> (i32, i32) {
    %c0_i32 = arith.constant 0 : i32
    %c0_i32_0 = arith.constant 0 : i32
    %c0_i32_1 = arith.constant 0 : i32
    return %c0_i32, %c0_i32_0 : i32, i32
  }
  func.func @transform_19(%arg0: i32) -> (i32, i32) {
    %c0_i32 = arith.constant 0 : i32
    %c0_i32_0 = arith.constant 0 : i32
    %c0_i32_1 = arith.constant 0 : i32
    return %c0_i32, %c0_i32_0 : i32, i32
  }
  func.func @transform_20(%arg0: i32) -> (i32, i32) {
    %c0_i32 = arith.constant 0 : i32
    %c0_i32_0 = arith.constant 0 : i32
    %c0_i32_1 = arith.constant 0 : i32
    return %c0_i32, %c0_i32_0 : i32, i32
  }
  func.func @transform_21(%arg0: i32) -> (i32, i32) {
    %c0_i32 = arith.constant 0 : i32
    %c0_i32_0 = arith.constant 0 : i32
    %c0_i32_1 = arith.constant 0 : i32
    return %c0_i32, %c0_i32_0 : i32, i32
  }
  func.func @transform_22(%arg0: i32) -> (i32, i32) {
    %c0_i32 = arith.constant 0 : i32
    %c0_i32_0 = arith.constant 0 : i32
    %c0_i32_1 = arith.constant 0 : i32
    return %c0_i32, %c0_i32_0 : i32, i32
  }
  func.func @transform_23(%arg0: i32) -> (i32, i32) {
    %c0_i32 = arith.constant 0 : i32
    %c0_i32_0 = arith.constant 0 : i32
    %c0_i32_1 = arith.constant 0 : i32
    return %c0_i32, %c0_i32_0 : i32, i32
  }
  func.func @transform_24(%arg0: i32) -> (i32, i32) {
    %c0_i32 = arith.constant 0 : i32
    %c0_i32_0 = arith.constant 0 : i32
    %c0_i32_1 = arith.constant 0 : i32
    return %c0_i32, %c0_i32_0 : i32, i32
  }
  func.func @transform_25(%arg0: i32) -> (i32, i32) {
    %c0_i32 = arith.constant 0 : i32
    %c0_i32_0 = arith.constant 0 : i32
    %c0_i32_1 = arith.constant 0 : i32
    return %c0_i32, %c0_i32_0 : i32, i32
  }
  func.func @transform_26(%arg0: i32) -> (i32, i32) {
    %c0_i32 = arith.constant 0 : i32
    %c0_i32_0 = arith.constant 0 : i32
    %c0_i32_1 = arith.constant 0 : i32
    return %c0_i32, %c0_i32_0 : i32, i32
  }
  func.func @transform_27(%arg0: i32) -> (i32, i32) {
    %c0_i32 = arith.constant 0 : i32
    %c0_i32_0 = arith.constant 0 : i32
    %c0_i32_1 = arith.constant 0 : i32
    return %c0_i32, %c0_i32_0 : i32, i32
  }
  func.func @transform_28(%arg0: i32) -> (i32, i32) {
    %c0_i32 = arith.constant 0 : i32
    %c0_i32_0 = arith.constant 0 : i32
    %c0_i32_1 = arith.constant 0 : i32
    return %c0_i32, %c0_i32_0 : i32, i32
  }
  func.func @transform_29(%arg0: i32) -> (i32, i32) {
    %c0_i32 = arith.constant 0 : i32
    %c0_i32_0 = arith.constant 0 : i32
    %c0_i32_1 = arith.constant 0 : i32
    return %c0_i32, %c0_i32_0 : i32, i32
  }
  func.func @transform_30(%arg0: i32) -> (i32, i32) {
    %c0_i32 = arith.constant 0 : i32
    %c0_i32_0 = arith.constant 0 : i32
    %c0_i32_1 = arith.constant 0 : i32
    return %c0_i32, %c0_i32_0 : i32, i32
  }
  func.func @transform_31(%arg0: i32) -> (i32, i32) {
    %c0_i32 = arith.constant 0 : i32
    %c0_i32_0 = arith.constant 0 : i32
    %c0_i32_1 = arith.constant 0 : i32
    return %c0_i32, %c0_i32_0 : i32, i32
  }
  func.func @transform_32(%arg0: i32) -> (i32, i32) {
    %c0_i32 = arith.constant 0 : i32
    %c0_i32_0 = arith.constant 0 : i32
    %c0_i32_1 = arith.constant 0 : i32
    return %c0_i32, %c0_i32_0 : i32, i32
  }
  func.func @transform_33(%arg0: i32) -> (i32, i32) {
    %c0_i32 = arith.constant 0 : i32
    %c0_i32_0 = arith.constant 0 : i32
    %c0_i32_1 = arith.constant 0 : i32
    return %c0_i32, %c0_i32_0 : i32, i32
  }
  func.func @transform_34(%arg0: i32) -> (i32, i32) {
    %c0_i32 = arith.constant 0 : i32
    %c0_i32_0 = arith.constant 0 : i32
    %c0_i32_1 = arith.constant 0 : i32
    return %c0_i32, %c0_i32_0 : i32, i32
  }
  func.func @transform_35(%arg0: i32) -> (i32, i32) {
    %c0_i32 = arith.constant 0 : i32
    %c0_i32_0 = arith.constant 0 : i32
    %c0_i32_1 = arith.constant 0 : i32
    return %c0_i32, %c0_i32_0 : i32, i32
  }
  func.func @transform_36(%arg0: i32) -> (i32, i32) {
    %c0_i32 = arith.constant 0 : i32
    %c0_i32_0 = arith.constant 0 : i32
    %c0_i32_1 = arith.constant 0 : i32
    return %c0_i32, %c0_i32_0 : i32, i32
  }
  func.func @transform_37(%arg0: i32) -> (i32, i32) {
    %c0_i32 = arith.constant 0 : i32
    %c0_i32_0 = arith.constant 0 : i32
    %c0_i32_1 = arith.constant 0 : i32
    return %c0_i32, %c0_i32_0 : i32, i32
  }
  func.func @transform_38(%arg0: i32) -> (i32, i32) {
    %c0_i32 = arith.constant 0 : i32
    %c0_i32_0 = arith.constant 0 : i32
    %c0_i32_1 = arith.constant 0 : i32
    return %c0_i32, %c0_i32_0 : i32, i32
  }
  func.func @transform_39(%arg0: i32) -> (i32, i32) {
    %c0_i32 = arith.constant 0 : i32
    %c0_i32_0 = arith.constant 0 : i32
    %c0_i32_1 = arith.constant 0 : i32
    return %c0_i32, %c0_i32_0 : i32, i32
  }
  func.func @transform_40(%arg0: i32) -> (i32, i32) {
    %c0_i32 = arith.constant 0 : i32
    %c0_i32_0 = arith.constant 0 : i32
    %c0_i32_1 = arith.constant 0 : i32
    return %c0_i32, %c0_i32_0 : i32, i32
  }
  func.func @transform_41(%arg0: i32) -> (i32, i32) {
    %c0_i32 = arith.constant 0 : i32
    %c0_i32_0 = arith.constant 0 : i32
    %c0_i32_1 = arith.constant 0 : i32
    return %c0_i32, %c0_i32_0 : i32, i32
  }
  func.func @transform_42(%arg0: i32) -> (i32, i32) {
    %c0_i32 = arith.constant 0 : i32
    %c0_i32_0 = arith.constant 0 : i32
    %c0_i32_1 = arith.constant 0 : i32
    return %c0_i32, %c0_i32_0 : i32, i32
  }
  func.func @transform_43(%arg0: i32) -> (i32, i32) {
    %c0_i32 = arith.constant 0 : i32
    %c0_i32_0 = arith.constant 0 : i32
    %c0_i32_1 = arith.constant 0 : i32
    return %c0_i32, %c0_i32_0 : i32, i32
  }
  func.func @transform_44(%arg0: i32) -> (i32, i32) {
    %c0_i32 = arith.constant 0 : i32
    %c0_i32_0 = arith.constant 0 : i32
    %c0_i32_1 = arith.constant 0 : i32
    return %c0_i32, %c0_i32_0 : i32, i32
  }
  func.func @transform_45(%arg0: i32) -> (i32, i32) {
    %c0_i32 = arith.constant 0 : i32
    %c0_i32_0 = arith.constant 0 : i32
    %c0_i32_1 = arith.constant 0 : i32
    return %c0_i32, %c0_i32_0 : i32, i32
  }
  func.func @transform_46(%arg0: i32) -> (i32, i32) {
    %c0_i32 = arith.constant 0 : i32
    %c0_i32_0 = arith.constant 0 : i32
    return %arg0, %c0_i32 : i32, i32
  }
  func.func @transform_47(%arg0: i32) -> (i32, i32) {
    %c0_i32 = arith.constant 0 : i32
    %c0_i32_0 = arith.constant 0 : i32
    return %arg0, %c0_i32 : i32, i32
  }
}

module attributes {stable_mosaic.version = 14 : i64} {
  func.func @body(%arg0: i32, %arg1: memref<128x256xf32, #tpu.memory_space<vmem>>, %arg2: memref<2048x128xf32, #tpu.memory_space<vmem>>, %arg3: memref<2048x48xf32, #tpu.memory_space<vmem>>, %arg4: memref<16x33xbf16, #tpu.memory_space<vmem>>, %arg5: memref<16x33xbf16, #tpu.memory_space<vmem>>, %arg6: memref<1x33xf32, #tpu.memory_space<vmem>>, %arg7: memref<128x128xbf16, #tpu.memory_space<vmem>>, %arg8: memref<128x128xbf16, #tpu.memory_space<vmem>>, %arg9: memref<32x128xbf16, #tpu.memory_space<vmem>>, %arg10: memref<33x128xbf16, #tpu.memory_space<vmem>>, %arg11: memref<1x128xf32, #tpu.memory_space<vmem>>, %arg12: memref<33x16xbf16, #tpu.memory_space<vmem>>, %arg13: memref<128x16xbf16, #tpu.memory_space<vmem>>, %arg14: memref<1x16xf32, #tpu.memory_space<vmem>>, %arg15: memref<16x16xbf16, #tpu.memory_space<vmem>>, %arg16: memref<128x128xbf16, #tpu.memory_space<vmem>>, %arg17: memref<16x128xbf16, #tpu.memory_space<vmem>>, %arg18: memref<1x128xf32, #tpu.memory_space<vmem>>, %arg19: memref<16x16xbf16, #tpu.memory_space<vmem>>, %arg20: memref<128x16xbf16, #tpu.memory_space<vmem>>, %arg21: memref<1x16xf32, #tpu.memory_space<vmem>>, %arg22: memref<16x16xbf16, #tpu.memory_space<vmem>>, %arg23: memref<128x128xbf16, #tpu.memory_space<vmem>>, %arg24: memref<16x128xbf16, #tpu.memory_space<vmem>>, %arg25: memref<1x128xf32, #tpu.memory_space<vmem>>, %arg26: memref<16x16xbf16, #tpu.memory_space<vmem>>, %arg27: memref<128x16xbf16, #tpu.memory_space<vmem>>, %arg28: memref<1x16xf32, #tpu.memory_space<vmem>>, %arg29: memref<16x32xbf16, #tpu.memory_space<vmem>>, %arg30: memref<128x256xbf16, #tpu.memory_space<vmem>>, %arg31: memref<32x256xbf16, #tpu.memory_space<vmem>>, %arg32: memref<1x256xf32, #tpu.memory_space<vmem>>, %arg33: memref<32x32xbf16, #tpu.memory_space<vmem>>, %arg34: memref<256x32xbf16, #tpu.memory_space<vmem>>, %arg35: memref<1x32xf32, #tpu.memory_space<vmem>>, %arg36: memref<32x32xbf16, #tpu.memory_space<vmem>>, %arg37: memref<256x128xbf16, #tpu.memory_space<vmem>>, %arg38: memref<32x128xbf16, #tpu.memory_space<vmem>>, %arg39: memref<1x128xf32, #tpu.memory_space<vmem>>, %arg40: memref<32x16xbf16, #tpu.memory_space<vmem>>, %arg41: memref<128x16xbf16, #tpu.memory_space<vmem>>, %arg42: memref<1x16xf32, #tpu.memory_space<vmem>>, %arg43: memref<1x128xf32, #tpu.memory_space<vmem>>, %arg44: memref<1x128xf32, #tpu.memory_space<vmem>>, %arg45: memref<1x128xf32, #tpu.memory_space<vmem>>, %arg46: memref<1x128xf32, #tpu.memory_space<vmem>>, %arg47: memref<128x16xf32, #tpu.memory_space<vmem>>, %arg48: memref<128x256xf32, #tpu.memory_space<vmem>>) attributes {dimension_semantics = [#tpu.dimension_semantics<arbitrary>], iteration_bounds = array<i64: 80>, scalar_prefetch = 0 : i64, scratch_operands = 0 : i64, tpu.core_type = #tpu.core_type<tc>, window_params = [{transform_indices = @transform_0, window_bounds = array<i64: 128, 256>}, {transform_indices = @transform_1, window_bounds = array<i64: 2048, 128>}, {transform_indices = @transform_2, window_bounds = array<i64: 2048, 48>}, {pipeline_mode = #tpu.pipeline_mode<synchronous>, transform_indices = @transform_3, window_bounds = array<i64: 16, 33>}, {pipeline_mode = #tpu.pipeline_mode<synchronous>, transform_indices = @transform_4, window_bounds = array<i64: 16, 33>}, {pipeline_mode = #tpu.pipeline_mode<synchronous>, transform_indices = @transform_5, window_bounds = array<i64: 1, 33>}, {pipeline_mode = #tpu.pipeline_mode<synchronous>, transform_indices = @transform_6, window_bounds = array<i64: 128, 128>}, {pipeline_mode = #tpu.pipeline_mode<synchronous>, transform_indices = @transform_7, window_bounds = array<i64: 128, 128>}, {pipeline_mode = #tpu.pipeline_mode<synchronous>, transform_indices = @transform_8, window_bounds = array<i64: 32, 128>}, {pipeline_mode = #tpu.pipeline_mode<synchronous>, transform_indices = @transform_9, window_bounds = array<i64: 33, 128>}, {pipeline_mode = #tpu.pipeline_mode<synchronous>, transform_indices = @transform_10, window_bounds = array<i64: 1, 128>}, {pipeline_mode = #tpu.pipeline_mode<synchronous>, transform_indices = @transform_11, window_bounds = array<i64: 33, 16>}, {pipeline_mode = #tpu.pipeline_mode<synchronous>, transform_indices = @transform_12, window_bounds = array<i64: 128, 16>}, {pipeline_mode = #tpu.pipeline_mode<synchronous>, transform_indices = @transform_13, window_bounds = array<i64: 1, 16>}, {pipeline_mode = #tpu.pipeline_mode<synchronous>, transform_indices = @transform_14, window_bounds = array<i64: 16, 16>}, {pipeline_mode = #tpu.pipeline_mode<synchronous>, transform_indices = @transform_15, window_bounds = array<i64: 128, 128>}, {pipeline_mode = #tpu.pipeline_mode<synchronous>, transform_indices = @transform_16, window_bounds = array<i64: 16, 128>}, {pipeline_mode = #tpu.pipeline_mode<synchronous>, transform_indices = @transform_17, window_bounds = array<i64: 1, 128>}, {pipeline_mode = #tpu.pipeline_mode<synchronous>, transform_indices = @transform_18, window_bounds = array<i64: 16, 16>}, {pipeline_mode = #tpu.pipeline_mode<synchronous>, transform_indices = @transform_19, window_bounds = array<i64: 128, 16>}, {pipeline_mode = #tpu.pipeline_mode<synchronous>, transform_indices = @transform_20, window_bounds = array<i64: 1, 16>}, {pipeline_mode = #tpu.pipeline_mode<synchronous>, transform_indices = @transform_21, window_bounds = array<i64: 16, 16>}, {pipeline_mode = #tpu.pipeline_mode<synchronous>, transform_indices = @transform_22, window_bounds = array<i64: 128, 128>}, {pipeline_mode = #tpu.pipeline_mode<synchronous>, transform_indices = @transform_23, window_bounds = array<i64: 16, 128>}, {pipeline_mode = #tpu.pipeline_mode<synchronous>, transform_indices = @transform_24, window_bounds = array<i64: 1, 128>}, {pipeline_mode = #tpu.pipeline_mode<synchronous>, transform_indices = @transform_25, window_bounds = array<i64: 16, 16>}, {pipeline_mode = #tpu.pipeline_mode<synchronous>, transform_indices = @transform_26, window_bounds = array<i64: 128, 16>}, {pipeline_mode = #tpu.pipeline_mode<synchronous>, transform_indices = @transform_27, window_bounds = array<i64: 1, 16>}, {pipeline_mode = #tpu.pipeline_mode<synchronous>, transform_indices = @transform_28, window_bounds = array<i64: 16, 32>}, {pipeline_mode = #tpu.pipeline_mode<synchronous>, transform_indices = @transform_29, window_bounds = array<i64: 128, 256>}, {pipeline_mode = #tpu.pipeline_mode<synchronous>, transform_indices = @transform_30, window_bounds = array<i64: 32, 256>}, {pipeline_mode = #tpu.pipeline_mode<synchronous>, transform_indices = @transform_31, window_bounds = array<i64: 1, 256>}, {pipeline_mode = #tpu.pipeline_mode<synchronous>, transform_indices = @transform_32, window_bounds = array<i64: 32, 32>}, {pipeline_mode = #tpu.pipeline_mode<synchronous>, transform_indices = @transform_33, window_bounds = array<i64: 256, 32>}, {pipeline_mode = #tpu.pipeline_mode<synchronous>, transform_indices = @transform_34, window_bounds = array<i64: 1, 32>}, {pipeline_mode = #tpu.pipeline_mode<synchronous>, transform_indices = @transform_35, window_bounds = array<i64: 32, 32>}, {pipeline_mode = #tpu.pipeline_mode<synchronous>, transform_indices = @transform_36, window_bounds = array<i64: 256, 128>}, {pipeline_mode = #tpu.pipeline_mode<synchronous>, transform_indices = @transform_37, window_bounds = array<i64: 32, 128>}, {pipeline_mode = #tpu.pipeline_mode<synchronous>, transform_indices = @transform_38, window_bounds = array<i64: 1, 128>}, {pipeline_mode = #tpu.pipeline_mode<synchronous>, transform_indices = @transform_39, window_bounds = array<i64: 32, 16>}, {pipeline_mode = #tpu.pipeline_mode<synchronous>, transform_indices = @transform_40, window_bounds = array<i64: 128, 16>}, {pipeline_mode = #tpu.pipeline_mode<synchronous>, transform_indices = @transform_41, window_bounds = array<i64: 1, 16>}, {pipeline_mode = #tpu.pipeline_mode<synchronous>, transform_indices = @transform_42, window_bounds = array<i64: 1, 128>}, {pipeline_mode = #tpu.pipeline_mode<synchronous>, transform_indices = @transform_43, window_bounds = array<i64: 1, 128>}, {pipeline_mode = #tpu.pipeline_mode<synchronous>, transform_indices = @transform_44, window_bounds = array<i64: 1, 128>}, {pipeline_mode = #tpu.pipeline_mode<synchronous>, transform_indices = @transform_45, window_bounds = array<i64: 1, 128>}, {transform_indices = @transform_46, window_bounds = array<i64: 128, 16>}, {transform_indices = @transform_47, window_bounds = array<i64: 128, 256>}]} {
    %get3A = arith.constant 0 : index
    %get3A_0 = arith.constant 0 : index
    %get3A_1 = vector.load %arg1[%get3A, %get3A_0] : memref<128x256xf32, #tpu.memory_space<vmem>>, vector<128x256xf32>
    %get3A_2 = arith.constant 0 : index
    %get3A_3 = arith.constant 0 : index
    %get3A_4 = vector.load %arg2[%get3A_2, %get3A_3] : memref<2048x128xf32, #tpu.memory_space<vmem>>, vector<2048x128xf32>
    %get3A_5 = arith.constant 0 : index
    %get3A_6 = arith.constant 0 : index
    %get3A_7 = vector.load %arg3[%get3A_5, %get3A_6] : memref<2048x48xf32, #tpu.memory_space<vmem>>, vector<2048x48xf32>
    %get3A_8 = arith.constant 0 : index
    %get3A_9 = arith.constant 0 : index
    %get3A_10 = vector.load %arg4[%get3A_8, %get3A_9] : memref<16x33xbf16, #tpu.memory_space<vmem>>, vector<16x33xbf16>
    %get3A_11 = arith.constant 0 : index
    %get3A_12 = arith.constant 0 : index
    %get3A_13 = vector.load %arg5[%get3A_11, %get3A_12] : memref<16x33xbf16, #tpu.memory_space<vmem>>, vector<16x33xbf16>
    %get3A_14 = arith.constant 0 : index
    %get3A_15 = arith.constant 0 : index
    %get3A_16 = vector.load %arg6[%get3A_14, %get3A_15] : memref<1x33xf32, #tpu.memory_space<vmem>>, vector<1x33xf32>
    %get3A_17 = arith.constant 0 : index
    %get3A_18 = arith.constant 0 : index
    %get3A_19 = vector.load %arg7[%get3A_17, %get3A_18] : memref<128x128xbf16, #tpu.memory_space<vmem>>, vector<128x128xbf16>
    %get3A_20 = arith.constant 0 : index
    %get3A_21 = arith.constant 0 : index
    %get3A_22 = vector.load %arg8[%get3A_20, %get3A_21] : memref<128x128xbf16, #tpu.memory_space<vmem>>, vector<128x128xbf16>
    %get3A_23 = arith.constant 0 : index
    %get3A_24 = arith.constant 0 : index
    %get3A_25 = vector.load %arg9[%get3A_23, %get3A_24] : memref<32x128xbf16, #tpu.memory_space<vmem>>, vector<32x128xbf16>
    %get3A_26 = arith.constant 0 : index
    %get3A_27 = arith.constant 0 : index
    %get3A_28 = vector.load %arg10[%get3A_26, %get3A_27] : memref<33x128xbf16, #tpu.memory_space<vmem>>, vector<33x128xbf16>
    %get3A_29 = arith.constant 0 : index
    %get3A_30 = arith.constant 0 : index
    %get3A_31 = vector.load %arg11[%get3A_29, %get3A_30] : memref<1x128xf32, #tpu.memory_space<vmem>>, vector<1x128xf32>
    %get3A_32 = arith.constant 0 : index
    %get3A_33 = arith.constant 0 : index
    %get3A_34 = vector.load %arg12[%get3A_32, %get3A_33] : memref<33x16xbf16, #tpu.memory_space<vmem>>, vector<33x16xbf16>
    %get3A_35 = arith.constant 0 : index
    %get3A_36 = arith.constant 0 : index
    %get3A_37 = vector.load %arg13[%get3A_35, %get3A_36] : memref<128x16xbf16, #tpu.memory_space<vmem>>, vector<128x16xbf16>
    %get3A_38 = arith.constant 0 : index
    %get3A_39 = arith.constant 0 : index
    %get3A_40 = vector.load %arg14[%get3A_38, %get3A_39] : memref<1x16xf32, #tpu.memory_space<vmem>>, vector<1x16xf32>
    %get3A_41 = arith.constant 0 : index
    %get3A_42 = arith.constant 0 : index
    %get3A_43 = vector.load %arg15[%get3A_41, %get3A_42] : memref<16x16xbf16, #tpu.memory_space<vmem>>, vector<16x16xbf16>
    %get3A_44 = arith.constant 0 : index
    %get3A_45 = arith.constant 0 : index
    %get3A_46 = vector.load %arg16[%get3A_44, %get3A_45] : memref<128x128xbf16, #tpu.memory_space<vmem>>, vector<128x128xbf16>
    %get3A_47 = arith.constant 0 : index
    %get3A_48 = arith.constant 0 : index
    %get3A_49 = vector.load %arg17[%get3A_47, %get3A_48] : memref<16x128xbf16, #tpu.memory_space<vmem>>, vector<16x128xbf16>
    %get3A_50 = arith.constant 0 : index
    %get3A_51 = arith.constant 0 : index
    %get3A_52 = vector.load %arg18[%get3A_50, %get3A_51] : memref<1x128xf32, #tpu.memory_space<vmem>>, vector<1x128xf32>
    %get3A_53 = arith.constant 0 : index
    %get3A_54 = arith.constant 0 : index
    %get3A_55 = vector.load %arg19[%get3A_53, %get3A_54] : memref<16x16xbf16, #tpu.memory_space<vmem>>, vector<16x16xbf16>
    %get3A_56 = arith.constant 0 : index
    %get3A_57 = arith.constant 0 : index
    %get3A_58 = vector.load %arg20[%get3A_56, %get3A_57] : memref<128x16xbf16, #tpu.memory_space<vmem>>, vector<128x16xbf16>
    %get3A_59 = arith.constant 0 : index
    %get3A_60 = arith.constant 0 : index
    %get3A_61 = vector.load %arg21[%get3A_59, %get3A_60] : memref<1x16xf32, #tpu.memory_space<vmem>>, vector<1x16xf32>
    %get3A_62 = arith.constant 0 : index
    %get3A_63 = arith.constant 0 : index
    %get3A_64 = vector.load %arg22[%get3A_62, %get3A_63] : memref<16x16xbf16, #tpu.memory_space<vmem>>, vector<16x16xbf16>
    %get3A_65 = arith.constant 0 : index
    %get3A_66 = arith.constant 0 : index
    %get3A_67 = vector.load %arg23[%get3A_65, %get3A_66] : memref<128x128xbf16, #tpu.memory_space<vmem>>, vector<128x128xbf16>
    %get3A_68 = arith.constant 0 : index
    %get3A_69 = arith.constant 0 : index
    %get3A_70 = vector.load %arg24[%get3A_68, %get3A_69] : memref<16x128xbf16, #tpu.memory_space<vmem>>, vector<16x128xbf16>
    %get3A_71 = arith.constant 0 : index
    %get3A_72 = arith.constant 0 : index
    %get3A_73 = vector.load %arg25[%get3A_71, %get3A_72] : memref<1x128xf32, #tpu.memory_space<vmem>>, vector<1x128xf32>
    %get3A_74 = arith.constant 0 : index
    %get3A_75 = arith.constant 0 : index
    %get3A_76 = vector.load %arg26[%get3A_74, %get3A_75] : memref<16x16xbf16, #tpu.memory_space<vmem>>, vector<16x16xbf16>
    %get3A_77 = arith.constant 0 : index
    %get3A_78 = arith.constant 0 : index
    %get3A_79 = vector.load %arg27[%get3A_77, %get3A_78] : memref<128x16xbf16, #tpu.memory_space<vmem>>, vector<128x16xbf16>
    %get3A_80 = arith.constant 0 : index
    %get3A_81 = arith.constant 0 : index
    %get3A_82 = vector.load %arg28[%get3A_80, %get3A_81] : memref<1x16xf32, #tpu.memory_space<vmem>>, vector<1x16xf32>
    %get3A_83 = arith.constant 0 : index
    %get3A_84 = arith.constant 0 : index
    %get3A_85 = vector.load %arg29[%get3A_83, %get3A_84] : memref<16x32xbf16, #tpu.memory_space<vmem>>, vector<16x32xbf16>
    %get3A_86 = arith.constant 0 : index
    %get3A_87 = arith.constant 0 : index
    %get3A_88 = vector.load %arg30[%get3A_86, %get3A_87] : memref<128x256xbf16, #tpu.memory_space<vmem>>, vector<128x256xbf16>
    %get3A_89 = arith.constant 0 : index
    %get3A_90 = arith.constant 0 : index
    %get3A_91 = vector.load %arg31[%get3A_89, %get3A_90] : memref<32x256xbf16, #tpu.memory_space<vmem>>, vector<32x256xbf16>
    %get3A_92 = arith.constant 0 : index
    %get3A_93 = arith.constant 0 : index
    %get3A_94 = vector.load %arg32[%get3A_92, %get3A_93] : memref<1x256xf32, #tpu.memory_space<vmem>>, vector<1x256xf32>
    %get3A_95 = arith.constant 0 : index
    %get3A_96 = arith.constant 0 : index
    %get3A_97 = vector.load %arg33[%get3A_95, %get3A_96] : memref<32x32xbf16, #tpu.memory_space<vmem>>, vector<32x32xbf16>
    %get3A_98 = arith.constant 0 : index
    %get3A_99 = arith.constant 0 : index
    %get3A_100 = vector.load %arg34[%get3A_98, %get3A_99] : memref<256x32xbf16, #tpu.memory_space<vmem>>, vector<256x32xbf16>
    %get3A_101 = arith.constant 0 : index
    %get3A_102 = arith.constant 0 : index
    %get3A_103 = vector.load %arg35[%get3A_101, %get3A_102] : memref<1x32xf32, #tpu.memory_space<vmem>>, vector<1x32xf32>
    %get3A_104 = arith.constant 0 : index
    %get3A_105 = arith.constant 0 : index
    %get3A_106 = vector.load %arg36[%get3A_104, %get3A_105] : memref<32x32xbf16, #tpu.memory_space<vmem>>, vector<32x32xbf16>
    %get3A_107 = arith.constant 0 : index
    %get3A_108 = arith.constant 0 : index
    %get3A_109 = vector.load %arg37[%get3A_107, %get3A_108] : memref<256x128xbf16, #tpu.memory_space<vmem>>, vector<256x128xbf16>
    %get3A_110 = arith.constant 0 : index
    %get3A_111 = arith.constant 0 : index
    %get3A_112 = vector.load %arg38[%get3A_110, %get3A_111] : memref<32x128xbf16, #tpu.memory_space<vmem>>, vector<32x128xbf16>
    %get3A_113 = arith.constant 0 : index
    %get3A_114 = arith.constant 0 : index
    %get3A_115 = vector.load %arg39[%get3A_113, %get3A_114] : memref<1x128xf32, #tpu.memory_space<vmem>>, vector<1x128xf32>
    %get3A_116 = arith.constant 0 : index
    %get3A_117 = arith.constant 0 : index
    %get3A_118 = vector.load %arg40[%get3A_116, %get3A_117] : memref<32x16xbf16, #tpu.memory_space<vmem>>, vector<32x16xbf16>
    %get3A_119 = arith.constant 0 : index
    %get3A_120 = arith.constant 0 : index
    %get3A_121 = vector.load %arg41[%get3A_119, %get3A_120] : memref<128x16xbf16, #tpu.memory_space<vmem>>, vector<128x16xbf16>
    %get3A_122 = arith.constant 0 : index
    %get3A_123 = arith.constant 0 : index
    %get3A_124 = vector.load %arg42[%get3A_122, %get3A_123] : memref<1x16xf32, #tpu.memory_space<vmem>>, vector<1x16xf32>
    %get3A_125 = arith.constant 0 : index
    %get3A_126 = arith.constant 0 : index
    %get3A_127 = vector.load %arg43[%get3A_125, %get3A_126] : memref<1x128xf32, #tpu.memory_space<vmem>>, vector<1x128xf32>
    %get3A_128 = arith.constant 0 : index
    %get3A_129 = arith.constant 0 : index
    %get3A_130 = vector.load %arg44[%get3A_128, %get3A_129] : memref<1x128xf32, #tpu.memory_space<vmem>>, vector<1x128xf32>
    %get3A_131 = arith.constant 0 : index
    %get3A_132 = arith.constant 0 : index
    %get3A_133 = vector.load %arg45[%get3A_131, %get3A_132] : memref<1x128xf32, #tpu.memory_space<vmem>>, vector<1x128xf32>
    %get3A_134 = arith.constant 0 : index
    %get3A_135 = arith.constant 0 : index
    %get3A_136 = vector.load %arg46[%get3A_134, %get3A_135] : memref<1x128xf32, #tpu.memory_space<vmem>>, vector<1x128xf32>
    %slice3A = vector.extract_strided_slice %get3A_1 {offsets = [0, 0], sizes = [128, 128], strides = [1, 1]} : vector<128x256xf32> to vector<128x128xf32>
    %slice3A_137 = vector.extract_strided_slice %get3A_1 {offsets = [0, 128], sizes = [128, 16], strides = [1, 1]} : vector<128x256xf32> to vector<128x16xf32>
    %slice3A_138 = vector.extract_strided_slice %get3A_1 {offsets = [0, 144], sizes = [128, 16], strides = [1, 1]} : vector<128x256xf32> to vector<128x16xf32>
    %slice3A_139 = vector.extract_strided_slice %get3A_1 {offsets = [0, 160], sizes = [128, 16], strides = [1, 1]} : vector<128x256xf32> to vector<128x16xf32>
    %slice3A_140 = vector.extract_strided_slice %get3A_4 {offsets = [0, 0], sizes = [2048, 64], strides = [1, 1]} : vector<2048x128xf32> to vector<2048x64xf32>
    %bitcast_convert_type3A = tpu.bitcast %slice3A_140 : vector<2048x64xf32> -> vector<2048x64xi32>
    %shift_left3A = arith.constant 16 : i32
    %shift_left3A_141 = vector.broadcast %shift_left3A : i32 to vector<2048x64xi32>
    %shift_left3A_142 = arith.shli %bitcast_convert_type3A, %shift_left3A_141 : vector<2048x64xi32>
    %and3A = arith.constant -65536 : i32
    %and3A_143 = vector.broadcast %and3A : i32 to vector<2048x64xi32>
    %and3A_144 = arith.andi %bitcast_convert_type3A, %and3A_143 : vector<2048x64xi32>
    %bitcast_convert_type3A_145 = tpu.bitcast %shift_left3A_142 : vector<2048x64xi32> -> vector<2048x64xf32>
    %bitcast_convert_type3A_146 = tpu.bitcast %and3A_144 : vector<2048x64xi32> -> vector<2048x64xf32>
    %concatenate3A = tpu.concatenate %bitcast_convert_type3A_145, %bitcast_convert_type3A_146 in 1 : vector<2048x64xf32>, vector<2048x64xf32> -> vector<2048x128xf32>
    %slice3A_147 = vector.extract_strided_slice %get3A_4 {offsets = [0, 64], sizes = [2048, 24], strides = [1, 1]} : vector<2048x128xf32> to vector<2048x24xf32>
    %bitcast_convert_type3A_148 = tpu.bitcast %slice3A_147 : vector<2048x24xf32> -> vector<2048x24xi32>
    %shift_left3A_149 = arith.constant 16 : i32
    %shift_left3A_150 = vector.broadcast %shift_left3A_149 : i32 to vector<2048x24xi32>
    %shift_left3A_151 = arith.shli %bitcast_convert_type3A_148, %shift_left3A_150 : vector<2048x24xi32>
    %and3A_152 = arith.constant -65536 : i32
    %and3A_153 = vector.broadcast %and3A_152 : i32 to vector<2048x24xi32>
    %and3A_154 = arith.andi %bitcast_convert_type3A_148, %and3A_153 : vector<2048x24xi32>
    %bitcast_convert_type3A_155 = tpu.bitcast %shift_left3A_151 : vector<2048x24xi32> -> vector<2048x24xf32>
    %bitcast_convert_type3A_156 = tpu.bitcast %and3A_154 : vector<2048x24xi32> -> vector<2048x24xf32>
    %concatenate3A_157 = tpu.concatenate %bitcast_convert_type3A_155, %bitcast_convert_type3A_156 in 1 : vector<2048x24xf32>, vector<2048x24xf32> -> vector<2048x48xf32>
    %slice3A_158 = vector.extract_strided_slice %concatenate3A_157 {offsets = [0, 0], sizes = [2048, 16], strides = [1, 1]} : vector<2048x48xf32> to vector<2048x16xf32>
    %slice3A_159 = vector.extract_strided_slice %concatenate3A_157 {offsets = [0, 16], sizes = [2048, 16], strides = [1, 1]} : vector<2048x48xf32> to vector<2048x16xf32>
    %slice3A_160 = vector.extract_strided_slice %concatenate3A_157 {offsets = [0, 32], sizes = [2048, 16], strides = [1, 1]} : vector<2048x48xf32> to vector<2048x16xf32>
    %slice3A_161 = vector.extract_strided_slice %get3A_7 {offsets = [0, 0], sizes = [2048, 32], strides = [1, 1]} : vector<2048x48xf32> to vector<2048x32xf32>
    %slice3A_162 = vector.extract_strided_slice %get3A_7 {offsets = [0, 32], sizes = [2048, 1], strides = [1, 1]} : vector<2048x48xf32> to vector<2048x1xf32>
    %slice3A_163 = vector.extract_strided_slice %get3A_7 {offsets = [0, 33], sizes = [2048, 1], strides = [1, 1]} : vector<2048x48xf32> to vector<2048x1xf32>
    %slice3A_164 = vector.extract_strided_slice %get3A_7 {offsets = [0, 34], sizes = [2048, 1], strides = [1, 1]} : vector<2048x48xf32> to vector<2048x1xf32>
    %convert_element_type3A = arith.truncf %slice3A_137 : vector<128x16xf32> to vector<128x16xbf16>
    %dot_general3A = arith.constant dense<0.000000e+00> : vector<128x33xf32>
    %dot_general3A_165 = tpu.matmul %convert_element_type3A, %get3A_10, %dot_general3A {dimension_numbers = #tpu.dot_dimension_numbers<[1], [0], [0], [1], [0, 0, 1, 1], [], []>, transpose_lhs_hint = false} : vector<128x16xbf16>, vector<16x33xbf16>, vector<128x33xf32> -> vector<128x33xf32>
    %broadcast_in_dim3A = vector.shape_cast %dot_general3A_165 : vector<128x33xf32> to vector<128x1x33xf32>
    %broadcast_in_dim3A_166 = vector.shape_cast %broadcast_in_dim3A : vector<128x1x33xf32> to vector<128x1x33xf32>
    %broadcast_in_dim3A_167 = vector.broadcast %broadcast_in_dim3A_166 : vector<128x1x33xf32> to vector<128x16x33xf32>
    %reshape3A = vector.shape_cast %broadcast_in_dim3A_167 : vector<128x16x33xf32> to vector<2048x33xf32>
    %convert_element_type3A_168 = arith.truncf %slice3A_158 : vector<2048x16xf32> to vector<2048x16xbf16>
    %dot_general3A_169 = arith.constant dense<0.000000e+00> : vector<2048x33xf32>
    %dot_general3A_170 = tpu.matmul %convert_element_type3A_168, %get3A_13, %dot_general3A_169 {dimension_numbers = #tpu.dot_dimension_numbers<[1], [0], [0], [1], [0, 0, 1, 1], [], []>, transpose_lhs_hint = false} : vector<2048x16xbf16>, vector<16x33xbf16>, vector<2048x33xf32> -> vector<2048x33xf32>
    %add3A = arith.addf %reshape3A, %dot_general3A_170 : vector<2048x33xf32>
    %mul3A = vector.broadcast %slice3A_162 : vector<2048x1xf32> to vector<2048x33xf32>
    %mul3A_171 = vector.broadcast %get3A_16 : vector<1x33xf32> to vector<2048x33xf32>
    %mul3A_172 = arith.mulf %mul3A, %mul3A_171 : vector<2048x33xf32>
    %add3A_173 = arith.addf %add3A, %mul3A_172 : vector<2048x33xf32>
    %convert_element_type3A_174 = arith.truncf %slice3A_138 : vector<128x16xf32> to vector<128x16xbf16>
    %dot_general3A_175 = arith.constant dense<0.000000e+00> : vector<128x33xf32>
    %dot_general3A_176 = tpu.matmul %convert_element_type3A_174, %get3A_10, %dot_general3A_175 {dimension_numbers = #tpu.dot_dimension_numbers<[1], [0], [0], [1], [0, 0, 1, 1], [], []>, transpose_lhs_hint = false} : vector<128x16xbf16>, vector<16x33xbf16>, vector<128x33xf32> -> vector<128x33xf32>
    %broadcast_in_dim3A_177 = vector.shape_cast %dot_general3A_176 : vector<128x33xf32> to vector<128x1x33xf32>
    %broadcast_in_dim3A_178 = vector.shape_cast %broadcast_in_dim3A_177 : vector<128x1x33xf32> to vector<128x1x33xf32>
    %broadcast_in_dim3A_179 = vector.broadcast %broadcast_in_dim3A_178 : vector<128x1x33xf32> to vector<128x16x33xf32>
    %reshape3A_180 = vector.shape_cast %broadcast_in_dim3A_179 : vector<128x16x33xf32> to vector<2048x33xf32>
    %convert_element_type3A_181 = arith.truncf %slice3A_159 : vector<2048x16xf32> to vector<2048x16xbf16>
    %dot_general3A_182 = arith.constant dense<0.000000e+00> : vector<2048x33xf32>
    %dot_general3A_183 = tpu.matmul %convert_element_type3A_181, %get3A_13, %dot_general3A_182 {dimension_numbers = #tpu.dot_dimension_numbers<[1], [0], [0], [1], [0, 0, 1, 1], [], []>, transpose_lhs_hint = false} : vector<2048x16xbf16>, vector<16x33xbf16>, vector<2048x33xf32> -> vector<2048x33xf32>
    %add3A_184 = arith.addf %reshape3A_180, %dot_general3A_183 : vector<2048x33xf32>
    %mul3A_185 = vector.broadcast %slice3A_163 : vector<2048x1xf32> to vector<2048x33xf32>
    %mul3A_186 = vector.broadcast %get3A_16 : vector<1x33xf32> to vector<2048x33xf32>
    %mul3A_187 = arith.mulf %mul3A_185, %mul3A_186 : vector<2048x33xf32>
    %add3A_188 = arith.addf %add3A_184, %mul3A_187 : vector<2048x33xf32>
    %convert_element_type3A_189 = arith.truncf %slice3A_139 : vector<128x16xf32> to vector<128x16xbf16>
    %dot_general3A_190 = arith.constant dense<0.000000e+00> : vector<128x33xf32>
    %dot_general3A_191 = tpu.matmul %convert_element_type3A_189, %get3A_10, %dot_general3A_190 {dimension_numbers = #tpu.dot_dimension_numbers<[1], [0], [0], [1], [0, 0, 1, 1], [], []>, transpose_lhs_hint = false} : vector<128x16xbf16>, vector<16x33xbf16>, vector<128x33xf32> -> vector<128x33xf32>
    %broadcast_in_dim3A_192 = vector.shape_cast %dot_general3A_191 : vector<128x33xf32> to vector<128x1x33xf32>
    %broadcast_in_dim3A_193 = vector.shape_cast %broadcast_in_dim3A_192 : vector<128x1x33xf32> to vector<128x1x33xf32>
    %broadcast_in_dim3A_194 = vector.broadcast %broadcast_in_dim3A_193 : vector<128x1x33xf32> to vector<128x16x33xf32>
    %reshape3A_195 = vector.shape_cast %broadcast_in_dim3A_194 : vector<128x16x33xf32> to vector<2048x33xf32>
    %convert_element_type3A_196 = arith.truncf %slice3A_160 : vector<2048x16xf32> to vector<2048x16xbf16>
    %dot_general3A_197 = arith.constant dense<0.000000e+00> : vector<2048x33xf32>
    %dot_general3A_198 = tpu.matmul %convert_element_type3A_196, %get3A_13, %dot_general3A_197 {dimension_numbers = #tpu.dot_dimension_numbers<[1], [0], [0], [1], [0, 0, 1, 1], [], []>, transpose_lhs_hint = false} : vector<2048x16xbf16>, vector<16x33xbf16>, vector<2048x33xf32> -> vector<2048x33xf32>
    %add3A_199 = arith.addf %reshape3A_195, %dot_general3A_198 : vector<2048x33xf32>
    %mul3A_200 = vector.broadcast %slice3A_164 : vector<2048x1xf32> to vector<2048x33xf32>
    %mul3A_201 = vector.broadcast %get3A_16 : vector<1x33xf32> to vector<2048x33xf32>
    %mul3A_202 = arith.mulf %mul3A_200, %mul3A_201 : vector<2048x33xf32>
    %add3A_203 = arith.addf %add3A_199, %mul3A_202 : vector<2048x33xf32>
    %mul3A_204 = arith.mulf %add3A_173, %add3A_173 : vector<2048x33xf32>
    %mul3A_205 = arith.mulf %add3A_188, %add3A_188 : vector<2048x33xf32>
    %add3A_206 = arith.addf %mul3A_204, %mul3A_205 : vector<2048x33xf32>
    %mul3A_207 = arith.mulf %add3A_203, %add3A_203 : vector<2048x33xf32>
    %add3A_208 = arith.addf %add3A_206, %mul3A_207 : vector<2048x33xf32>
    %add3A_209 = arith.constant 9.99999993E-9 : f32
    %add3A_210 = vector.broadcast %add3A_209 : f32 to vector<2048x33xf32>
    %add3A_211 = arith.addf %add3A_208, %add3A_210 : vector<2048x33xf32>
    %sqrt3A = math.sqrt %add3A_211 : vector<2048x33xf32>
    %convert_element_type3A_212 = arith.truncf %slice3A : vector<128x128xf32> to vector<128x128xbf16>
    %dot_general3A_213 = arith.constant dense<0.000000e+00> : vector<128x128xf32>
    %dot_general3A_214 = tpu.matmul %convert_element_type3A_212, %get3A_19, %dot_general3A_213 {dimension_numbers = #tpu.dot_dimension_numbers<[1], [0], [0], [1], [0, 0, 1, 1], [], []>, transpose_lhs_hint = false} : vector<128x128xbf16>, vector<128x128xbf16>, vector<128x128xf32> -> vector<128x128xf32>
    %broadcast_in_dim3A_215 = vector.shape_cast %dot_general3A_214 : vector<128x128xf32> to vector<128x1x128xf32>
    %broadcast_in_dim3A_216 = vector.shape_cast %broadcast_in_dim3A_215 : vector<128x1x128xf32> to vector<128x1x128xf32>
    %broadcast_in_dim3A_217 = vector.broadcast %broadcast_in_dim3A_216 : vector<128x1x128xf32> to vector<128x16x128xf32>
    %reshape3A_218 = vector.shape_cast %broadcast_in_dim3A_217 : vector<128x16x128xf32> to vector<2048x128xf32>
    %convert_element_type3A_219 = arith.truncf %concatenate3A : vector<2048x128xf32> to vector<2048x128xbf16>
    %dot_general3A_220 = arith.constant dense<0.000000e+00> : vector<2048x128xf32>
    %dot_general3A_221 = tpu.matmul %convert_element_type3A_219, %get3A_22, %dot_general3A_220 {dimension_numbers = #tpu.dot_dimension_numbers<[1], [0], [0], [1], [0, 0, 1, 1], [], []>, transpose_lhs_hint = false} : vector<2048x128xbf16>, vector<128x128xbf16>, vector<2048x128xf32> -> vector<2048x128xf32>
    %add3A_222 = arith.addf %reshape3A_218, %dot_general3A_221 : vector<2048x128xf32>
    %convert_element_type3A_223 = arith.truncf %slice3A_161 : vector<2048x32xf32> to vector<2048x32xbf16>
    %dot_general3A_224 = arith.constant dense<0.000000e+00> : vector<2048x128xf32>
    %dot_general3A_225 = tpu.matmul %convert_element_type3A_223, %get3A_25, %dot_general3A_224 {dimension_numbers = #tpu.dot_dimension_numbers<[1], [0], [0], [1], [0, 0, 1, 1], [], []>, transpose_lhs_hint = false} : vector<2048x32xbf16>, vector<32x128xbf16>, vector<2048x128xf32> -> vector<2048x128xf32>
    %add3A_226 = arith.addf %add3A_222, %dot_general3A_225 : vector<2048x128xf32>
    %convert_element_type3A_227 = arith.truncf %sqrt3A : vector<2048x33xf32> to vector<2048x33xbf16>
    %dot_general3A_228 = arith.constant dense<0.000000e+00> : vector<2048x128xf32>
    %dot_general3A_229 = tpu.matmul %convert_element_type3A_227, %get3A_28, %dot_general3A_228 {dimension_numbers = #tpu.dot_dimension_numbers<[1], [0], [0], [1], [0, 0, 1, 1], [], []>, transpose_lhs_hint = false} : vector<2048x33xbf16>, vector<33x128xbf16>, vector<2048x128xf32> -> vector<2048x128xf32>
    %add3A_230 = arith.addf %add3A_226, %dot_general3A_229 : vector<2048x128xf32>
    %add3A_231 = vector.broadcast %get3A_31 : vector<1x128xf32> to vector<2048x128xf32>
    %add3A_232 = arith.addf %add3A_230, %add3A_231 : vector<2048x128xf32>
    %convert_element_type3A_233 = arith.truncf %add3A_173 : vector<2048x33xf32> to vector<2048x33xbf16>
    %dot_general3A_234 = arith.constant dense<0.000000e+00> : vector<2048x16xf32>
    %dot_general3A_235 = tpu.matmul %convert_element_type3A_233, %get3A_34, %dot_general3A_234 {dimension_numbers = #tpu.dot_dimension_numbers<[1], [0], [0], [1], [0, 0, 1, 1], [], []>, transpose_lhs_hint = false} : vector<2048x33xbf16>, vector<33x16xbf16>, vector<2048x16xf32> -> vector<2048x16xf32>
    %convert_element_type3A_236 = arith.truncf %add3A_188 : vector<2048x33xf32> to vector<2048x33xbf16>
    %dot_general3A_237 = arith.constant dense<0.000000e+00> : vector<2048x16xf32>
    %dot_general3A_238 = tpu.matmul %convert_element_type3A_236, %get3A_34, %dot_general3A_237 {dimension_numbers = #tpu.dot_dimension_numbers<[1], [0], [0], [1], [0, 0, 1, 1], [], []>, transpose_lhs_hint = false} : vector<2048x33xbf16>, vector<33x16xbf16>, vector<2048x16xf32> -> vector<2048x16xf32>
    %convert_element_type3A_239 = arith.truncf %add3A_203 : vector<2048x33xf32> to vector<2048x33xbf16>
    %dot_general3A_240 = arith.constant dense<0.000000e+00> : vector<2048x16xf32>
    %dot_general3A_241 = tpu.matmul %convert_element_type3A_239, %get3A_34, %dot_general3A_240 {dimension_numbers = #tpu.dot_dimension_numbers<[1], [0], [0], [1], [0, 0, 1, 1], [], []>, transpose_lhs_hint = false} : vector<2048x33xbf16>, vector<33x16xbf16>, vector<2048x16xf32> -> vector<2048x16xf32>
    %convert_element_type3A_242 = arith.truncf %add3A_232 : vector<2048x128xf32> to vector<2048x128xbf16>
    %dot_general3A_243 = arith.constant dense<0.000000e+00> : vector<2048x16xf32>
    %dot_general3A_244 = tpu.matmul %convert_element_type3A_242, %get3A_37, %dot_general3A_243 {dimension_numbers = #tpu.dot_dimension_numbers<[1], [0], [0], [1], [0, 0, 1, 1], [], []>, transpose_lhs_hint = false} : vector<2048x128xbf16>, vector<128x16xbf16>, vector<2048x16xf32> -> vector<2048x16xf32>
    %add3A_245 = vector.broadcast %get3A_40 : vector<1x16xf32> to vector<2048x16xf32>
    %add3A_246 = arith.addf %dot_general3A_244, %add3A_245 : vector<2048x16xf32>
    %logistic3A = arith.negf %add3A_246 : vector<2048x16xf32>
    %logistic3A_247 = math.exp %logistic3A : vector<2048x16xf32>
    %logistic3A_248 = arith.constant 1.000000e+00 : f32
    %logistic3A_249 = vector.broadcast %logistic3A_248 : f32 to vector<2048x16xf32>
    %logistic3A_250 = arith.addf %logistic3A_249, %logistic3A_247 : vector<2048x16xf32>
    %logistic3A_251 = arith.divf %logistic3A_249, %logistic3A_250 : vector<2048x16xf32>
    %mul3A_252 = arith.mulf %dot_general3A_235, %logistic3A_251 : vector<2048x16xf32>
    %mul3A_253 = arith.mulf %dot_general3A_238, %logistic3A_251 : vector<2048x16xf32>
    %mul3A_254 = arith.mulf %dot_general3A_241, %logistic3A_251 : vector<2048x16xf32>
    %max3A = arith.constant 0.000000e+00 : f32
    %max3A_255 = vector.broadcast %max3A : f32 to vector<2048x128xf32>
    %max3A_256 = arith.maximumf %add3A_232, %max3A_255 : vector<2048x128xf32>
    %convert_element_type3A_257 = arith.truncf %mul3A_252 : vector<2048x16xf32> to vector<2048x16xbf16>
    %dot_general3A_258 = arith.constant dense<0.000000e+00> : vector<2048x16xf32>
    %dot_general3A_259 = tpu.matmul %convert_element_type3A_257, %get3A_43, %dot_general3A_258 {dimension_numbers = #tpu.dot_dimension_numbers<[1], [0], [0], [1], [0, 0, 1, 1], [], []>, transpose_lhs_hint = false} : vector<2048x16xbf16>, vector<16x16xbf16>, vector<2048x16xf32> -> vector<2048x16xf32>
    %convert_element_type3A_260 = arith.truncf %mul3A_253 : vector<2048x16xf32> to vector<2048x16xbf16>
    %dot_general3A_261 = arith.constant dense<0.000000e+00> : vector<2048x16xf32>
    %dot_general3A_262 = tpu.matmul %convert_element_type3A_260, %get3A_43, %dot_general3A_261 {dimension_numbers = #tpu.dot_dimension_numbers<[1], [0], [0], [1], [0, 0, 1, 1], [], []>, transpose_lhs_hint = false} : vector<2048x16xbf16>, vector<16x16xbf16>, vector<2048x16xf32> -> vector<2048x16xf32>
    %convert_element_type3A_263 = arith.truncf %mul3A_254 : vector<2048x16xf32> to vector<2048x16xbf16>
    %dot_general3A_264 = arith.constant dense<0.000000e+00> : vector<2048x16xf32>
    %dot_general3A_265 = tpu.matmul %convert_element_type3A_263, %get3A_43, %dot_general3A_264 {dimension_numbers = #tpu.dot_dimension_numbers<[1], [0], [0], [1], [0, 0, 1, 1], [], []>, transpose_lhs_hint = false} : vector<2048x16xbf16>, vector<16x16xbf16>, vector<2048x16xf32> -> vector<2048x16xf32>
    %mul3A_266 = arith.mulf %dot_general3A_259, %dot_general3A_259 : vector<2048x16xf32>
    %mul3A_267 = arith.mulf %dot_general3A_262, %dot_general3A_262 : vector<2048x16xf32>
    %add3A_268 = arith.addf %mul3A_266, %mul3A_267 : vector<2048x16xf32>
    %mul3A_269 = arith.mulf %dot_general3A_265, %dot_general3A_265 : vector<2048x16xf32>
    %add3A_270 = arith.addf %add3A_268, %mul3A_269 : vector<2048x16xf32>
    %add3A_271 = arith.constant 9.99999993E-9 : f32
    %add3A_272 = vector.broadcast %add3A_271 : f32 to vector<2048x16xf32>
    %add3A_273 = arith.addf %add3A_270, %add3A_272 : vector<2048x16xf32>
    %sqrt3A_274 = math.sqrt %add3A_273 : vector<2048x16xf32>
    %convert_element_type3A_275 = arith.truncf %max3A_256 : vector<2048x128xf32> to vector<2048x128xbf16>
    %dot_general3A_276 = arith.constant dense<0.000000e+00> : vector<2048x128xf32>
    %dot_general3A_277 = tpu.matmul %convert_element_type3A_275, %get3A_46, %dot_general3A_276 {dimension_numbers = #tpu.dot_dimension_numbers<[1], [0], [0], [1], [0, 0, 1, 1], [], []>, transpose_lhs_hint = false} : vector<2048x128xbf16>, vector<128x128xbf16>, vector<2048x128xf32> -> vector<2048x128xf32>
    %convert_element_type3A_278 = arith.truncf %sqrt3A_274 : vector<2048x16xf32> to vector<2048x16xbf16>
    %dot_general3A_279 = arith.constant dense<0.000000e+00> : vector<2048x128xf32>
    %dot_general3A_280 = tpu.matmul %convert_element_type3A_278, %get3A_49, %dot_general3A_279 {dimension_numbers = #tpu.dot_dimension_numbers<[1], [0], [0], [1], [0, 0, 1, 1], [], []>, transpose_lhs_hint = false} : vector<2048x16xbf16>, vector<16x128xbf16>, vector<2048x128xf32> -> vector<2048x128xf32>
    %add3A_281 = arith.addf %dot_general3A_277, %dot_general3A_280 : vector<2048x128xf32>
    %add3A_282 = vector.broadcast %get3A_52 : vector<1x128xf32> to vector<2048x128xf32>
    %add3A_283 = arith.addf %add3A_281, %add3A_282 : vector<2048x128xf32>
    %convert_element_type3A_284 = arith.truncf %dot_general3A_259 : vector<2048x16xf32> to vector<2048x16xbf16>
    %dot_general3A_285 = arith.constant dense<0.000000e+00> : vector<2048x16xf32>
    %dot_general3A_286 = tpu.matmul %convert_element_type3A_284, %get3A_55, %dot_general3A_285 {dimension_numbers = #tpu.dot_dimension_numbers<[1], [0], [0], [1], [0, 0, 1, 1], [], []>, transpose_lhs_hint = false} : vector<2048x16xbf16>, vector<16x16xbf16>, vector<2048x16xf32> -> vector<2048x16xf32>
    %convert_element_type3A_287 = arith.truncf %dot_general3A_262 : vector<2048x16xf32> to vector<2048x16xbf16>
    %dot_general3A_288 = arith.constant dense<0.000000e+00> : vector<2048x16xf32>
    %dot_general3A_289 = tpu.matmul %convert_element_type3A_287, %get3A_55, %dot_general3A_288 {dimension_numbers = #tpu.dot_dimension_numbers<[1], [0], [0], [1], [0, 0, 1, 1], [], []>, transpose_lhs_hint = false} : vector<2048x16xbf16>, vector<16x16xbf16>, vector<2048x16xf32> -> vector<2048x16xf32>
    %convert_element_type3A_290 = arith.truncf %dot_general3A_265 : vector<2048x16xf32> to vector<2048x16xbf16>
    %dot_general3A_291 = arith.constant dense<0.000000e+00> : vector<2048x16xf32>
    %dot_general3A_292 = tpu.matmul %convert_element_type3A_290, %get3A_55, %dot_general3A_291 {dimension_numbers = #tpu.dot_dimension_numbers<[1], [0], [0], [1], [0, 0, 1, 1], [], []>, transpose_lhs_hint = false} : vector<2048x16xbf16>, vector<16x16xbf16>, vector<2048x16xf32> -> vector<2048x16xf32>
    %convert_element_type3A_293 = arith.truncf %add3A_283 : vector<2048x128xf32> to vector<2048x128xbf16>
    %dot_general3A_294 = arith.constant dense<0.000000e+00> : vector<2048x16xf32>
    %dot_general3A_295 = tpu.matmul %convert_element_type3A_293, %get3A_58, %dot_general3A_294 {dimension_numbers = #tpu.dot_dimension_numbers<[1], [0], [0], [1], [0, 0, 1, 1], [], []>, transpose_lhs_hint = false} : vector<2048x128xbf16>, vector<128x16xbf16>, vector<2048x16xf32> -> vector<2048x16xf32>
    %add3A_296 = vector.broadcast %get3A_61 : vector<1x16xf32> to vector<2048x16xf32>
    %add3A_297 = arith.addf %dot_general3A_295, %add3A_296 : vector<2048x16xf32>
    %logistic3A_298 = arith.negf %add3A_297 : vector<2048x16xf32>
    %logistic3A_299 = math.exp %logistic3A_298 : vector<2048x16xf32>
    %logistic3A_300 = arith.constant 1.000000e+00 : f32
    %logistic3A_301 = vector.broadcast %logistic3A_300 : f32 to vector<2048x16xf32>
    %logistic3A_302 = arith.addf %logistic3A_301, %logistic3A_299 : vector<2048x16xf32>
    %logistic3A_303 = arith.divf %logistic3A_301, %logistic3A_302 : vector<2048x16xf32>
    %mul3A_304 = arith.mulf %dot_general3A_286, %logistic3A_303 : vector<2048x16xf32>
    %mul3A_305 = arith.mulf %dot_general3A_289, %logistic3A_303 : vector<2048x16xf32>
    %mul3A_306 = arith.mulf %dot_general3A_292, %logistic3A_303 : vector<2048x16xf32>
    %max3A_307 = arith.constant 0.000000e+00 : f32
    %max3A_308 = vector.broadcast %max3A_307 : f32 to vector<2048x128xf32>
    %max3A_309 = arith.maximumf %add3A_283, %max3A_308 : vector<2048x128xf32>
    %convert_element_type3A_310 = arith.truncf %mul3A_304 : vector<2048x16xf32> to vector<2048x16xbf16>
    %dot_general3A_311 = arith.constant dense<0.000000e+00> : vector<2048x16xf32>
    %dot_general3A_312 = tpu.matmul %convert_element_type3A_310, %get3A_64, %dot_general3A_311 {dimension_numbers = #tpu.dot_dimension_numbers<[1], [0], [0], [1], [0, 0, 1, 1], [], []>, transpose_lhs_hint = false} : vector<2048x16xbf16>, vector<16x16xbf16>, vector<2048x16xf32> -> vector<2048x16xf32>
    %convert_element_type3A_313 = arith.truncf %mul3A_305 : vector<2048x16xf32> to vector<2048x16xbf16>
    %dot_general3A_314 = arith.constant dense<0.000000e+00> : vector<2048x16xf32>
    %dot_general3A_315 = tpu.matmul %convert_element_type3A_313, %get3A_64, %dot_general3A_314 {dimension_numbers = #tpu.dot_dimension_numbers<[1], [0], [0], [1], [0, 0, 1, 1], [], []>, transpose_lhs_hint = false} : vector<2048x16xbf16>, vector<16x16xbf16>, vector<2048x16xf32> -> vector<2048x16xf32>
    %convert_element_type3A_316 = arith.truncf %mul3A_306 : vector<2048x16xf32> to vector<2048x16xbf16>
    %dot_general3A_317 = arith.constant dense<0.000000e+00> : vector<2048x16xf32>
    %dot_general3A_318 = tpu.matmul %convert_element_type3A_316, %get3A_64, %dot_general3A_317 {dimension_numbers = #tpu.dot_dimension_numbers<[1], [0], [0], [1], [0, 0, 1, 1], [], []>, transpose_lhs_hint = false} : vector<2048x16xbf16>, vector<16x16xbf16>, vector<2048x16xf32> -> vector<2048x16xf32>
    %mul3A_319 = arith.mulf %dot_general3A_312, %dot_general3A_312 : vector<2048x16xf32>
    %mul3A_320 = arith.mulf %dot_general3A_315, %dot_general3A_315 : vector<2048x16xf32>
    %add3A_321 = arith.addf %mul3A_319, %mul3A_320 : vector<2048x16xf32>
    %mul3A_322 = arith.mulf %dot_general3A_318, %dot_general3A_318 : vector<2048x16xf32>
    %add3A_323 = arith.addf %add3A_321, %mul3A_322 : vector<2048x16xf32>
    %add3A_324 = arith.constant 9.99999993E-9 : f32
    %add3A_325 = vector.broadcast %add3A_324 : f32 to vector<2048x16xf32>
    %add3A_326 = arith.addf %add3A_323, %add3A_325 : vector<2048x16xf32>
    %sqrt3A_327 = math.sqrt %add3A_326 : vector<2048x16xf32>
    %convert_element_type3A_328 = arith.truncf %max3A_309 : vector<2048x128xf32> to vector<2048x128xbf16>
    %dot_general3A_329 = arith.constant dense<0.000000e+00> : vector<2048x128xf32>
    %dot_general3A_330 = tpu.matmul %convert_element_type3A_328, %get3A_67, %dot_general3A_329 {dimension_numbers = #tpu.dot_dimension_numbers<[1], [0], [0], [1], [0, 0, 1, 1], [], []>, transpose_lhs_hint = false} : vector<2048x128xbf16>, vector<128x128xbf16>, vector<2048x128xf32> -> vector<2048x128xf32>
    %convert_element_type3A_331 = arith.truncf %sqrt3A_327 : vector<2048x16xf32> to vector<2048x16xbf16>
    %dot_general3A_332 = arith.constant dense<0.000000e+00> : vector<2048x128xf32>
    %dot_general3A_333 = tpu.matmul %convert_element_type3A_331, %get3A_70, %dot_general3A_332 {dimension_numbers = #tpu.dot_dimension_numbers<[1], [0], [0], [1], [0, 0, 1, 1], [], []>, transpose_lhs_hint = false} : vector<2048x16xbf16>, vector<16x128xbf16>, vector<2048x128xf32> -> vector<2048x128xf32>
    %add3A_334 = arith.addf %dot_general3A_330, %dot_general3A_333 : vector<2048x128xf32>
    %add3A_335 = vector.broadcast %get3A_73 : vector<1x128xf32> to vector<2048x128xf32>
    %add3A_336 = arith.addf %add3A_334, %add3A_335 : vector<2048x128xf32>
    %convert_element_type3A_337 = arith.truncf %dot_general3A_312 : vector<2048x16xf32> to vector<2048x16xbf16>
    %dot_general3A_338 = arith.constant dense<0.000000e+00> : vector<2048x16xf32>
    %dot_general3A_339 = tpu.matmul %convert_element_type3A_337, %get3A_76, %dot_general3A_338 {dimension_numbers = #tpu.dot_dimension_numbers<[1], [0], [0], [1], [0, 0, 1, 1], [], []>, transpose_lhs_hint = false} : vector<2048x16xbf16>, vector<16x16xbf16>, vector<2048x16xf32> -> vector<2048x16xf32>
    %convert_element_type3A_340 = arith.truncf %dot_general3A_315 : vector<2048x16xf32> to vector<2048x16xbf16>
    %dot_general3A_341 = arith.constant dense<0.000000e+00> : vector<2048x16xf32>
    %dot_general3A_342 = tpu.matmul %convert_element_type3A_340, %get3A_76, %dot_general3A_341 {dimension_numbers = #tpu.dot_dimension_numbers<[1], [0], [0], [1], [0, 0, 1, 1], [], []>, transpose_lhs_hint = false} : vector<2048x16xbf16>, vector<16x16xbf16>, vector<2048x16xf32> -> vector<2048x16xf32>
    %convert_element_type3A_343 = arith.truncf %dot_general3A_318 : vector<2048x16xf32> to vector<2048x16xbf16>
    %dot_general3A_344 = arith.constant dense<0.000000e+00> : vector<2048x16xf32>
    %dot_general3A_345 = tpu.matmul %convert_element_type3A_343, %get3A_76, %dot_general3A_344 {dimension_numbers = #tpu.dot_dimension_numbers<[1], [0], [0], [1], [0, 0, 1, 1], [], []>, transpose_lhs_hint = false} : vector<2048x16xbf16>, vector<16x16xbf16>, vector<2048x16xf32> -> vector<2048x16xf32>
    %convert_element_type3A_346 = arith.truncf %add3A_336 : vector<2048x128xf32> to vector<2048x128xbf16>
    %dot_general3A_347 = arith.constant dense<0.000000e+00> : vector<2048x16xf32>
    %dot_general3A_348 = tpu.matmul %convert_element_type3A_346, %get3A_79, %dot_general3A_347 {dimension_numbers = #tpu.dot_dimension_numbers<[1], [0], [0], [1], [0, 0, 1, 1], [], []>, transpose_lhs_hint = false} : vector<2048x128xbf16>, vector<128x16xbf16>, vector<2048x16xf32> -> vector<2048x16xf32>
    %add3A_349 = vector.broadcast %get3A_82 : vector<1x16xf32> to vector<2048x16xf32>
    %add3A_350 = arith.addf %dot_general3A_348, %add3A_349 : vector<2048x16xf32>
    %logistic3A_351 = arith.negf %add3A_350 : vector<2048x16xf32>
    %logistic3A_352 = math.exp %logistic3A_351 : vector<2048x16xf32>
    %logistic3A_353 = arith.constant 1.000000e+00 : f32
    %logistic3A_354 = vector.broadcast %logistic3A_353 : f32 to vector<2048x16xf32>
    %logistic3A_355 = arith.addf %logistic3A_354, %logistic3A_352 : vector<2048x16xf32>
    %logistic3A_356 = arith.divf %logistic3A_354, %logistic3A_355 : vector<2048x16xf32>
    %mul3A_357 = arith.mulf %dot_general3A_339, %logistic3A_356 : vector<2048x16xf32>
    %mul3A_358 = arith.mulf %dot_general3A_342, %logistic3A_356 : vector<2048x16xf32>
    %mul3A_359 = arith.mulf %dot_general3A_345, %logistic3A_356 : vector<2048x16xf32>
    %reshape3A_360 = vector.shape_cast %add3A_336 : vector<2048x128xf32> to vector<128x16x128xf32>
    %reduce_sum3A = arith.constant dense<0.000000e+00> : vector<128x128xf32>
    %reduce_sum3A_361 = vector.multi_reduction <add>, %reshape3A_360, %reduce_sum3A [1] : vector<128x16x128xf32> to vector<128x128xf32>
    %mul3A_362 = arith.constant 6.250000e-02 : f32
    %mul3A_363 = vector.broadcast %mul3A_362 : f32 to vector<128x128xf32>
    %mul3A_364 = arith.mulf %reduce_sum3A_361, %mul3A_363 : vector<128x128xf32>
    %add3A_365 = arith.addf %slice3A, %mul3A_364 : vector<128x128xf32>
    %reduce_sum3A_366 = arith.constant dense<0.000000e+00> : vector<128xf32>
    %reduce_sum3A_367 = vector.multi_reduction <add>, %add3A_365, %reduce_sum3A_366 [1] : vector<128x128xf32> to vector<128xf32>
    %broadcast_in_dim3A_368 = vector.shape_cast %reduce_sum3A_367 : vector<128xf32> to vector<128x1xf32>
    %div3A = arith.constant 1.280000e+02 : f32
    %div3A_369 = vector.broadcast %div3A : f32 to vector<128x1xf32>
    %div3A_370 = arith.divf %broadcast_in_dim3A_368, %div3A_369 : vector<128x1xf32>
    %sub3A = vector.broadcast %div3A_370 : vector<128x1xf32> to vector<128x128xf32>
    %sub3A_371 = arith.subf %add3A_365, %sub3A : vector<128x128xf32>
    %mul3A_372 = arith.mulf %sub3A_371, %sub3A_371 : vector<128x128xf32>
    %reduce_sum3A_373 = arith.constant dense<0.000000e+00> : vector<128xf32>
    %reduce_sum3A_374 = vector.multi_reduction <add>, %mul3A_372, %reduce_sum3A_373 [1] : vector<128x128xf32> to vector<128xf32>
    %broadcast_in_dim3A_375 = vector.shape_cast %reduce_sum3A_374 : vector<128xf32> to vector<128x1xf32>
    %div3A_376 = arith.constant 1.280000e+02 : f32
    %div3A_377 = vector.broadcast %div3A_376 : f32 to vector<128x1xf32>
    %div3A_378 = arith.divf %broadcast_in_dim3A_375, %div3A_377 : vector<128x1xf32>
    %mul3A_379 = vector.broadcast %get3A_127 : vector<1x128xf32> to vector<128x128xf32>
    %mul3A_380 = arith.mulf %mul3A_379, %sub3A_371 : vector<128x128xf32>
    %add3A_381 = arith.constant 9.99999974E-5 : f32
    %add3A_382 = vector.broadcast %add3A_381 : f32 to vector<128x1xf32>
    %add3A_383 = arith.addf %div3A_378, %add3A_382 : vector<128x1xf32>
    %sqrt3A_384 = math.sqrt %add3A_383 : vector<128x1xf32>
    %div3A_385 = vector.broadcast %sqrt3A_384 : vector<128x1xf32> to vector<128x128xf32>
    %div3A_386 = arith.divf %mul3A_380, %div3A_385 : vector<128x128xf32>
    %add3A_387 = vector.broadcast %get3A_130 : vector<1x128xf32> to vector<128x128xf32>
    %add3A_388 = arith.addf %div3A_386, %add3A_387 : vector<128x128xf32>
    %reshape3A_389 = vector.shape_cast %mul3A_357 : vector<2048x16xf32> to vector<128x16x16xf32>
    %reduce_sum3A_390 = arith.constant dense<0.000000e+00> : vector<128x16xf32>
    %reduce_sum3A_391 = vector.multi_reduction <add>, %reshape3A_389, %reduce_sum3A_390 [1] : vector<128x16x16xf32> to vector<128x16xf32>
    %mul3A_392 = arith.constant 6.250000e-02 : f32
    %mul3A_393 = vector.broadcast %mul3A_392 : f32 to vector<128x16xf32>
    %mul3A_394 = arith.mulf %reduce_sum3A_391, %mul3A_393 : vector<128x16xf32>
    %add3A_395 = arith.addf %slice3A_137, %mul3A_394 : vector<128x16xf32>
    %reshape3A_396 = vector.shape_cast %mul3A_358 : vector<2048x16xf32> to vector<128x16x16xf32>
    %reduce_sum3A_397 = arith.constant dense<0.000000e+00> : vector<128x16xf32>
    %reduce_sum3A_398 = vector.multi_reduction <add>, %reshape3A_396, %reduce_sum3A_397 [1] : vector<128x16x16xf32> to vector<128x16xf32>
    %mul3A_399 = arith.constant 6.250000e-02 : f32
    %mul3A_400 = vector.broadcast %mul3A_399 : f32 to vector<128x16xf32>
    %mul3A_401 = arith.mulf %reduce_sum3A_398, %mul3A_400 : vector<128x16xf32>
    %add3A_402 = arith.addf %slice3A_138, %mul3A_401 : vector<128x16xf32>
    %reshape3A_403 = vector.shape_cast %mul3A_359 : vector<2048x16xf32> to vector<128x16x16xf32>
    %reduce_sum3A_404 = arith.constant dense<0.000000e+00> : vector<128x16xf32>
    %reduce_sum3A_405 = vector.multi_reduction <add>, %reshape3A_403, %reduce_sum3A_404 [1] : vector<128x16x16xf32> to vector<128x16xf32>
    %mul3A_406 = arith.constant 6.250000e-02 : f32
    %mul3A_407 = vector.broadcast %mul3A_406 : f32 to vector<128x16xf32>
    %mul3A_408 = arith.mulf %reduce_sum3A_405, %mul3A_407 : vector<128x16xf32>
    %add3A_409 = arith.addf %slice3A_139, %mul3A_408 : vector<128x16xf32>
    %mul3A_410 = arith.mulf %add3A_395, %add3A_395 : vector<128x16xf32>
    %mul3A_411 = arith.mulf %add3A_402, %add3A_402 : vector<128x16xf32>
    %add3A_412 = arith.addf %mul3A_410, %mul3A_411 : vector<128x16xf32>
    %mul3A_413 = arith.mulf %add3A_409, %add3A_409 : vector<128x16xf32>
    %add3A_414 = arith.addf %add3A_412, %mul3A_413 : vector<128x16xf32>
    %reduce_sum3A_415 = arith.constant dense<0.000000e+00> : vector<128xf32>
    %reduce_sum3A_416 = vector.multi_reduction <add>, %add3A_414, %reduce_sum3A_415 [1] : vector<128x16xf32> to vector<128xf32>
    %broadcast_in_dim3A_417 = vector.shape_cast %reduce_sum3A_416 : vector<128xf32> to vector<128x1xf32>
    %div3A_418 = arith.constant 1.600000e+01 : f32
    %div3A_419 = vector.broadcast %div3A_418 : f32 to vector<128x1xf32>
    %div3A_420 = arith.divf %broadcast_in_dim3A_417, %div3A_419 : vector<128x1xf32>
    %add3A_421 = arith.constant 9.99999974E-5 : f32
    %add3A_422 = vector.broadcast %add3A_421 : f32 to vector<128x1xf32>
    %add3A_423 = arith.addf %div3A_420, %add3A_422 : vector<128x1xf32>
    %sqrt3A_424 = math.sqrt %add3A_423 : vector<128x1xf32>
    %div3A_425 = vector.broadcast %sqrt3A_424 : vector<128x1xf32> to vector<128x16xf32>
    %div3A_426 = arith.divf %add3A_395, %div3A_425 : vector<128x16xf32>
    %div3A_427 = vector.broadcast %sqrt3A_424 : vector<128x1xf32> to vector<128x16xf32>
    %div3A_428 = arith.divf %add3A_402, %div3A_427 : vector<128x16xf32>
    %div3A_429 = vector.broadcast %sqrt3A_424 : vector<128x1xf32> to vector<128x16xf32>
    %div3A_430 = arith.divf %add3A_409, %div3A_429 : vector<128x16xf32>
    %convert_element_type3A_431 = arith.truncf %div3A_426 : vector<128x16xf32> to vector<128x16xbf16>
    %dot_general3A_432 = arith.constant dense<0.000000e+00> : vector<128x32xf32>
    %dot_general3A_433 = tpu.matmul %convert_element_type3A_431, %get3A_85, %dot_general3A_432 {dimension_numbers = #tpu.dot_dimension_numbers<[1], [0], [0], [1], [0, 0, 1, 1], [], []>, transpose_lhs_hint = false} : vector<128x16xbf16>, vector<16x32xbf16>, vector<128x32xf32> -> vector<128x32xf32>
    %convert_element_type3A_434 = arith.truncf %div3A_428 : vector<128x16xf32> to vector<128x16xbf16>
    %dot_general3A_435 = arith.constant dense<0.000000e+00> : vector<128x32xf32>
    %dot_general3A_436 = tpu.matmul %convert_element_type3A_434, %get3A_85, %dot_general3A_435 {dimension_numbers = #tpu.dot_dimension_numbers<[1], [0], [0], [1], [0, 0, 1, 1], [], []>, transpose_lhs_hint = false} : vector<128x16xbf16>, vector<16x32xbf16>, vector<128x32xf32> -> vector<128x32xf32>
    %convert_element_type3A_437 = arith.truncf %div3A_430 : vector<128x16xf32> to vector<128x16xbf16>
    %dot_general3A_438 = arith.constant dense<0.000000e+00> : vector<128x32xf32>
    %dot_general3A_439 = tpu.matmul %convert_element_type3A_437, %get3A_85, %dot_general3A_438 {dimension_numbers = #tpu.dot_dimension_numbers<[1], [0], [0], [1], [0, 0, 1, 1], [], []>, transpose_lhs_hint = false} : vector<128x16xbf16>, vector<16x32xbf16>, vector<128x32xf32> -> vector<128x32xf32>
    %mul3A_440 = arith.mulf %dot_general3A_433, %dot_general3A_433 : vector<128x32xf32>
    %mul3A_441 = arith.mulf %dot_general3A_436, %dot_general3A_436 : vector<128x32xf32>
    %add3A_442 = arith.addf %mul3A_440, %mul3A_441 : vector<128x32xf32>
    %mul3A_443 = arith.mulf %dot_general3A_439, %dot_general3A_439 : vector<128x32xf32>
    %add3A_444 = arith.addf %add3A_442, %mul3A_443 : vector<128x32xf32>
    %add3A_445 = arith.constant 9.99999993E-9 : f32
    %add3A_446 = vector.broadcast %add3A_445 : f32 to vector<128x32xf32>
    %add3A_447 = arith.addf %add3A_444, %add3A_446 : vector<128x32xf32>
    %sqrt3A_448 = math.sqrt %add3A_447 : vector<128x32xf32>
    %convert_element_type3A_449 = arith.truncf %add3A_388 : vector<128x128xf32> to vector<128x128xbf16>
    %dot_general3A_450 = arith.constant dense<0.000000e+00> : vector<128x256xf32>
    %dot_general3A_451 = tpu.matmul %convert_element_type3A_449, %get3A_88, %dot_general3A_450 {dimension_numbers = #tpu.dot_dimension_numbers<[1], [0], [0], [1], [0, 0, 1, 1], [], []>, transpose_lhs_hint = false} : vector<128x128xbf16>, vector<128x256xbf16>, vector<128x256xf32> -> vector<128x256xf32>
    %convert_element_type3A_452 = arith.truncf %sqrt3A_448 : vector<128x32xf32> to vector<128x32xbf16>
    %dot_general3A_453 = arith.constant dense<0.000000e+00> : vector<128x256xf32>
    %dot_general3A_454 = tpu.matmul %convert_element_type3A_452, %get3A_91, %dot_general3A_453 {dimension_numbers = #tpu.dot_dimension_numbers<[1], [0], [0], [1], [0, 0, 1, 1], [], []>, transpose_lhs_hint = false} : vector<128x32xbf16>, vector<32x256xbf16>, vector<128x256xf32> -> vector<128x256xf32>
    %add3A_455 = arith.addf %dot_general3A_451, %dot_general3A_454 : vector<128x256xf32>
    %add3A_456 = vector.broadcast %get3A_94 : vector<1x256xf32> to vector<128x256xf32>
    %add3A_457 = arith.addf %add3A_455, %add3A_456 : vector<128x256xf32>
    %convert_element_type3A_458 = arith.truncf %dot_general3A_433 : vector<128x32xf32> to vector<128x32xbf16>
    %dot_general3A_459 = arith.constant dense<0.000000e+00> : vector<128x32xf32>
    %dot_general3A_460 = tpu.matmul %convert_element_type3A_458, %get3A_97, %dot_general3A_459 {dimension_numbers = #tpu.dot_dimension_numbers<[1], [0], [0], [1], [0, 0, 1, 1], [], []>, transpose_lhs_hint = false} : vector<128x32xbf16>, vector<32x32xbf16>, vector<128x32xf32> -> vector<128x32xf32>
    %convert_element_type3A_461 = arith.truncf %dot_general3A_436 : vector<128x32xf32> to vector<128x32xbf16>
    %dot_general3A_462 = arith.constant dense<0.000000e+00> : vector<128x32xf32>
    %dot_general3A_463 = tpu.matmul %convert_element_type3A_461, %get3A_97, %dot_general3A_462 {dimension_numbers = #tpu.dot_dimension_numbers<[1], [0], [0], [1], [0, 0, 1, 1], [], []>, transpose_lhs_hint = false} : vector<128x32xbf16>, vector<32x32xbf16>, vector<128x32xf32> -> vector<128x32xf32>
    %convert_element_type3A_464 = arith.truncf %dot_general3A_439 : vector<128x32xf32> to vector<128x32xbf16>
    %dot_general3A_465 = arith.constant dense<0.000000e+00> : vector<128x32xf32>
    %dot_general3A_466 = tpu.matmul %convert_element_type3A_464, %get3A_97, %dot_general3A_465 {dimension_numbers = #tpu.dot_dimension_numbers<[1], [0], [0], [1], [0, 0, 1, 1], [], []>, transpose_lhs_hint = false} : vector<128x32xbf16>, vector<32x32xbf16>, vector<128x32xf32> -> vector<128x32xf32>
    %convert_element_type3A_467 = arith.truncf %add3A_457 : vector<128x256xf32> to vector<128x256xbf16>
    %dot_general3A_468 = arith.constant dense<0.000000e+00> : vector<128x32xf32>
    %dot_general3A_469 = tpu.matmul %convert_element_type3A_467, %get3A_100, %dot_general3A_468 {dimension_numbers = #tpu.dot_dimension_numbers<[1], [0], [0], [1], [0, 0, 1, 1], [], []>, transpose_lhs_hint = false} : vector<128x256xbf16>, vector<256x32xbf16>, vector<128x32xf32> -> vector<128x32xf32>
    %add3A_470 = vector.broadcast %get3A_103 : vector<1x32xf32> to vector<128x32xf32>
    %add3A_471 = arith.addf %dot_general3A_469, %add3A_470 : vector<128x32xf32>
    %logistic3A_472 = arith.negf %add3A_471 : vector<128x32xf32>
    %logistic3A_473 = math.exp %logistic3A_472 : vector<128x32xf32>
    %logistic3A_474 = arith.constant 1.000000e+00 : f32
    %logistic3A_475 = vector.broadcast %logistic3A_474 : f32 to vector<128x32xf32>
    %logistic3A_476 = arith.addf %logistic3A_475, %logistic3A_473 : vector<128x32xf32>
    %logistic3A_477 = arith.divf %logistic3A_475, %logistic3A_476 : vector<128x32xf32>
    %mul3A_478 = arith.mulf %dot_general3A_460, %logistic3A_477 : vector<128x32xf32>
    %mul3A_479 = arith.mulf %dot_general3A_463, %logistic3A_477 : vector<128x32xf32>
    %mul3A_480 = arith.mulf %dot_general3A_466, %logistic3A_477 : vector<128x32xf32>
    %max3A_481 = arith.constant 0.000000e+00 : f32
    %max3A_482 = vector.broadcast %max3A_481 : f32 to vector<128x256xf32>
    %max3A_483 = arith.maximumf %add3A_457, %max3A_482 : vector<128x256xf32>
    %convert_element_type3A_484 = arith.truncf %mul3A_478 : vector<128x32xf32> to vector<128x32xbf16>
    %dot_general3A_485 = arith.constant dense<0.000000e+00> : vector<128x32xf32>
    %dot_general3A_486 = tpu.matmul %convert_element_type3A_484, %get3A_106, %dot_general3A_485 {dimension_numbers = #tpu.dot_dimension_numbers<[1], [0], [0], [1], [0, 0, 1, 1], [], []>, transpose_lhs_hint = false} : vector<128x32xbf16>, vector<32x32xbf16>, vector<128x32xf32> -> vector<128x32xf32>
    %convert_element_type3A_487 = arith.truncf %mul3A_479 : vector<128x32xf32> to vector<128x32xbf16>
    %dot_general3A_488 = arith.constant dense<0.000000e+00> : vector<128x32xf32>
    %dot_general3A_489 = tpu.matmul %convert_element_type3A_487, %get3A_106, %dot_general3A_488 {dimension_numbers = #tpu.dot_dimension_numbers<[1], [0], [0], [1], [0, 0, 1, 1], [], []>, transpose_lhs_hint = false} : vector<128x32xbf16>, vector<32x32xbf16>, vector<128x32xf32> -> vector<128x32xf32>
    %convert_element_type3A_490 = arith.truncf %mul3A_480 : vector<128x32xf32> to vector<128x32xbf16>
    %dot_general3A_491 = arith.constant dense<0.000000e+00> : vector<128x32xf32>
    %dot_general3A_492 = tpu.matmul %convert_element_type3A_490, %get3A_106, %dot_general3A_491 {dimension_numbers = #tpu.dot_dimension_numbers<[1], [0], [0], [1], [0, 0, 1, 1], [], []>, transpose_lhs_hint = false} : vector<128x32xbf16>, vector<32x32xbf16>, vector<128x32xf32> -> vector<128x32xf32>
    %mul3A_493 = arith.mulf %dot_general3A_486, %dot_general3A_486 : vector<128x32xf32>
    %mul3A_494 = arith.mulf %dot_general3A_489, %dot_general3A_489 : vector<128x32xf32>
    %add3A_495 = arith.addf %mul3A_493, %mul3A_494 : vector<128x32xf32>
    %mul3A_496 = arith.mulf %dot_general3A_492, %dot_general3A_492 : vector<128x32xf32>
    %add3A_497 = arith.addf %add3A_495, %mul3A_496 : vector<128x32xf32>
    %add3A_498 = arith.constant 9.99999993E-9 : f32
    %add3A_499 = vector.broadcast %add3A_498 : f32 to vector<128x32xf32>
    %add3A_500 = arith.addf %add3A_497, %add3A_499 : vector<128x32xf32>
    %sqrt3A_501 = math.sqrt %add3A_500 : vector<128x32xf32>
    %convert_element_type3A_502 = arith.truncf %max3A_483 : vector<128x256xf32> to vector<128x256xbf16>
    %dot_general3A_503 = arith.constant dense<0.000000e+00> : vector<128x128xf32>
    %dot_general3A_504 = tpu.matmul %convert_element_type3A_502, %get3A_109, %dot_general3A_503 {dimension_numbers = #tpu.dot_dimension_numbers<[1], [0], [0], [1], [0, 0, 1, 1], [], []>, transpose_lhs_hint = false} : vector<128x256xbf16>, vector<256x128xbf16>, vector<128x128xf32> -> vector<128x128xf32>
    %convert_element_type3A_505 = arith.truncf %sqrt3A_501 : vector<128x32xf32> to vector<128x32xbf16>
    %dot_general3A_506 = arith.constant dense<0.000000e+00> : vector<128x128xf32>
    %dot_general3A_507 = tpu.matmul %convert_element_type3A_505, %get3A_112, %dot_general3A_506 {dimension_numbers = #tpu.dot_dimension_numbers<[1], [0], [0], [1], [0, 0, 1, 1], [], []>, transpose_lhs_hint = false} : vector<128x32xbf16>, vector<32x128xbf16>, vector<128x128xf32> -> vector<128x128xf32>
    %add3A_508 = arith.addf %dot_general3A_504, %dot_general3A_507 : vector<128x128xf32>
    %add3A_509 = vector.broadcast %get3A_115 : vector<1x128xf32> to vector<128x128xf32>
    %add3A_510 = arith.addf %add3A_508, %add3A_509 : vector<128x128xf32>
    %convert_element_type3A_511 = arith.truncf %dot_general3A_486 : vector<128x32xf32> to vector<128x32xbf16>
    %dot_general3A_512 = arith.constant dense<0.000000e+00> : vector<128x16xf32>
    %dot_general3A_513 = tpu.matmul %convert_element_type3A_511, %get3A_118, %dot_general3A_512 {dimension_numbers = #tpu.dot_dimension_numbers<[1], [0], [0], [1], [0, 0, 1, 1], [], []>, transpose_lhs_hint = false} : vector<128x32xbf16>, vector<32x16xbf16>, vector<128x16xf32> -> vector<128x16xf32>
    %convert_element_type3A_514 = arith.truncf %dot_general3A_489 : vector<128x32xf32> to vector<128x32xbf16>
    %dot_general3A_515 = arith.constant dense<0.000000e+00> : vector<128x16xf32>
    %dot_general3A_516 = tpu.matmul %convert_element_type3A_514, %get3A_118, %dot_general3A_515 {dimension_numbers = #tpu.dot_dimension_numbers<[1], [0], [0], [1], [0, 0, 1, 1], [], []>, transpose_lhs_hint = false} : vector<128x32xbf16>, vector<32x16xbf16>, vector<128x16xf32> -> vector<128x16xf32>
    %convert_element_type3A_517 = arith.truncf %dot_general3A_492 : vector<128x32xf32> to vector<128x32xbf16>
    %dot_general3A_518 = arith.constant dense<0.000000e+00> : vector<128x16xf32>
    %dot_general3A_519 = tpu.matmul %convert_element_type3A_517, %get3A_118, %dot_general3A_518 {dimension_numbers = #tpu.dot_dimension_numbers<[1], [0], [0], [1], [0, 0, 1, 1], [], []>, transpose_lhs_hint = false} : vector<128x32xbf16>, vector<32x16xbf16>, vector<128x16xf32> -> vector<128x16xf32>
    %convert_element_type3A_520 = arith.truncf %add3A_510 : vector<128x128xf32> to vector<128x128xbf16>
    %dot_general3A_521 = arith.constant dense<0.000000e+00> : vector<128x16xf32>
    %dot_general3A_522 = tpu.matmul %convert_element_type3A_520, %get3A_121, %dot_general3A_521 {dimension_numbers = #tpu.dot_dimension_numbers<[1], [0], [0], [1], [0, 0, 1, 1], [], []>, transpose_lhs_hint = false} : vector<128x128xbf16>, vector<128x16xbf16>, vector<128x16xf32> -> vector<128x16xf32>
    %add3A_523 = vector.broadcast %get3A_124 : vector<1x16xf32> to vector<128x16xf32>
    %add3A_524 = arith.addf %dot_general3A_522, %add3A_523 : vector<128x16xf32>
    %logistic3A_525 = arith.negf %add3A_524 : vector<128x16xf32>
    %logistic3A_526 = math.exp %logistic3A_525 : vector<128x16xf32>
    %logistic3A_527 = arith.constant 1.000000e+00 : f32
    %logistic3A_528 = vector.broadcast %logistic3A_527 : f32 to vector<128x16xf32>
    %logistic3A_529 = arith.addf %logistic3A_528, %logistic3A_526 : vector<128x16xf32>
    %logistic3A_530 = arith.divf %logistic3A_528, %logistic3A_529 : vector<128x16xf32>
    %mul3A_531 = arith.mulf %dot_general3A_513, %logistic3A_530 : vector<128x16xf32>
    %mul3A_532 = arith.mulf %dot_general3A_516, %logistic3A_530 : vector<128x16xf32>
    %mul3A_533 = arith.mulf %dot_general3A_519, %logistic3A_530 : vector<128x16xf32>
    %add3A_534 = arith.addf %add3A_388, %add3A_510 : vector<128x128xf32>
    %reduce_sum3A_535 = arith.constant dense<0.000000e+00> : vector<128xf32>
    %reduce_sum3A_536 = vector.multi_reduction <add>, %add3A_534, %reduce_sum3A_535 [1] : vector<128x128xf32> to vector<128xf32>
    %broadcast_in_dim3A_537 = vector.shape_cast %reduce_sum3A_536 : vector<128xf32> to vector<128x1xf32>
    %div3A_538 = arith.constant 1.280000e+02 : f32
    %div3A_539 = vector.broadcast %div3A_538 : f32 to vector<128x1xf32>
    %div3A_540 = arith.divf %broadcast_in_dim3A_537, %div3A_539 : vector<128x1xf32>
    %sub3A_541 = vector.broadcast %div3A_540 : vector<128x1xf32> to vector<128x128xf32>
    %sub3A_542 = arith.subf %add3A_534, %sub3A_541 : vector<128x128xf32>
    %mul3A_543 = arith.mulf %sub3A_542, %sub3A_542 : vector<128x128xf32>
    %reduce_sum3A_544 = arith.constant dense<0.000000e+00> : vector<128xf32>
    %reduce_sum3A_545 = vector.multi_reduction <add>, %mul3A_543, %reduce_sum3A_544 [1] : vector<128x128xf32> to vector<128xf32>
    %broadcast_in_dim3A_546 = vector.shape_cast %reduce_sum3A_545 : vector<128xf32> to vector<128x1xf32>
    %div3A_547 = arith.constant 1.280000e+02 : f32
    %div3A_548 = vector.broadcast %div3A_547 : f32 to vector<128x1xf32>
    %div3A_549 = arith.divf %broadcast_in_dim3A_546, %div3A_548 : vector<128x1xf32>
    %mul3A_550 = vector.broadcast %get3A_133 : vector<1x128xf32> to vector<128x128xf32>
    %mul3A_551 = arith.mulf %mul3A_550, %sub3A_542 : vector<128x128xf32>
    %add3A_552 = arith.constant 9.99999974E-5 : f32
    %add3A_553 = vector.broadcast %add3A_552 : f32 to vector<128x1xf32>
    %add3A_554 = arith.addf %div3A_549, %add3A_553 : vector<128x1xf32>
    %sqrt3A_555 = math.sqrt %add3A_554 : vector<128x1xf32>
    %div3A_556 = vector.broadcast %sqrt3A_555 : vector<128x1xf32> to vector<128x128xf32>
    %div3A_557 = arith.divf %mul3A_551, %div3A_556 : vector<128x128xf32>
    %add3A_558 = vector.broadcast %get3A_136 : vector<1x128xf32> to vector<128x128xf32>
    %add3A_559 = arith.addf %div3A_557, %add3A_558 : vector<128x128xf32>
    %add3A_560 = arith.addf %div3A_426, %mul3A_531 : vector<128x16xf32>
    %add3A_561 = arith.addf %div3A_428, %mul3A_532 : vector<128x16xf32>
    %add3A_562 = arith.addf %div3A_430, %mul3A_533 : vector<128x16xf32>
    %mul3A_563 = arith.mulf %add3A_560, %add3A_560 : vector<128x16xf32>
    %mul3A_564 = arith.mulf %add3A_561, %add3A_561 : vector<128x16xf32>
    %add3A_565 = arith.addf %mul3A_563, %mul3A_564 : vector<128x16xf32>
    %mul3A_566 = arith.mulf %add3A_562, %add3A_562 : vector<128x16xf32>
    %add3A_567 = arith.addf %add3A_565, %mul3A_566 : vector<128x16xf32>
    %reduce_sum3A_568 = arith.constant dense<0.000000e+00> : vector<128xf32>
    %reduce_sum3A_569 = vector.multi_reduction <add>, %add3A_567, %reduce_sum3A_568 [1] : vector<128x16xf32> to vector<128xf32>
    %broadcast_in_dim3A_570 = vector.shape_cast %reduce_sum3A_569 : vector<128xf32> to vector<128x1xf32>
    %div3A_571 = arith.constant 1.600000e+01 : f32
    %div3A_572 = vector.broadcast %div3A_571 : f32 to vector<128x1xf32>
    %div3A_573 = arith.divf %broadcast_in_dim3A_570, %div3A_572 : vector<128x1xf32>
    %add3A_574 = arith.constant 9.99999974E-5 : f32
    %add3A_575 = vector.broadcast %add3A_574 : f32 to vector<128x1xf32>
    %add3A_576 = arith.addf %div3A_573, %add3A_575 : vector<128x1xf32>
    %sqrt3A_577 = math.sqrt %add3A_576 : vector<128x1xf32>
    %div3A_578 = vector.broadcast %sqrt3A_577 : vector<128x1xf32> to vector<128x16xf32>
    %div3A_579 = arith.divf %add3A_560, %div3A_578 : vector<128x16xf32>
    %div3A_580 = vector.broadcast %sqrt3A_577 : vector<128x1xf32> to vector<128x16xf32>
    %div3A_581 = arith.divf %add3A_561, %div3A_580 : vector<128x16xf32>
    %div3A_582 = vector.broadcast %sqrt3A_577 : vector<128x1xf32> to vector<128x16xf32>
    %div3A_583 = arith.divf %add3A_562, %div3A_582 : vector<128x16xf32>
    %broadcast_in_dim3A_584 = arith.constant 0.000000e+00 : f32
    %broadcast_in_dim3A_585 = vector.broadcast %broadcast_in_dim3A_584 : f32 to vector<128x80xf32>
    %get3A_586 = arith.constant 0 : index
    %get3A_587 = arith.constant 0 : index
    %get3A_588 = vector.load %arg47[%get3A_586, %get3A_587] : memref<128x16xf32, #tpu.memory_space<vmem>>, vector<128x16xf32>
    %slice3A_589 = vector.extract_strided_slice %get3A_588 {offsets = [0, 0], sizes = [128, 1], strides = [1, 1]} : vector<128x16xf32> to vector<128x1xf32>
    %mul3A_590 = vector.broadcast %slice3A_589 : vector<128x1xf32> to vector<128x16xf32>
    %mul3A_591 = arith.mulf %div3A_579, %mul3A_590 : vector<128x16xf32>
    %slice3A_592 = vector.extract_strided_slice %get3A_588 {offsets = [0, 3], sizes = [128, 1], strides = [1, 1]} : vector<128x16xf32> to vector<128x1xf32>
    %mul3A_593 = vector.broadcast %slice3A_592 : vector<128x1xf32> to vector<128x16xf32>
    %mul3A_594 = arith.mulf %div3A_581, %mul3A_593 : vector<128x16xf32>
    %add3A_595 = arith.addf %mul3A_591, %mul3A_594 : vector<128x16xf32>
    %slice3A_596 = vector.extract_strided_slice %get3A_588 {offsets = [0, 6], sizes = [128, 1], strides = [1, 1]} : vector<128x16xf32> to vector<128x1xf32>
    %mul3A_597 = vector.broadcast %slice3A_596 : vector<128x1xf32> to vector<128x16xf32>
    %mul3A_598 = arith.mulf %div3A_583, %mul3A_597 : vector<128x16xf32>
    %add3A_599 = arith.addf %add3A_595, %mul3A_598 : vector<128x16xf32>
    %slice3A_600 = vector.extract_strided_slice %get3A_588 {offsets = [0, 1], sizes = [128, 1], strides = [1, 1]} : vector<128x16xf32> to vector<128x1xf32>
    %mul3A_601 = vector.broadcast %slice3A_600 : vector<128x1xf32> to vector<128x16xf32>
    %mul3A_602 = arith.mulf %div3A_579, %mul3A_601 : vector<128x16xf32>
    %slice3A_603 = vector.extract_strided_slice %get3A_588 {offsets = [0, 4], sizes = [128, 1], strides = [1, 1]} : vector<128x16xf32> to vector<128x1xf32>
    %mul3A_604 = vector.broadcast %slice3A_603 : vector<128x1xf32> to vector<128x16xf32>
    %mul3A_605 = arith.mulf %div3A_581, %mul3A_604 : vector<128x16xf32>
    %add3A_606 = arith.addf %mul3A_602, %mul3A_605 : vector<128x16xf32>
    %slice3A_607 = vector.extract_strided_slice %get3A_588 {offsets = [0, 7], sizes = [128, 1], strides = [1, 1]} : vector<128x16xf32> to vector<128x1xf32>
    %mul3A_608 = vector.broadcast %slice3A_607 : vector<128x1xf32> to vector<128x16xf32>
    %mul3A_609 = arith.mulf %div3A_583, %mul3A_608 : vector<128x16xf32>
    %add3A_610 = arith.addf %add3A_606, %mul3A_609 : vector<128x16xf32>
    %slice3A_611 = vector.extract_strided_slice %get3A_588 {offsets = [0, 2], sizes = [128, 1], strides = [1, 1]} : vector<128x16xf32> to vector<128x1xf32>
    %mul3A_612 = vector.broadcast %slice3A_611 : vector<128x1xf32> to vector<128x16xf32>
    %mul3A_613 = arith.mulf %div3A_579, %mul3A_612 : vector<128x16xf32>
    %slice3A_614 = vector.extract_strided_slice %get3A_588 {offsets = [0, 5], sizes = [128, 1], strides = [1, 1]} : vector<128x16xf32> to vector<128x1xf32>
    %mul3A_615 = vector.broadcast %slice3A_614 : vector<128x1xf32> to vector<128x16xf32>
    %mul3A_616 = arith.mulf %div3A_581, %mul3A_615 : vector<128x16xf32>
    %add3A_617 = arith.addf %mul3A_613, %mul3A_616 : vector<128x16xf32>
    %slice3A_618 = vector.extract_strided_slice %get3A_588 {offsets = [0, 8], sizes = [128, 1], strides = [1, 1]} : vector<128x16xf32> to vector<128x1xf32>
    %mul3A_619 = vector.broadcast %slice3A_618 : vector<128x1xf32> to vector<128x16xf32>
    %mul3A_620 = arith.mulf %div3A_583, %mul3A_619 : vector<128x16xf32>
    %add3A_621 = arith.addf %add3A_617, %mul3A_620 : vector<128x16xf32>
    %concatenate3A_622 = tpu.concatenate %add3A_559, %add3A_599, %add3A_610, %add3A_621, %broadcast_in_dim3A_585 in 1 : vector<128x128xf32>, vector<128x16xf32>, vector<128x16xf32>, vector<128x16xf32>, vector<128x80xf32> -> vector<128x256xf32>
    %swap3A = arith.constant 0 : index
    %swap3A_623 = arith.constant 0 : index
    %swap3A_624 = vector.load %arg48[%swap3A, %swap3A_623] : memref<128x256xf32, #tpu.memory_space<vmem>>, vector<128x256xf32>
    tpu.vector_store %arg48[%swap3A, %swap3A_623], %concatenate3A_622 {strides = array<i32>} : memref<128x256xf32, #tpu.memory_space<vmem>>, vector<128x256xf32>,
    return
  }
  func.func @transform_0(%arg0: i32) -> (i32, i32) {
    %c0_i32 = arith.constant 0 : i32
    %c0_i32_0 = arith.constant 0 : i32
    return %arg0, %c0_i32 : i32, i32
  }
  func.func @transform_1(%arg0: i32) -> (i32, i32) {
    %c0_i32 = arith.constant 0 : i32
    %c0_i32_0 = arith.constant 0 : i32
    return %arg0, %c0_i32 : i32, i32
  }
  func.func @transform_2(%arg0: i32) -> (i32, i32) {
    %c0_i32 = arith.constant 0 : i32
    %c0_i32_0 = arith.constant 0 : i32
    return %arg0, %c0_i32 : i32, i32
  }
  func.func @transform_3(%arg0: i32) -> (i32, i32) {
    %c0_i32 = arith.constant 0 : i32
    %c0_i32_0 = arith.constant 0 : i32
    %c0_i32_1 = arith.constant 0 : i32
    return %c0_i32, %c0_i32_0 : i32, i32
  }
  func.func @transform_4(%arg0: i32) -> (i32, i32) {
    %c0_i32 = arith.constant 0 : i32
    %c0_i32_0 = arith.constant 0 : i32
    %c0_i32_1 = arith.constant 0 : i32
    return %c0_i32, %c0_i32_0 : i32, i32
  }
  func.func @transform_5(%arg0: i32) -> (i32, i32) {
    %c0_i32 = arith.constant 0 : i32
    %c0_i32_0 = arith.constant 0 : i32
    %c0_i32_1 = arith.constant 0 : i32
    return %c0_i32, %c0_i32_0 : i32, i32
  }
  func.func @transform_6(%arg0: i32) -> (i32, i32) {
    %c0_i32 = arith.constant 0 : i32
    %c0_i32_0 = arith.constant 0 : i32
    %c0_i32_1 = arith.constant 0 : i32
    return %c0_i32, %c0_i32_0 : i32, i32
  }
  func.func @transform_7(%arg0: i32) -> (i32, i32) {
    %c0_i32 = arith.constant 0 : i32
    %c0_i32_0 = arith.constant 0 : i32
    %c0_i32_1 = arith.constant 0 : i32
    return %c0_i32, %c0_i32_0 : i32, i32
  }
  func.func @transform_8(%arg0: i32) -> (i32, i32) {
    %c0_i32 = arith.constant 0 : i32
    %c0_i32_0 = arith.constant 0 : i32
    %c0_i32_1 = arith.constant 0 : i32
    return %c0_i32, %c0_i32_0 : i32, i32
  }
  func.func @transform_9(%arg0: i32) -> (i32, i32) {
    %c0_i32 = arith.constant 0 : i32
    %c0_i32_0 = arith.constant 0 : i32
    %c0_i32_1 = arith.constant 0 : i32
    return %c0_i32, %c0_i32_0 : i32, i32
  }
  func.func @transform_10(%arg0: i32) -> (i32, i32) {
    %c0_i32 = arith.constant 0 : i32
    %c0_i32_0 = arith.constant 0 : i32
    %c0_i32_1 = arith.constant 0 : i32
    return %c0_i32, %c0_i32_0 : i32, i32
  }
  func.func @transform_11(%arg0: i32) -> (i32, i32) {
    %c0_i32 = arith.constant 0 : i32
    %c0_i32_0 = arith.constant 0 : i32
    %c0_i32_1 = arith.constant 0 : i32
    return %c0_i32, %c0_i32_0 : i32, i32
  }
  func.func @transform_12(%arg0: i32) -> (i32, i32) {
    %c0_i32 = arith.constant 0 : i32
    %c0_i32_0 = arith.constant 0 : i32
    %c0_i32_1 = arith.constant 0 : i32
    return %c0_i32, %c0_i32_0 : i32, i32
  }
  func.func @transform_13(%arg0: i32) -> (i32, i32) {
    %c0_i32 = arith.constant 0 : i32
    %c0_i32_0 = arith.constant 0 : i32
    %c0_i32_1 = arith.constant 0 : i32
    return %c0_i32, %c0_i32_0 : i32, i32
  }
  func.func @transform_14(%arg0: i32) -> (i32, i32) {
    %c0_i32 = arith.constant 0 : i32
    %c0_i32_0 = arith.constant 0 : i32
    %c0_i32_1 = arith.constant 0 : i32
    return %c0_i32, %c0_i32_0 : i32, i32
  }
  func.func @transform_15(%arg0: i32) -> (i32, i32) {
    %c0_i32 = arith.constant 0 : i32
    %c0_i32_0 = arith.constant 0 : i32
    %c0_i32_1 = arith.constant 0 : i32
    return %c0_i32, %c0_i32_0 : i32, i32
  }
  func.func @transform_16(%arg0: i32) -> (i32, i32) {
    %c0_i32 = arith.constant 0 : i32
    %c0_i32_0 = arith.constant 0 : i32
    %c0_i32_1 = arith.constant 0 : i32
    return %c0_i32, %c0_i32_0 : i32, i32
  }
  func.func @transform_17(%arg0: i32) -> (i32, i32) {
    %c0_i32 = arith.constant 0 : i32
    %c0_i32_0 = arith.constant 0 : i32
    %c0_i32_1 = arith.constant 0 : i32
    return %c0_i32, %c0_i32_0 : i32, i32
  }
  func.func @transform_18(%arg0: i32) -> (i32, i32) {
    %c0_i32 = arith.constant 0 : i32
    %c0_i32_0 = arith.constant 0 : i32
    %c0_i32_1 = arith.constant 0 : i32
    return %c0_i32, %c0_i32_0 : i32, i32
  }
  func.func @transform_19(%arg0: i32) -> (i32, i32) {
    %c0_i32 = arith.constant 0 : i32
    %c0_i32_0 = arith.constant 0 : i32
    %c0_i32_1 = arith.constant 0 : i32
    return %c0_i32, %c0_i32_0 : i32, i32
  }
  func.func @transform_20(%arg0: i32) -> (i32, i32) {
    %c0_i32 = arith.constant 0 : i32
    %c0_i32_0 = arith.constant 0 : i32
    %c0_i32_1 = arith.constant 0 : i32
    return %c0_i32, %c0_i32_0 : i32, i32
  }
  func.func @transform_21(%arg0: i32) -> (i32, i32) {
    %c0_i32 = arith.constant 0 : i32
    %c0_i32_0 = arith.constant 0 : i32
    %c0_i32_1 = arith.constant 0 : i32
    return %c0_i32, %c0_i32_0 : i32, i32
  }
  func.func @transform_22(%arg0: i32) -> (i32, i32) {
    %c0_i32 = arith.constant 0 : i32
    %c0_i32_0 = arith.constant 0 : i32
    %c0_i32_1 = arith.constant 0 : i32
    return %c0_i32, %c0_i32_0 : i32, i32
  }
  func.func @transform_23(%arg0: i32) -> (i32, i32) {
    %c0_i32 = arith.constant 0 : i32
    %c0_i32_0 = arith.constant 0 : i32
    %c0_i32_1 = arith.constant 0 : i32
    return %c0_i32, %c0_i32_0 : i32, i32
  }
  func.func @transform_24(%arg0: i32) -> (i32, i32) {
    %c0_i32 = arith.constant 0 : i32
    %c0_i32_0 = arith.constant 0 : i32
    %c0_i32_1 = arith.constant 0 : i32
    return %c0_i32, %c0_i32_0 : i32, i32
  }
  func.func @transform_25(%arg0: i32) -> (i32, i32) {
    %c0_i32 = arith.constant 0 : i32
    %c0_i32_0 = arith.constant 0 : i32
    %c0_i32_1 = arith.constant 0 : i32
    return %c0_i32, %c0_i32_0 : i32, i32
  }
  func.func @transform_26(%arg0: i32) -> (i32, i32) {
    %c0_i32 = arith.constant 0 : i32
    %c0_i32_0 = arith.constant 0 : i32
    %c0_i32_1 = arith.constant 0 : i32
    return %c0_i32, %c0_i32_0 : i32, i32
  }
  func.func @transform_27(%arg0: i32) -> (i32, i32) {
    %c0_i32 = arith.constant 0 : i32
    %c0_i32_0 = arith.constant 0 : i32
    %c0_i32_1 = arith.constant 0 : i32
    return %c0_i32, %c0_i32_0 : i32, i32
  }
  func.func @transform_28(%arg0: i32) -> (i32, i32) {
    %c0_i32 = arith.constant 0 : i32
    %c0_i32_0 = arith.constant 0 : i32
    %c0_i32_1 = arith.constant 0 : i32
    return %c0_i32, %c0_i32_0 : i32, i32
  }
  func.func @transform_29(%arg0: i32) -> (i32, i32) {
    %c0_i32 = arith.constant 0 : i32
    %c0_i32_0 = arith.constant 0 : i32
    %c0_i32_1 = arith.constant 0 : i32
    return %c0_i32, %c0_i32_0 : i32, i32
  }
  func.func @transform_30(%arg0: i32) -> (i32, i32) {
    %c0_i32 = arith.constant 0 : i32
    %c0_i32_0 = arith.constant 0 : i32
    %c0_i32_1 = arith.constant 0 : i32
    return %c0_i32, %c0_i32_0 : i32, i32
  }
  func.func @transform_31(%arg0: i32) -> (i32, i32) {
    %c0_i32 = arith.constant 0 : i32
    %c0_i32_0 = arith.constant 0 : i32
    %c0_i32_1 = arith.constant 0 : i32
    return %c0_i32, %c0_i32_0 : i32, i32
  }
  func.func @transform_32(%arg0: i32) -> (i32, i32) {
    %c0_i32 = arith.constant 0 : i32
    %c0_i32_0 = arith.constant 0 : i32
    %c0_i32_1 = arith.constant 0 : i32
    return %c0_i32, %c0_i32_0 : i32, i32
  }
  func.func @transform_33(%arg0: i32) -> (i32, i32) {
    %c0_i32 = arith.constant 0 : i32
    %c0_i32_0 = arith.constant 0 : i32
    %c0_i32_1 = arith.constant 0 : i32
    return %c0_i32, %c0_i32_0 : i32, i32
  }
  func.func @transform_34(%arg0: i32) -> (i32, i32) {
    %c0_i32 = arith.constant 0 : i32
    %c0_i32_0 = arith.constant 0 : i32
    %c0_i32_1 = arith.constant 0 : i32
    return %c0_i32, %c0_i32_0 : i32, i32
  }
  func.func @transform_35(%arg0: i32) -> (i32, i32) {
    %c0_i32 = arith.constant 0 : i32
    %c0_i32_0 = arith.constant 0 : i32
    %c0_i32_1 = arith.constant 0 : i32
    return %c0_i32, %c0_i32_0 : i32, i32
  }
  func.func @transform_36(%arg0: i32) -> (i32, i32) {
    %c0_i32 = arith.constant 0 : i32
    %c0_i32_0 = arith.constant 0 : i32
    %c0_i32_1 = arith.constant 0 : i32
    return %c0_i32, %c0_i32_0 : i32, i32
  }
  func.func @transform_37(%arg0: i32) -> (i32, i32) {
    %c0_i32 = arith.constant 0 : i32
    %c0_i32_0 = arith.constant 0 : i32
    %c0_i32_1 = arith.constant 0 : i32
    return %c0_i32, %c0_i32_0 : i32, i32
  }
  func.func @transform_38(%arg0: i32) -> (i32, i32) {
    %c0_i32 = arith.constant 0 : i32
    %c0_i32_0 = arith.constant 0 : i32
    %c0_i32_1 = arith.constant 0 : i32
    return %c0_i32, %c0_i32_0 : i32, i32
  }
  func.func @transform_39(%arg0: i32) -> (i32, i32) {
    %c0_i32 = arith.constant 0 : i32
    %c0_i32_0 = arith.constant 0 : i32
    %c0_i32_1 = arith.constant 0 : i32
    return %c0_i32, %c0_i32_0 : i32, i32
  }
  func.func @transform_40(%arg0: i32) -> (i32, i32) {
    %c0_i32 = arith.constant 0 : i32
    %c0_i32_0 = arith.constant 0 : i32
    %c0_i32_1 = arith.constant 0 : i32
    return %c0_i32, %c0_i32_0 : i32, i32
  }
  func.func @transform_41(%arg0: i32) -> (i32, i32) {
    %c0_i32 = arith.constant 0 : i32
    %c0_i32_0 = arith.constant 0 : i32
    %c0_i32_1 = arith.constant 0 : i32
    return %c0_i32, %c0_i32_0 : i32, i32
  }
  func.func @transform_42(%arg0: i32) -> (i32, i32) {
    %c0_i32 = arith.constant 0 : i32
    %c0_i32_0 = arith.constant 0 : i32
    %c0_i32_1 = arith.constant 0 : i32
    return %c0_i32, %c0_i32_0 : i32, i32
  }
  func.func @transform_43(%arg0: i32) -> (i32, i32) {
    %c0_i32 = arith.constant 0 : i32
    %c0_i32_0 = arith.constant 0 : i32
    %c0_i32_1 = arith.constant 0 : i32
    return %c0_i32, %c0_i32_0 : i32, i32
  }
  func.func @transform_44(%arg0: i32) -> (i32, i32) {
    %c0_i32 = arith.constant 0 : i32
    %c0_i32_0 = arith.constant 0 : i32
    %c0_i32_1 = arith.constant 0 : i32
    return %c0_i32, %c0_i32_0 : i32, i32
  }
  func.func @transform_45(%arg0: i32) -> (i32, i32) {
    %c0_i32 = arith.constant 0 : i32
    %c0_i32_0 = arith.constant 0 : i32
    %c0_i32_1 = arith.constant 0 : i32
    return %c0_i32, %c0_i32_0 : i32, i32
  }
  func.func @transform_46(%arg0: i32) -> (i32, i32) {
    %c0_i32 = arith.constant 0 : i32
    %c0_i32_0 = arith.constant 0 : i32
    return %arg0, %c0_i32 : i32, i32
  }
  func.func @transform_47(%arg0: i32) -> (i32, i32) {
    %c0_i32 = arith.constant 0 : i32
    %c0_i32_0 = arith.constant 0 : i32
    return %arg0, %c0_i32 : i32, i32
  }
}

</mosaic_0001>

<sc_bundles>
// kernel: kernel.11.cloned.1.call-start
scs
__scs_entry_jumppad:
0x0: {  	(pc) =	sbr.rel $0x88, $3  }
0x1: {  	(tag) =	ssettag $0x0;
	lr =	simm.s32 $0x1  }
0x2: {  	[smem:$0x3F29] =	sst lr;
	_ =	strace $0xD0000000  }
0x3: {  	_ = 	snop  }
0x4: {  	_ = 	snop  }
0x5: {  	_ = 	snop  }
0x6: {  	_ = 	snop  }
0x7: {  	_ = 	snop  }
__scs_overlays_trampoline_lowered:
0x8: {  	[smem:$0x3F38] =	sst s0  }
0x9: {  	[smem:$0x3F39] =	sst s1  }
0xa: {  	[smem:$0x3F3A] =	sst s2  }
0xb: {  	[smem:$0x3F3B] =	sst s3  }
0xc: {  	[smem:$0x3F3C] =	sst s4  }
0xd: {  	[smem:$0x3F3D] =	sst s5  }
0xe: {  	[smem:$0x3F3E] =	sst s6  }
0xf: {  	[smem:$0x3F3F] =	sst s7  }
0x10: {  	[smem:$0x3F40] =	sst s8  }
0x11: {  	[smem:$0x3F41] =	sst s9;
	s0 =	simm.s32 @!p0 $0x0  }
0x12: {  	s1 =	sld [smem:$0x3F27];
	s0 =	simm.s32 @p0 $0x1  }
0x13: {  	[smem:$0x3F42] =	sst s0;
	s0 =	simm.s32 @!p1 $0x0  }
0x14: {  	s2 =	sld [smem:$0x3F26];
	s0 =	simm.s32 @p1 $0x1  }
0x15: {  	[smem:$0x3F43] =	sst s0;
	s0 =	simm.s32 @!p2 $0x0  }
0x16: {  	s3 =	sld [smem:$0x3FDB];
	s0 =	simm.s32 @p2 $0x1  }
0x17: {  	s4 =	simm.s32 $0x1BF5;
	[smem:$0x3F45] =	sst s0  }
0x18: {  	s0 =	sld [smem:$0x3F28];
	_ =	swait.ge [sflag:s4], $0x0  }
0x19: {  	s7 =	sld [smem:$0x3F29]  }
0x1a: {  	s8 =	sadd.s32 $0xFFFFE003, lr  }
0x1b: {  	s9 =	sadd.s32 $0xFFFFFEF7, lr;
	s5 =	simm.s32 $0xFFFFFFFF;
	p2 =	slt.u32 s8, $0xFFFFF086  }
0x1c: {  	p1 =	slt.u32 s9, $0xF7A;
	s5 =	simm.s32 @!p2 $0x0  }
0x1d: {  	s5 =	simm.s32 @p1 $0x1;
	p0 =	seq.s32 s7, s2  }
0x1e: {  	s7 =	smul.u32 @!p0 $0xF7A, s2;
	p2 =	seq.s32 @!p0 s5, $0x0  }
0x1f: {  	s9 =	smul.u32 $0xF7A, s1;
	s8 =	simm.s32 @!p0 $0x1BF5;
	p2 =	por !p2, p0  }
0x20: {  	[sflag:s8] =	ssyncset.s32 @!p0 $0xFFFFF086;
	s6 =	sadd.s32 @!p0 s3, s7;
	s7 =	simm.s32 @!p0 $0x108  }
0x21: {  	s3 =	sadd.s32 s3, s9;
	s6 =	sadd.s32 @!p0 $0x88, s6;
	s7 =	simm.s32 @p2 $0x1082  }
0x22: {  	[simem:s7], [sflag:s8] =	dma.local @!p0 [hbm:s6], $0xF7A  }
0x23: {  	s9 =	sor.u32 $0xD0000000, s2;
	s6 =	simm.s32 $0x108;
	_ =	swait.ge @!p0 [sflag:s8], $0x0  }
0x24: {  	s3 =	sadd.s32 $0x88, s3;
	s6 =	simm.s32 @!p1 $0x1082;
	[sflag:s4] =	ssyncset.s32 $0xFFFFF086  }
0x25: {  	[simem:s6], [sflag:s4] =	dma.local [hbm:s3], $0xF7A  }
0x26: {  	[smem:$0x3F29] =	sst s1;
	(tag) =	ssettag s2;
	_ =	strace s9  }
0x27: {  	s1 =	sld [smem:$0x3F39]  }
0x28: {  	s2 =	sld [smem:$0x3F3A]  }
0x29: {  	s4 =	sld [smem:$0x3F3C]  }
0x2a: {  	p0 =	seq.s32 s5, $0x0;
	s5 =	sld [smem:$0x3F3D]  }
0x2b: {  	s6 =	sld [smem:$0x3F3E]  }
0x2c: {  	s7 =	sld [smem:$0x3F3F]  }
0x2d: {  	s3 =	simm.s32 $0x108;
	s8 =	sld [smem:$0x3F40]  }
0x2e: {  	s3 =	simm.s32 @!p0 $0x1082;
	s9 =	sld [smem:$0x3F41]  }
0x2f: {  	lr =	sadd.s32 s0, s3;
	s0 =	sld [smem:$0x3F38]  }
0x30: {  	s3 =	sld [smem:$0x3F3B]  }
0x31: {  	[smem:$0x3F44] =	sst s10  }
0x32: {  	s10 =	sld [smem:$0x3F42];
	_ =	sdelay $0x3  }
0x33: {  	p0 =	seq.s32 s10, $0x1;
	s10 =	sld [smem:$0x3F44];
	_ =	sdelay $0x3  }
0x34: {  	[smem:$0x3F44] =	sst s10  }
0x35: {  	s10 =	sld [smem:$0x3F43];
	_ =	sdelay $0x3  }
0x36: {  	p1 =	seq.s32 s10, $0x1;
	s10 =	sld [smem:$0x3F44];
	_ =	sdelay $0x3  }
0x37: {  	[smem:$0x3F44] =	sst s10  }
0x38: {  	s10 =	sld [smem:$0x3F45]  }
0x39: {  	_ = 	snop;
	(pc) =	sbr.ind lr, $3  }
0x3a: {  	_ = 	snop  }
0x3b: {  	_ = 	snop  }
0x3c: {  	p2 =	seq.s32 s10, $0x1;
	s10 =	sld [smem:$0x3F44]  }
0x3d: {  	_ =	shalt  }
0x3e: {  	_ =	shalt  }
0x3f: {  	_ =	shalt  }
0x40: {  	_ =	shalt  }
0x41: {  	_ =	shalt  }
0x42: {  	_ =	shalt  }
0x43: {  	_ =	shalt  }
0x44: {  	_ =	shalt  }
0x45: {  	_ =	shalt  }
0x46: {  	_ =	shalt  }
0x47: {  	_ =	shalt  }
0x48: {  	_ =	shalt  }
0x49: {  	_ =	shalt  }
0x4a: {  	_ =	shalt  }
0x4b: {  	_ =	shalt  }
0x4c: {  	_ =	shalt  }
0x4d: {  	_ =	shalt  }
0x4e: {  	_ =	shalt  }
0x4f: {  	_ =	shalt  }
0x50: {  	_ =	shalt  }
0x51: {  	_ =	shalt  }
0x52: {  	_ =	shalt  }
0x53: {  	_ =	shalt  }
0x54: {  	_ =	shalt  }
0x55: {  	_ =	shalt  }
0x56: {  	_ =	shalt  }
0x57: {  	_ =	shalt  }
0x58: {  	_ =	shalt  }
0x59: {  	_ =	shalt  }
0x5a: {  	_ =	shalt  }
0x5b: {  	_ =	shalt  }
0x5c: {  	_ =	shalt  }
0x5d: {  	_ =	shalt  }
0x5e: {  	_ =	shalt  }
0x5f: {  	_ =	shalt  }
0x60: {  	_ =	shalt  }
0x61: {  	_ =	shalt  }
0x62: {  	_ =	shalt  }
0x63: {  	_ =	shalt  }
0x64: {  	_ =	shalt  }
0x65: {  	_ =	shalt  }
0x66: {  	_ =	shalt  }
0x67: {  	_ =	shalt  }
0x68: {  	_ =	shalt  }
0x69: {  	_ =	shalt  }
0x6a: {  	_ =	shalt  }
0x6b: {  	_ =	shalt  }
0x6c: {  	_ =	shalt  }
0x6d: {  	_ =	shalt  }
0x6e: {  	_ =	shalt  }
0x6f: {  	_ =	shalt  }
0x70: {  	_ =	shalt  }
0x71: {  	_ =	shalt  }
0x72: {  	_ =	shalt  }
0x73: {  	_ =	shalt  }
0x74: {  	_ =	shalt  }
0x75: {  	_ =	shalt  }
0x76: {  	_ =	shalt  }
0x77: {  	_ =	shalt  }
0x78: {  	_ =	shalt  }
0x79: {  	_ =	shalt  }
0x7a: {  	_ =	shalt  }
0x7b: {  	_ =	shalt  }
0x7c: {  	_ =	shalt  }
0x7d: {  	_ =	shalt  }
0x7e: {  	_ =	shalt  }
0x7f: {  	_ =	shalt  }
0x80: {  	_ =	shalt  }
0x81: {  	_ =	shalt  }
0x82: {  	_ =	shalt  }
0x83: {  	_ =	shalt  }
0x84: {  	_ =	shalt  }
0x85: {  	_ =	shalt  }
0x86: {  	_ =	shalt  }
0x87: {  	_ =	shalt  }
.Lfunc_end0:
.L_simem_size_0:
called_computation_lowered:
.L_overlay_start_0:
0x88: {  	s2 =	sld [smem:$0x3FD9]  }
0x89: {  	s3 =	sld [smem:$0x3FFE];
	_ =	sdelay $0x1  }
0x8a: {  	s1 =	srdreg.scid  }
0x8b: {  	s0 =	sand.u32 $0x1, s1  }
0x8c: {  	s17 =	sshll.u32 s0, $0xA;
	s2 =	sadd.s32 s3, s2  }
0x8d: {  	s2 =	sadd.s32 s2, s17  }
0x8e: {  	[smem:$0x3F50] =	sst s2  }
0x8f: {  	_ = 	snop  }
0x90: {  	s2 =	sld [smem:$0x3FD0];
	(tm) =	ssettm $0x1  }
0x91: {  	s18 =	sld [smem:$0x3FFB];
	_ =	sdelay $0x3  }
0x92: {  	_ =	strace s18  }
0x93: {  	s3 =	sld [smem:$0x3FFC];
	_ =	sdelay $0x3  }
0x94: {  	_ =	strace s3  }
0x95: {  	s3 =	sld [smem:$0x3FFD];
	_ =	sdelay $0x3  }
0x96: {  	_ =	strace s3  }
0x97: {  	_ =	strace $0x8FFFFFFF  }
0x98: {  	s19 =	sld [smem:$0x3FDB];
	_ =	sdelay $0x1  }
0x99: {  	s4 =	simm.s32 $_scs_section_size  }
0x9a: {  	s5 =	simm.s32 $_size__tile_overlayer_lowered;
	s6 =	simm.s32 $_tile_overlayer_lowered  }
0x9b: {  	s22 =	simm.s32 $0x1BFF;
	s21 =	sshll.u32 s6, $0x1;
	s3 =	sadd.s32 s4, s19  }
0x9c: {  	s7 =	simm.s32 $0x0;
	s20 =	sshll.u32 s5, $0x1;
	s5 =	sadd.s32 s21, s3  }
0x9d: {  	[timem:s7], [sflag:s22] =	dma.local [hbm:s5], s20  }
0x9e: {  	_ =	swait.ge [sflag:s22], s20  }
0x9f: {  	s4 =	ssub.s32 $0x0, s20;
	[sflag:s22] =	ssyncset.done $0x0  }
0xa0: {  	[sflag:s22] =	ssyncadd.s32 s4;
	_ =	sdelay $0x1  }
0xa1: {  	s23 =	simm.s32 $0x1B8B  }
0xa2: {  	_ =	swait.ge [sflag:s23], $0x1  }
0xa3: {  	[sflag:s23] =	ssyncset.done $0x0  }
0xa4: {  	s25 =	simm.s32 $0x1B8E;
	s24 =	sld [smem:$0x3FFE];
	[sflag:s23] =	ssyncadd.s32 $0xFFFFFFFF  }
0xa5: {  	s26 =	simm.s32 $execute0_lowered;
	[smem:$0x3FD2] =	sst s25  }
0xa6: {  	s5 =	sshll.u32 s26, $0x1;
	_ =	strace $0x80000046;
	[dreg:$0x1] =	wrdreg $0xFFFFFFFF  }
0xa7: {  	s28 =	simm.s32 $_size_execute0_lowered;
	s3 =	sadd.s32 s3, s5;
	[dreg:$0x0] =	wrdreg $0x0  }
0xa8: {  	s5 =	sshll.u32 s28, $0x1;
	[dreg:$0x2] =	wrdreg s3  }
0xa9: {  	[dreg:$0x3] =	wrdreg s5  }
0xaa: {  	[dreg:$0x4] =	wrdreg $0xC0  }
0xab: {  	_ =	task [dreg:s7], $0x5FFFF  }
0xac: {  	[dreg:$0x1] =	wrdreg $0xFFFFFFFF  }
0xad: {  	[dreg:$0x0] =	wrdreg $0x60  }
0xae: {  	[dreg:$0x2] =	wrdreg s2  }
0xaf: {  	[dreg:$0x3] =	wrdreg s24  }
0xb0: {  	[dreg:$0x4] =	wrdreg $0x9  }
0xb1: {  	_ =	task.clear_ibuf [dreg:s7], $0x5FFFF;
	_ =	strace $0x90000046  }
0xb2: {  	s29 =	simm.s32 $0x9;
	_ =	strace $0x80000048  }
0xb3: {  	_ =	swait.ge [sflag:s29], $0x1  }
0xb4: {  	[sflag:s29] =	ssyncadd.s32 $0xFFFFFFFF  }
0xb5: {  	_ =	strace $0x90000048  }
0xb6: {  	_ =	sfence  }
0xb7: {  	s30 =	sld [smem:$0x0];
	_ =	sdelay $0x2  }
0xb8: {  	s31 =	sshll.u32 s1, $0xD;
	s1 =	sshrl.u32 s1, $0x2  }
0xb9: {  	s3 =	sand.u32 $0x4000, s31;
	s1 =	sadd.s32 s1, s30  }
0xba: {  	s0 =	sor.u32 s3, s0;
	s1 =	sshll.u32 s1, $0x11  }
0xbb: {  	s0 =	sor.u32 s1, s0  }
0xbc: {  	s0 =	sadd.s32 $0x8F2B, s0  }
0xbd: {  	[sflag:s0] =	ssyncadd.remote.s32 $0x1  }
0xbe: {  	_ =	sfence.sel $0xFFFF  }
0xbf: {  	[dreg:$0x0] =	wrdreg $0xFFFFFFFF;
	(pc) =	sbr.abs _section_cstart, $3  }
0xc0: {  	[dreg:$0x1] =	wrdreg $0xFFFFFFFF  }
0xc1: {  	_ =	task.clear_ibuf [dreg:s7], $0x2FFFF;
	_ =	strace $0x9FFFFFFF  }
0xc2: {  	(tm) =	ssettm $0x7FFFFFFF  }
0xc3: {  	_ =	shalt  }
tec
execute0_lowered:
.L_overlay_start_1:
0x0: {  	(tag) =	ssettag $0x1  }
0x1: {  	s2 =	rddreg [dreg:$0x0]  }
0x2: {  	s4 =	rddreg [dreg:$0x1]  }
0x3: {  	s0 =	rddreg [dreg:$0x2]  }
0x4: {  	s1 =	stileid.u32;
	s5 =	srdreg.scid  }
0x5: {  	s3 =	simm.s32 $0x0;
	s11 =	simm.s32 $0x0;
	s6 =	smul.u32 $0x28000, s1  }
0x6: {  	s5 =	sand.u32 $0x1, s5;
	[smem:$0x7FF] =	sst s3;
	s10 =	smul.u32 $0x500, s1  }
0x7: {  	s7 =	ssub.s32 $0x2, s5;
	s8 =	smul.u32 $0x14000, s5;
	_ =	strace $0x80000047  }
0x8: {  	s31 =	smul.u32 $0x280, s5;
	s9 =	sshrl.u32 s7, $0x1;
	s6 =	sadd.s32 s6, s4  }
0x9: {  	s4 =	sadd.s32 $0x3D200, s4;
	s7 =	ssub.s32 s7, s9;
	s6 =	sadd.s32 s8, s6  }
0xa: {  	s8 =	simm.s32 $0x2;
	s9 =	simm.s32 $0x80;
	s5 =	smax.u32 s7, $0x1  }
0xb: {  	s6 =	sadd.s32 $0x92200, s6;
	s7 =	sadd.s32 s31, s10;
	s10 =	simm.s32 $0x1  }
.LBB2_1:
0xc: {  	s12 =	sadd.s32 $0x0, s7;
	s13 =	sand.u32 $0x70, s3  }
0xd: {  	s12 =	sand.u32 $0xFFFFF80, s12;
	s13 =	sadd.s32 s4, s13  }
0xe: {  	s12 =	sadd.s32 s12, s13  }
0xf: {  	[tilespmem:s3], [sflag:$0x2] =	stream.linear.gather [hbm4b:s12+s3], $0x80, $0x38;
	[tilespmem:$0x4080] =	vst v63  }
0x10: {  	_ =	swait.ge [sflag:s8], $0x80  }
0x11: {  	[sflag:s8] =	ssyncset.done $0x0  }
0x12: {  	[sflag:s8] =	ssyncadd.s32 $0xFFFFFF80  }
0x13: {  	[tilespmem:s9], [sflag:$0x1] =	stream.indirect.gather [hbm4b:s2+s9], $0x80, s3, s9, $0xb8;
	[tilespmem:$0x4080] =	vst v63  }
0x14: {  	_ =	swait.ge [sflag:s10], $0x4000  }
0x15: {  	s14 =	simm.s32 $0x10;
	[sflag:s10] =	ssyncset.done $0x0  }
0x16: {  	s15 =	sadd.s32 $0x10, s7;
	s16 =	sand.u32 $0x70, s14;
	[sflag:s10] =	ssyncadd.s32 $0xFFFFC000  }
0x17: {  	[hbm4b:s6+s3] =	stream.linear.scatter [tilespmem:s9], [sflag:$0x2], $0x4000, $0x38;
	[tilespmem:$0x4080] =	vst v63  }
0x18: {  	s14 =	sand.u32 $0xFFFFF80, s15;
	s13 =	simm.s32 $0x20;
	_ =	swait.ge [sflag:s8], $0x4000  }
0x19: {  	s15 =	sadd.s32 s4, s16;
	s12 =	sadd.s32 $0x800, s6;
	[sflag:s8] =	ssyncset.done $0x0  }
.LBB2_2:
0x1a: {  	s14 =	sadd.s32 s14, s15;
	[sflag:s8] =	ssyncadd.s32 $0xFFFFC000  }
0x1b: {  	s15 =	smov.u32 s13;
	s16 =	sadd.s32 $0x10, s13;
	s17 =	smov.u32 s12  }
0x1c: {  	[tilespmem:s3], [sflag:$0x2] =	stream.linear.gather [hbm4b:s14+s3], $0x80, $0x38;
	[tilespmem:$0x4080] =	vst v63  }
0x1d: {  	p0 =	sne.s32 s13, $0x270;
	_ =	swait.ge [sflag:s8], $0x80  }
0x1e: {  	[sflag:s8] =	ssyncset.done $0x0  }
0x1f: {  	[sflag:s8] =	ssyncadd.s32 $0xFFFFFF80  }
0x20: {  	[tilespmem:s9], [sflag:$0x1] =	stream.indirect.gather [hbm4b:s2+s9], $0x80, s3, s9, $0xb8;
	[tilespmem:$0x4080] =	vst v63  }
0x21: {  	_ =	swait.ge [sflag:s10], $0x4000  }
.Ltmp0:
0x22: {  	[sflag:s10] =	ssyncset.done $0x0;
	(pc) =	sbr.rel @p0 .LBB2_2-.Ltmp0, $4  }
0x23: {  	s12 =	sadd.s32 $0x800, s12;
	s13 =	sadd.s32 s15, s7;
	[sflag:s10] =	ssyncadd.s32 $0xFFFFC000  }
0x24: {  	[hbm4b:s17+s3] =	stream.linear.scatter [tilespmem:s9], [sflag:$0x2], $0x4000, $0x38;
	[tilespmem:$0x4080] =	vst v63  }
0x25: {  	s15 =	sand.u32 $0x70, s15;
	s14 =	sand.u32 $0xFFFFF80, s13;
	_ =	swait.ge [sflag:s8], $0x4000  }
0x26: {  	s15 =	sadd.s32 s4, s15;
	s13 =	smov.u32 s16;
	[sflag:s8] =	ssyncset.done $0x0  }
0x27: {  	s13 =	sadd.s32 s14, s15;
	[sflag:s8] =	ssyncadd.s32 $0xFFFFC000  }
0x28: {  	[tilespmem:s3], [sflag:$0x2] =	stream.linear.gather [hbm4b:s13+s3], $0x80, $0x38;
	[tilespmem:$0x4080] =	vst v63  }
0x29: {  	_ =	swait.ge [sflag:s8], $0x80  }
0x2a: {  	[sflag:s8] =	ssyncset.done $0x0  }
0x2b: {  	[sflag:s8] =	ssyncadd.s32 $0xFFFFFF80  }
0x2c: {  	[tilespmem:s9], [sflag:$0x1] =	stream.indirect.gather [hbm4b:s2+s9], $0x80, s3, s9, $0xb8;
	[tilespmem:$0x4080] =	vst v63  }
0x2d: {  	s11 =	sadd.s32 $0x1, s11;
	_ =	swait.ge [sflag:s10], $0x4000  }
0x2e: {  	p0 =	sne.s32 s11, s5;
	[sflag:s10] =	ssyncset.done $0x0  }
.Ltmp1:
0x2f: {  	[sflag:s10] =	ssyncadd.s32 $0xFFFFC000;
	(pc) =	sbr.rel @p0 .LBB2_1-.Ltmp1, $4  }
0x30: {  	[hbm4b:s12+s3] =	stream.linear.scatter [tilespmem:s9], [sflag:$0x2], $0x4000, $0x38;
	[tilespmem:$0x4080] =	vst v63  }
0x31: {  	_ =	swait.ge [sflag:s8], $0x4000  }
0x32: {  	[sflag:s8] =	ssyncset.done $0x0  }
0x33: {  	[sflag:s8] =	ssyncadd.s32 $0xFFFFC000  }
0x34: {  	_ =	sfence.sel $0x180000  }
0x35: {  	[bflag:$0x0] =	sbarrier.arrive $0xFFFF  }
0x36: {  	p0 =	sne.s32 s1, $0x0;
	_ =	strace $0x90000047  }
0x37: {  	s0 =	sadd.s32 @!p0 $0x100000, s0;
	[bflag:$0x2] =	sbarrier.arrive $0xFFFF  }
0x38: {  	[sflag:s0] =	ssyncadd.tile.s32 @!p0 $0x1;
	_ =	shalt  }
.Lfunc_end2:
_tile_overlayer_lowered:
.L_overlay_start_2:
0x39: {  	(tag) =	ssettag $0x2  }
0x3a: {  	s0 =	rddreg [dreg:$0x0];
	s2 =	stileid.u32  }
0x3b: {  	s1 =	rddreg [dreg:$0x1];
	p0 =	sne.s32 s2, $0x0  }
0x3c: {  	s3 =	rddreg [dreg:$0x2];
	[bflag:$0x3] =	sbarrier.arrive $0xFFFF;
	s2 =	simm.s32 @!p0 $0x1C02  }
0x3d: {  	[timem:s3], [sflag:s2] =	dma.local @!p0 [hbm:s0], s1  }
0x3e: {  	s0 =	simm.s32 @!p0 $0x2  }
0x3f: {  	_ =	swait.ge @!p0 [sflag:s0], s1  }
0x40: {  	s1 =	ssub.s32 @!p0 $0x0, s1;
	[sflag:s0] =	ssyncset.done @!p0 $0x0  }
0x41: {  	[sflag:s0] =	ssyncadd.s32 @!p0 s1  }
0x42: {  	[bflag:$0x3] =	sbarrier.arrive $0xFFFF  }
0x43: {  	_ =	shalt  }

// kernel: kernel.14.cloned.1.call-start
scs
__scs_entry_jumppad:
0x0: {  	(pc) =	sbr.rel $0x88, $3  }
0x1: {  	(tag) =	ssettag $0x0;
	lr =	simm.s32 $0x1  }
0x2: {  	[smem:$0x3F29] =	sst lr;
	_ =	strace $0xD0000000  }
0x3: {  	_ = 	snop  }
0x4: {  	_ = 	snop  }
0x5: {  	_ = 	snop  }
0x6: {  	_ = 	snop  }
0x7: {  	_ = 	snop  }
__scs_overlays_trampoline_lowered:
0x8: {  	[smem:$0x3F38] =	sst s0  }
0x9: {  	[smem:$0x3F39] =	sst s1  }
0xa: {  	[smem:$0x3F3A] =	sst s2  }
0xb: {  	[smem:$0x3F3B] =	sst s3  }
0xc: {  	[smem:$0x3F3C] =	sst s4  }
0xd: {  	[smem:$0x3F3D] =	sst s5  }
0xe: {  	[smem:$0x3F3E] =	sst s6  }
0xf: {  	[smem:$0x3F3F] =	sst s7  }
0x10: {  	[smem:$0x3F40] =	sst s8  }
0x11: {  	[smem:$0x3F41] =	sst s9;
	s0 =	simm.s32 @!p0 $0x0  }
0x12: {  	s1 =	sld [smem:$0x3F27];
	s0 =	simm.s32 @p0 $0x1  }
0x13: {  	[smem:$0x3F42] =	sst s0;
	s0 =	simm.s32 @!p1 $0x0  }
0x14: {  	s2 =	sld [smem:$0x3F26];
	s0 =	simm.s32 @p1 $0x1  }
0x15: {  	[smem:$0x3F43] =	sst s0;
	s0 =	simm.s32 @!p2 $0x0  }
0x16: {  	s3 =	sld [smem:$0x3FDB];
	s0 =	simm.s32 @p2 $0x1  }
0x17: {  	s4 =	simm.s32 $0x1BF5;
	[smem:$0x3F45] =	sst s0  }
0x18: {  	s0 =	sld [smem:$0x3F28];
	_ =	swait.ge [sflag:s4], $0x0  }
0x19: {  	s7 =	sld [smem:$0x3F29]  }
0x1a: {  	s8 =	sadd.s32 $0xFFFFE003, lr  }
0x1b: {  	s9 =	sadd.s32 $0xFFFFFEF7, lr;
	s5 =	simm.s32 $0xFFFFFFFF;
	p2 =	slt.u32 s8, $0xFFFFF086  }
0x1c: {  	p1 =	slt.u32 s9, $0xF7A;
	s5 =	simm.s32 @!p2 $0x0  }
0x1d: {  	s5 =	simm.s32 @p1 $0x1;
	p0 =	seq.s32 s7, s2  }
0x1e: {  	s7 =	smul.u32 @!p0 $0xF7A, s2;
	p2 =	seq.s32 @!p0 s5, $0x0  }
0x1f: {  	s9 =	smul.u32 $0xF7A, s1;
	s8 =	simm.s32 @!p0 $0x1BF5;
	p2 =	por !p2, p0  }
0x20: {  	[sflag:s8] =	ssyncset.s32 @!p0 $0xFFFFF086;
	s6 =	sadd.s32 @!p0 s3, s7;
	s7 =	simm.s32 @!p0 $0x108  }
0x21: {  	s3 =	sadd.s32 s3, s9;
	s6 =	sadd.s32 @!p0 $0x88, s6;
	s7 =	simm.s32 @p2 $0x1082  }
0x22: {  	[simem:s7], [sflag:s8] =	dma.local @!p0 [hbm:s6], $0xF7A  }
0x23: {  	s9 =	sor.u32 $0xD0000000, s2;
	s6 =	simm.s32 $0x108;
	_ =	swait.ge @!p0 [sflag:s8], $0x0  }
0x24: {  	s3 =	sadd.s32 $0x88, s3;
	s6 =	simm.s32 @!p1 $0x1082;
	[sflag:s4] =	ssyncset.s32 $0xFFFFF086  }
0x25: {  	[simem:s6], [sflag:s4] =	dma.local [hbm:s3], $0xF7A  }
0x26: {  	[smem:$0x3F29] =	sst s1;
	(tag) =	ssettag s2;
	_ =	strace s9  }
0x27: {  	s1 =	sld [smem:$0x3F39]  }
0x28: {  	s2 =	sld [smem:$0x3F3A]  }
0x29: {  	s4 =	sld [smem:$0x3F3C]  }
0x2a: {  	p0 =	seq.s32 s5, $0x0;
	s5 =	sld [smem:$0x3F3D]  }
0x2b: {  	s6 =	sld [smem:$0x3F3E]  }
0x2c: {  	s7 =	sld [smem:$0x3F3F]  }
0x2d: {  	s3 =	simm.s32 $0x108;
	s8 =	sld [smem:$0x3F40]  }
0x2e: {  	s3 =	simm.s32 @!p0 $0x1082;
	s9 =	sld [smem:$0x3F41]  }
0x2f: {  	lr =	sadd.s32 s0, s3;
	s0 =	sld [smem:$0x3F38]  }
0x30: {  	s3 =	sld [smem:$0x3F3B]  }
0x31: {  	[smem:$0x3F44] =	sst s10  }
0x32: {  	s10 =	sld [smem:$0x3F42];
	_ =	sdelay $0x3  }
0x33: {  	p0 =	seq.s32 s10, $0x1;
	s10 =	sld [smem:$0x3F44];
	_ =	sdelay $0x3  }
0x34: {  	[smem:$0x3F44] =	sst s10  }
0x35: {  	s10 =	sld [smem:$0x3F43];
	_ =	sdelay $0x3  }
0x36: {  	p1 =	seq.s32 s10, $0x1;
	s10 =	sld [smem:$0x3F44];
	_ =	sdelay $0x3  }
0x37: {  	[smem:$0x3F44] =	sst s10  }
0x38: {  	s10 =	sld [smem:$0x3F45]  }
0x39: {  	_ = 	snop;
	(pc) =	sbr.ind lr, $3  }
0x3a: {  	_ = 	snop  }
0x3b: {  	_ = 	snop  }
0x3c: {  	p2 =	seq.s32 s10, $0x1;
	s10 =	sld [smem:$0x3F44]  }
0x3d: {  	_ =	shalt  }
0x3e: {  	_ =	shalt  }
0x3f: {  	_ =	shalt  }
0x40: {  	_ =	shalt  }
0x41: {  	_ =	shalt  }
0x42: {  	_ =	shalt  }
0x43: {  	_ =	shalt  }
0x44: {  	_ =	shalt  }
0x45: {  	_ =	shalt  }
0x46: {  	_ =	shalt  }
0x47: {  	_ =	shalt  }
0x48: {  	_ =	shalt  }
0x49: {  	_ =	shalt  }
0x4a: {  	_ =	shalt  }
0x4b: {  	_ =	shalt  }
0x4c: {  	_ =	shalt  }
0x4d: {  	_ =	shalt  }
0x4e: {  	_ =	shalt  }
0x4f: {  	_ =	shalt  }
0x50: {  	_ =	shalt  }
0x51: {  	_ =	shalt  }
0x52: {  	_ =	shalt  }
0x53: {  	_ =	shalt  }
0x54: {  	_ =	shalt  }
0x55: {  	_ =	shalt  }
0x56: {  	_ =	shalt  }
0x57: {  	_ =	shalt  }
0x58: {  	_ =	shalt  }
0x59: {  	_ =	shalt  }
0x5a: {  	_ =	shalt  }
0x5b: {  	_ =	shalt  }
0x5c: {  	_ =	shalt  }
0x5d: {  	_ =	shalt  }
0x5e: {  	_ =	shalt  }
0x5f: {  	_ =	shalt  }
0x60: {  	_ =	shalt  }
0x61: {  	_ =	shalt  }
0x62: {  	_ =	shalt  }
0x63: {  	_ =	shalt  }
0x64: {  	_ =	shalt  }
0x65: {  	_ =	shalt  }
0x66: {  	_ =	shalt  }
0x67: {  	_ =	shalt  }
0x68: {  	_ =	shalt  }
0x69: {  	_ =	shalt  }
0x6a: {  	_ =	shalt  }
0x6b: {  	_ =	shalt  }
0x6c: {  	_ =	shalt  }
0x6d: {  	_ =	shalt  }
0x6e: {  	_ =	shalt  }
0x6f: {  	_ =	shalt  }
0x70: {  	_ =	shalt  }
0x71: {  	_ =	shalt  }
0x72: {  	_ =	shalt  }
0x73: {  	_ =	shalt  }
0x74: {  	_ =	shalt  }
0x75: {  	_ =	shalt  }
0x76: {  	_ =	shalt  }
0x77: {  	_ =	shalt  }
0x78: {  	_ =	shalt  }
0x79: {  	_ =	shalt  }
0x7a: {  	_ =	shalt  }
0x7b: {  	_ =	shalt  }
0x7c: {  	_ =	shalt  }
0x7d: {  	_ =	shalt  }
0x7e: {  	_ =	shalt  }
0x7f: {  	_ =	shalt  }
0x80: {  	_ =	shalt  }
0x81: {  	_ =	shalt  }
0x82: {  	_ =	shalt  }
0x83: {  	_ =	shalt  }
0x84: {  	_ =	shalt  }
0x85: {  	_ =	shalt  }
0x86: {  	_ =	shalt  }
0x87: {  	_ =	shalt  }
.Lfunc_end0:
.L_simem_size_0:
called_computation.1_lowered:
.L_overlay_start_0:
0x88: {  	s2 =	sld [smem:$0x3FD9]  }
0x89: {  	s3 =	sld [smem:$0x3FFE];
	_ =	sdelay $0x1  }
0x8a: {  	s1 =	srdreg.scid  }
0x8b: {  	s0 =	sand.u32 $0x1, s1  }
0x8c: {  	s17 =	sshll.u32 s0, $0xA;
	s2 =	sadd.s32 s3, s2  }
0x8d: {  	s2 =	sadd.s32 s2, s17  }
0x8e: {  	[smem:$0x3F50] =	sst s2  }
0x8f: {  	_ = 	snop  }
0x90: {  	s2 =	sld [smem:$0x3FD0];
	(tm) =	ssettm $0x1  }
0x91: {  	s18 =	sld [smem:$0x3FFB];
	_ =	sdelay $0x3  }
0x92: {  	_ =	strace s18  }
0x93: {  	s3 =	sld [smem:$0x3FFC];
	_ =	sdelay $0x3  }
0x94: {  	_ =	strace s3  }
0x95: {  	s3 =	sld [smem:$0x3FFD];
	_ =	sdelay $0x3  }
0x96: {  	_ =	strace s3  }
0x97: {  	_ =	strace $0x8FFFFFFF  }
0x98: {  	s19 =	sld [smem:$0x3FDB];
	_ =	sdelay $0x1  }
0x99: {  	s4 =	simm.s32 $_scs_section_size  }
0x9a: {  	s5 =	simm.s32 $_size__tile_overlayer_lowered;
	s6 =	simm.s32 $_tile_overlayer_lowered  }
0x9b: {  	s22 =	simm.s32 $0x1BFF;
	s21 =	sshll.u32 s6, $0x1;
	s3 =	sadd.s32 s4, s19  }
0x9c: {  	s7 =	simm.s32 $0x0;
	s20 =	sshll.u32 s5, $0x1;
	s5 =	sadd.s32 s21, s3  }
0x9d: {  	[timem:s7], [sflag:s22] =	dma.local [hbm:s5], s20  }
0x9e: {  	_ =	swait.ge [sflag:s22], s20  }
0x9f: {  	s4 =	ssub.s32 $0x0, s20;
	[sflag:s22] =	ssyncset.done $0x0  }
0xa0: {  	[sflag:s22] =	ssyncadd.s32 s4;
	_ =	sdelay $0x1  }
0xa1: {  	s23 =	simm.s32 $0x1B8B  }
0xa2: {  	_ =	swait.ge [sflag:s23], $0x1  }
0xa3: {  	[sflag:s23] =	ssyncset.done $0x0  }
0xa4: {  	s25 =	simm.s32 $0x1B8E;
	s24 =	sld [smem:$0x3FFE];
	[sflag:s23] =	ssyncadd.s32 $0xFFFFFFFF  }
0xa5: {  	s26 =	simm.s32 $execute0_lowered;
	[smem:$0x3FD2] =	sst s25  }
0xa6: {  	s5 =	sshll.u32 s26, $0x1;
	_ =	strace $0x80000049;
	[dreg:$0x1] =	wrdreg $0xFFFFFFFF  }
0xa7: {  	s28 =	simm.s32 $_size_execute0_lowered;
	s3 =	sadd.s32 s3, s5;
	[dreg:$0x0] =	wrdreg $0x0  }
0xa8: {  	s5 =	sshll.u32 s28, $0x1;
	[dreg:$0x2] =	wrdreg s3  }
0xa9: {  	[dreg:$0x3] =	wrdreg s5  }
0xaa: {  	[dreg:$0x4] =	wrdreg $0xC0  }
0xab: {  	_ =	task [dreg:s7], $0x5FFFF  }
0xac: {  	[dreg:$0x1] =	wrdreg $0xFFFFFFFF  }
0xad: {  	[dreg:$0x0] =	wrdreg $0x60  }
0xae: {  	[dreg:$0x2] =	wrdreg s2  }
0xaf: {  	[dreg:$0x3] =	wrdreg s24  }
0xb0: {  	[dreg:$0x4] =	wrdreg $0x9  }
0xb1: {  	_ =	task.clear_ibuf [dreg:s7], $0x5FFFF;
	_ =	strace $0x90000049  }
0xb2: {  	s29 =	simm.s32 $0x9;
	_ =	strace $0x8000004B  }
0xb3: {  	_ =	swait.ge [sflag:s29], $0x1  }
0xb4: {  	[sflag:s29] =	ssyncadd.s32 $0xFFFFFFFF  }
0xb5: {  	_ =	strace $0x9000004B  }
0xb6: {  	_ =	sfence  }
0xb7: {  	s30 =	sld [smem:$0x0];
	_ =	sdelay $0x2  }
0xb8: {  	s31 =	sshll.u32 s1, $0xD;
	s1 =	sshrl.u32 s1, $0x2  }
0xb9: {  	s3 =	sand.u32 $0x4000, s31;
	s1 =	sadd.s32 s1, s30  }
0xba: {  	s0 =	sor.u32 s3, s0;
	s1 =	sshll.u32 s1, $0x11  }
0xbb: {  	s0 =	sor.u32 s1, s0  }
0xbc: {  	s0 =	sadd.s32 $0x8F2B, s0  }
0xbd: {  	[sflag:s0] =	ssyncadd.remote.s32 $0x1  }
0xbe: {  	_ =	sfence.sel $0xFFFF  }
0xbf: {  	[dreg:$0x0] =	wrdreg $0xFFFFFFFF;
	(pc) =	sbr.abs _section_cstart, $3  }
0xc0: {  	[dreg:$0x1] =	wrdreg $0xFFFFFFFF  }
0xc1: {  	_ =	task.clear_ibuf [dreg:s7], $0x2FFFF;
	_ =	strace $0x9FFFFFFF  }
0xc2: {  	(tm) =	ssettm $0x7FFFFFFF  }
0xc3: {  	_ =	shalt  }
tec
execute0_lowered:
.L_overlay_start_1:
0x0: {  	(tag) =	ssettag $0x1  }
0x1: {  	s2 =	rddreg [dreg:$0x0]  }
0x2: {  	s4 =	rddreg [dreg:$0x1]  }
0x3: {  	s0 =	rddreg [dreg:$0x2]  }
0x4: {  	s1 =	stileid.u32;
	s5 =	srdreg.scid  }
0x5: {  	s3 =	simm.s32 $0x0;
	s11 =	simm.s32 $0x0;
	s6 =	smul.u32 $0x28000, s1  }
0x6: {  	s5 =	sand.u32 $0x1, s5;
	[smem:$0x7FF] =	sst s3;
	s10 =	smul.u32 $0x500, s1  }
0x7: {  	s7 =	ssub.s32 $0x2, s5;
	s8 =	smul.u32 $0x14000, s5;
	_ =	strace $0x8000004A  }
0x8: {  	s31 =	smul.u32 $0x280, s5;
	s9 =	sshrl.u32 s7, $0x1;
	s6 =	sadd.s32 s6, s4  }
0x9: {  	s4 =	sadd.s32 $0x3D200, s4;
	s7 =	ssub.s32 s7, s9;
	s6 =	sadd.s32 s8, s6  }
0xa: {  	s8 =	simm.s32 $0x2;
	s9 =	simm.s32 $0x80;
	s5 =	smax.u32 s7, $0x1  }
0xb: {  	s6 =	sadd.s32 $0x92200, s6;
	s7 =	sadd.s32 s31, s10;
	s10 =	simm.s32 $0x1  }
.LBB2_1:
0xc: {  	s12 =	sadd.s32 $0x0, s7;
	s13 =	sand.u32 $0x70, s3  }
0xd: {  	s12 =	sand.u32 $0xFFFFF80, s12;
	s13 =	sadd.s32 s4, s13  }
0xe: {  	s12 =	sadd.s32 s12, s13  }
0xf: {  	[tilespmem:s3], [sflag:$0x2] =	stream.linear.gather [hbm4b:s12+s3], $0x80, $0x38;
	[tilespmem:$0x4080] =	vst v63  }
0x10: {  	_ =	swait.ge [sflag:s8], $0x80  }
0x11: {  	[sflag:s8] =	ssyncset.done $0x0  }
0x12: {  	[sflag:s8] =	ssyncadd.s32 $0xFFFFFF80  }
0x13: {  	[tilespmem:s9], [sflag:$0x1] =	stream.indirect.gather [hbm4b:s2+s9], $0x80, s3, s9, $0xb8;
	[tilespmem:$0x4080] =	vst v63  }
0x14: {  	_ =	swait.ge [sflag:s10], $0x4000  }
0x15: {  	s14 =	simm.s32 $0x10;
	[sflag:s10] =	ssyncset.done $0x0  }
0x16: {  	s15 =	sadd.s32 $0x10, s7;
	s16 =	sand.u32 $0x70, s14;
	[sflag:s10] =	ssyncadd.s32 $0xFFFFC000  }
0x17: {  	[hbm4b:s6+s3] =	stream.linear.scatter [tilespmem:s9], [sflag:$0x2], $0x4000, $0x38;
	[tilespmem:$0x4080] =	vst v63  }
0x18: {  	s14 =	sand.u32 $0xFFFFF80, s15;
	s13 =	simm.s32 $0x20;
	_ =	swait.ge [sflag:s8], $0x4000  }
0x19: {  	s15 =	sadd.s32 s4, s16;
	s12 =	sadd.s32 $0x800, s6;
	[sflag:s8] =	ssyncset.done $0x0  }
.LBB2_2:
0x1a: {  	s14 =	sadd.s32 s14, s15;
	[sflag:s8] =	ssyncadd.s32 $0xFFFFC000  }
0x1b: {  	s15 =	smov.u32 s13;
	s16 =	sadd.s32 $0x10, s13;
	s17 =	smov.u32 s12  }
0x1c: {  	[tilespmem:s3], [sflag:$0x2] =	stream.linear.gather [hbm4b:s14+s3], $0x80, $0x38;
	[tilespmem:$0x4080] =	vst v63  }
0x1d: {  	p0 =	sne.s32 s13, $0x270;
	_ =	swait.ge [sflag:s8], $0x80  }
0x1e: {  	[sflag:s8] =	ssyncset.done $0x0  }
0x1f: {  	[sflag:s8] =	ssyncadd.s32 $0xFFFFFF80  }
0x20: {  	[tilespmem:s9], [sflag:$0x1] =	stream.indirect.gather [hbm4b:s2+s9], $0x80, s3, s9, $0xb8;
	[tilespmem:$0x4080] =	vst v63  }
0x21: {  	_ =	swait.ge [sflag:s10], $0x4000  }
.Ltmp0:
0x22: {  	[sflag:s10] =	ssyncset.done $0x0;
	(pc) =	sbr.rel @p0 .LBB2_2-.Ltmp0, $4  }
0x23: {  	s12 =	sadd.s32 $0x800, s12;
	s13 =	sadd.s32 s15, s7;
	[sflag:s10] =	ssyncadd.s32 $0xFFFFC000  }
0x24: {  	[hbm4b:s17+s3] =	stream.linear.scatter [tilespmem:s9], [sflag:$0x2], $0x4000, $0x38;
	[tilespmem:$0x4080] =	vst v63  }
0x25: {  	s15 =	sand.u32 $0x70, s15;
	s14 =	sand.u32 $0xFFFFF80, s13;
	_ =	swait.ge [sflag:s8], $0x4000  }
0x26: {  	s15 =	sadd.s32 s4, s15;
	s13 =	smov.u32 s16;
	[sflag:s8] =	ssyncset.done $0x0  }
0x27: {  	s13 =	sadd.s32 s14, s15;
	[sflag:s8] =	ssyncadd.s32 $0xFFFFC000  }
0x28: {  	[tilespmem:s3], [sflag:$0x2] =	stream.linear.gather [hbm4b:s13+s3], $0x80, $0x38;
	[tilespmem:$0x4080] =	vst v63  }
0x29: {  	_ =	swait.ge [sflag:s8], $0x80  }
0x2a: {  	[sflag:s8] =	ssyncset.done $0x0  }
0x2b: {  	[sflag:s8] =	ssyncadd.s32 $0xFFFFFF80  }
0x2c: {  	[tilespmem:s9], [sflag:$0x1] =	stream.indirect.gather [hbm4b:s2+s9], $0x80, s3, s9, $0xb8;
	[tilespmem:$0x4080] =	vst v63  }
0x2d: {  	s11 =	sadd.s32 $0x1, s11;
	_ =	swait.ge [sflag:s10], $0x4000  }
0x2e: {  	p0 =	sne.s32 s11, s5;
	[sflag:s10] =	ssyncset.done $0x0  }
.Ltmp1:
0x2f: {  	[sflag:s10] =	ssyncadd.s32 $0xFFFFC000;
	(pc) =	sbr.rel @p0 .LBB2_1-.Ltmp1, $4  }
0x30: {  	[hbm4b:s12+s3] =	stream.linear.scatter [tilespmem:s9], [sflag:$0x2], $0x4000, $0x38;
	[tilespmem:$0x4080] =	vst v63  }
0x31: {  	_ =	swait.ge [sflag:s8], $0x4000  }
0x32: {  	[sflag:s8] =	ssyncset.done $0x0  }
0x33: {  	[sflag:s8] =	ssyncadd.s32 $0xFFFFC000  }
0x34: {  	_ =	sfence.sel $0x180000  }
0x35: {  	[bflag:$0x0] =	sbarrier.arrive $0xFFFF  }
0x36: {  	p0 =	sne.s32 s1, $0x0;
	_ =	strace $0x9000004A  }
0x37: {  	s0 =	sadd.s32 @!p0 $0x100000, s0;
	[bflag:$0x2] =	sbarrier.arrive $0xFFFF  }
0x38: {  	[sflag:s0] =	ssyncadd.tile.s32 @!p0 $0x1;
	_ =	shalt  }
.Lfunc_end2:
_tile_overlayer_lowered:
.L_overlay_start_2:
0x39: {  	(tag) =	ssettag $0x2  }
0x3a: {  	s0 =	rddreg [dreg:$0x0];
	s2 =	stileid.u32  }
0x3b: {  	s1 =	rddreg [dreg:$0x1];
	p0 =	sne.s32 s2, $0x0  }
0x3c: {  	s3 =	rddreg [dreg:$0x2];
	[bflag:$0x3] =	sbarrier.arrive $0xFFFF;
	s2 =	simm.s32 @!p0 $0x1C02  }
0x3d: {  	[timem:s3], [sflag:s2] =	dma.local @!p0 [hbm:s0], s1  }
0x3e: {  	s0 =	simm.s32 @!p0 $0x2  }
0x3f: {  	_ =	swait.ge @!p0 [sflag:s0], s1  }
0x40: {  	s1 =	ssub.s32 @!p0 $0x0, s1;
	[sflag:s0] =	ssyncset.done @!p0 $0x0  }
0x41: {  	[sflag:s0] =	ssyncadd.s32 @!p0 s1  }
0x42: {  	[bflag:$0x3] =	sbarrier.arrive $0xFFFF  }
0x43: {  	_ =	shalt  }

// kernel: kernel.17.cloned.1.call-start
scs
__scs_entry_jumppad:
0x0: {  	(pc) =	sbr.rel $0x88, $3  }
0x1: {  	(tag) =	ssettag $0x0;
	lr =	simm.s32 $0x1  }
0x2: {  	[smem:$0x3F29] =	sst lr;
	_ =	strace $0xD0000000  }
0x3: {  	_ = 	snop  }
0x4: {  	_ = 	snop  }
0x5: {  	_ = 	snop  }
0x6: {  	_ = 	snop  }
0x7: {  	_ = 	snop  }
__scs_overlays_trampoline_lowered:
0x8: {  	[smem:$0x3F38] =	sst s0  }
0x9: {  	[smem:$0x3F39] =	sst s1  }
0xa: {  	[smem:$0x3F3A] =	sst s2  }
0xb: {  	[smem:$0x3F3B] =	sst s3  }
0xc: {  	[smem:$0x3F3C] =	sst s4  }
0xd: {  	[smem:$0x3F3D] =	sst s5  }
0xe: {  	[smem:$0x3F3E] =	sst s6  }
0xf: {  	[smem:$0x3F3F] =	sst s7  }
0x10: {  	[smem:$0x3F40] =	sst s8  }
0x11: {  	[smem:$0x3F41] =	sst s9;
	s0 =	simm.s32 @!p0 $0x0  }
0x12: {  	s1 =	sld [smem:$0x3F27];
	s0 =	simm.s32 @p0 $0x1  }
0x13: {  	[smem:$0x3F42] =	sst s0;
	s0 =	simm.s32 @!p1 $0x0  }
0x14: {  	s2 =	sld [smem:$0x3F26];
	s0 =	simm.s32 @p1 $0x1  }
0x15: {  	[smem:$0x3F43] =	sst s0;
	s0 =	simm.s32 @!p2 $0x0  }
0x16: {  	s3 =	sld [smem:$0x3FDB];
	s0 =	simm.s32 @p2 $0x1  }
0x17: {  	s4 =	simm.s32 $0x1BF5;
	[smem:$0x3F45] =	sst s0  }
0x18: {  	s0 =	sld [smem:$0x3F28];
	_ =	swait.ge [sflag:s4], $0x0  }
0x19: {  	s7 =	sld [smem:$0x3F29]  }
0x1a: {  	s8 =	sadd.s32 $0xFFFFE003, lr  }
0x1b: {  	s9 =	sadd.s32 $0xFFFFFEF7, lr;
	s5 =	simm.s32 $0xFFFFFFFF;
	p2 =	slt.u32 s8, $0xFFFFF086  }
0x1c: {  	p1 =	slt.u32 s9, $0xF7A;
	s5 =	simm.s32 @!p2 $0x0  }
0x1d: {  	s5 =	simm.s32 @p1 $0x1;
	p0 =	seq.s32 s7, s2  }
0x1e: {  	s7 =	smul.u32 @!p0 $0xF7A, s2;
	p2 =	seq.s32 @!p0 s5, $0x0  }
0x1f: {  	s9 =	smul.u32 $0xF7A, s1;
	s8 =	simm.s32 @!p0 $0x1BF5;
	p2 =	por !p2, p0  }
0x20: {  	[sflag:s8] =	ssyncset.s32 @!p0 $0xFFFFF086;
	s6 =	sadd.s32 @!p0 s3, s7;
	s7 =	simm.s32 @!p0 $0x108  }
0x21: {  	s3 =	sadd.s32 s3, s9;
	s6 =	sadd.s32 @!p0 $0x88, s6;
	s7 =	simm.s32 @p2 $0x1082  }
0x22: {  	[simem:s7], [sflag:s8] =	dma.local @!p0 [hbm:s6], $0xF7A  }
0x23: {  	s9 =	sor.u32 $0xD0000000, s2;
	s6 =	simm.s32 $0x108;
	_ =	swait.ge @!p0 [sflag:s8], $0x0  }
0x24: {  	s3 =	sadd.s32 $0x88, s3;
	s6 =	simm.s32 @!p1 $0x1082;
	[sflag:s4] =	ssyncset.s32 $0xFFFFF086  }
0x25: {  	[simem:s6], [sflag:s4] =	dma.local [hbm:s3], $0xF7A  }
0x26: {  	[smem:$0x3F29] =	sst s1;
	(tag) =	ssettag s2;
	_ =	strace s9  }
0x27: {  	s1 =	sld [smem:$0x3F39]  }
0x28: {  	s2 =	sld [smem:$0x3F3A]  }
0x29: {  	s4 =	sld [smem:$0x3F3C]  }
0x2a: {  	p0 =	seq.s32 s5, $0x0;
	s5 =	sld [smem:$0x3F3D]  }
0x2b: {  	s6 =	sld [smem:$0x3F3E]  }
0x2c: {  	s7 =	sld [smem:$0x3F3F]  }
0x2d: {  	s3 =	simm.s32 $0x108;
	s8 =	sld [smem:$0x3F40]  }
0x2e: {  	s3 =	simm.s32 @!p0 $0x1082;
	s9 =	sld [smem:$0x3F41]  }
0x2f: {  	lr =	sadd.s32 s0, s3;
	s0 =	sld [smem:$0x3F38]  }
0x30: {  	s3 =	sld [smem:$0x3F3B]  }
0x31: {  	[smem:$0x3F44] =	sst s10  }
0x32: {  	s10 =	sld [smem:$0x3F42];
	_ =	sdelay $0x3  }
0x33: {  	p0 =	seq.s32 s10, $0x1;
	s10 =	sld [smem:$0x3F44];
	_ =	sdelay $0x3  }
0x34: {  	[smem:$0x3F44] =	sst s10  }
0x35: {  	s10 =	sld [smem:$0x3F43];
	_ =	sdelay $0x3  }
0x36: {  	p1 =	seq.s32 s10, $0x1;
	s10 =	sld [smem:$0x3F44];
	_ =	sdelay $0x3  }
0x37: {  	[smem:$0x3F44] =	sst s10  }
0x38: {  	s10 =	sld [smem:$0x3F45]  }
0x39: {  	_ = 	snop;
	(pc) =	sbr.ind lr, $3  }
0x3a: {  	_ = 	snop  }
0x3b: {  	_ = 	snop  }
0x3c: {  	p2 =	seq.s32 s10, $0x1;
	s10 =	sld [smem:$0x3F44]  }
0x3d: {  	_ =	shalt  }
0x3e: {  	_ =	shalt  }
0x3f: {  	_ =	shalt  }
0x40: {  	_ =	shalt  }
0x41: {  	_ =	shalt  }
0x42: {  	_ =	shalt  }
0x43: {  	_ =	shalt  }
0x44: {  	_ =	shalt  }
0x45: {  	_ =	shalt  }
0x46: {  	_ =	shalt  }
0x47: {  	_ =	shalt  }
0x48: {  	_ =	shalt  }
0x49: {  	_ =	shalt  }
0x4a: {  	_ =	shalt  }
0x4b: {  	_ =	shalt  }
0x4c: {  	_ =	shalt  }
0x4d: {  	_ =	shalt  }
0x4e: {  	_ =	shalt  }
0x4f: {  	_ =	shalt  }
0x50: {  	_ =	shalt  }
0x51: {  	_ =	shalt  }
0x52: {  	_ =	shalt  }
0x53: {  	_ =	shalt  }
0x54: {  	_ =	shalt  }
0x55: {  	_ =	shalt  }
0x56: {  	_ =	shalt  }
0x57: {  	_ =	shalt  }
0x58: {  	_ =	shalt  }
0x59: {  	_ =	shalt  }
0x5a: {  	_ =	shalt  }
0x5b: {  	_ =	shalt  }
0x5c: {  	_ =	shalt  }
0x5d: {  	_ =	shalt  }
0x5e: {  	_ =	shalt  }
0x5f: {  	_ =	shalt  }
0x60: {  	_ =	shalt  }
0x61: {  	_ =	shalt  }
0x62: {  	_ =	shalt  }
0x63: {  	_ =	shalt  }
0x64: {  	_ =	shalt  }
0x65: {  	_ =	shalt  }
0x66: {  	_ =	shalt  }
0x67: {  	_ =	shalt  }
0x68: {  	_ =	shalt  }
0x69: {  	_ =	shalt  }
0x6a: {  	_ =	shalt  }
0x6b: {  	_ =	shalt  }
0x6c: {  	_ =	shalt  }
0x6d: {  	_ =	shalt  }
0x6e: {  	_ =	shalt  }
0x6f: {  	_ =	shalt  }
0x70: {  	_ =	shalt  }
0x71: {  	_ =	shalt  }
0x72: {  	_ =	shalt  }
0x73: {  	_ =	shalt  }
0x74: {  	_ =	shalt  }
0x75: {  	_ =	shalt  }
0x76: {  	_ =	shalt  }
0x77: {  	_ =	shalt  }
0x78: {  	_ =	shalt  }
0x79: {  	_ =	shalt  }
0x7a: {  	_ =	shalt  }
0x7b: {  	_ =	shalt  }
0x7c: {  	_ =	shalt  }
0x7d: {  	_ =	shalt  }
0x7e: {  	_ =	shalt  }
0x7f: {  	_ =	shalt  }
0x80: {  	_ =	shalt  }
0x81: {  	_ =	shalt  }
0x82: {  	_ =	shalt  }
0x83: {  	_ =	shalt  }
0x84: {  	_ =	shalt  }
0x85: {  	_ =	shalt  }
0x86: {  	_ =	shalt  }
0x87: {  	_ =	shalt  }
.Lfunc_end0:
.L_simem_size_0:
called_computation.2_lowered:
.L_overlay_start_0:
0x88: {  	s2 =	sld [smem:$0x3FD9]  }
0x89: {  	s3 =	sld [smem:$0x3FFE];
	_ =	sdelay $0x1  }
0x8a: {  	s1 =	srdreg.scid  }
0x8b: {  	s0 =	sand.u32 $0x1, s1  }
0x8c: {  	s17 =	sshll.u32 s0, $0xA;
	s2 =	sadd.s32 s3, s2  }
0x8d: {  	s2 =	sadd.s32 s2, s17  }
0x8e: {  	[smem:$0x3F50] =	sst s2  }
0x8f: {  	_ = 	snop  }
0x90: {  	s2 =	sld [smem:$0x3FD0];
	(tm) =	ssettm $0x1  }
0x91: {  	s18 =	sld [smem:$0x3FFB];
	_ =	sdelay $0x3  }
0x92: {  	_ =	strace s18  }
0x93: {  	s3 =	sld [smem:$0x3FFC];
	_ =	sdelay $0x3  }
0x94: {  	_ =	strace s3  }
0x95: {  	s3 =	sld [smem:$0x3FFD];
	_ =	sdelay $0x3  }
0x96: {  	_ =	strace s3  }
0x97: {  	_ =	strace $0x8FFFFFFF  }
0x98: {  	s19 =	sld [smem:$0x3FDB];
	_ =	sdelay $0x1  }
0x99: {  	s4 =	simm.s32 $_scs_section_size  }
0x9a: {  	s5 =	simm.s32 $_size__tile_overlayer_lowered;
	s6 =	simm.s32 $_tile_overlayer_lowered  }
0x9b: {  	s22 =	simm.s32 $0x1BFF;
	s21 =	sshll.u32 s6, $0x1;
	s3 =	sadd.s32 s4, s19  }
0x9c: {  	s7 =	simm.s32 $0x0;
	s20 =	sshll.u32 s5, $0x1;
	s5 =	sadd.s32 s21, s3  }
0x9d: {  	[timem:s7], [sflag:s22] =	dma.local [hbm:s5], s20  }
0x9e: {  	_ =	swait.ge [sflag:s22], s20  }
0x9f: {  	s4 =	ssub.s32 $0x0, s20;
	[sflag:s22] =	ssyncset.done $0x0  }
0xa0: {  	[sflag:s22] =	ssyncadd.s32 s4;
	_ =	sdelay $0x1  }
0xa1: {  	s23 =	simm.s32 $0x1B8B  }
0xa2: {  	_ =	swait.ge [sflag:s23], $0x1  }
0xa3: {  	[sflag:s23] =	ssyncset.done $0x0  }
0xa4: {  	s25 =	simm.s32 $0x1B8E;
	s24 =	sld [smem:$0x3FFE];
	[sflag:s23] =	ssyncadd.s32 $0xFFFFFFFF  }
0xa5: {  	s26 =	simm.s32 $execute0_lowered;
	[smem:$0x3FD2] =	sst s25  }
0xa6: {  	s5 =	sshll.u32 s26, $0x1;
	_ =	strace $0x8000004C;
	[dreg:$0x1] =	wrdreg $0xFFFFFFFF  }
0xa7: {  	s28 =	simm.s32 $_size_execute0_lowered;
	s3 =	sadd.s32 s3, s5;
	[dreg:$0x0] =	wrdreg $0x0  }
0xa8: {  	s5 =	sshll.u32 s28, $0x1;
	[dreg:$0x2] =	wrdreg s3  }
0xa9: {  	[dreg:$0x3] =	wrdreg s5  }
0xaa: {  	[dreg:$0x4] =	wrdreg $0xC0  }
0xab: {  	_ =	task [dreg:s7], $0x5FFFF  }
0xac: {  	[dreg:$0x1] =	wrdreg $0xFFFFFFFF  }
0xad: {  	[dreg:$0x0] =	wrdreg $0x60  }
0xae: {  	[dreg:$0x2] =	wrdreg s2  }
0xaf: {  	[dreg:$0x3] =	wrdreg s24  }
0xb0: {  	[dreg:$0x4] =	wrdreg $0x9  }
0xb1: {  	_ =	task.clear_ibuf [dreg:s7], $0x5FFFF;
	_ =	strace $0x9000004C  }
0xb2: {  	s29 =	simm.s32 $0x9;
	_ =	strace $0x8000004E  }
0xb3: {  	_ =	swait.ge [sflag:s29], $0x1  }
0xb4: {  	[sflag:s29] =	ssyncadd.s32 $0xFFFFFFFF  }
0xb5: {  	_ =	strace $0x9000004E  }
0xb6: {  	_ =	sfence  }
0xb7: {  	s30 =	sld [smem:$0x0];
	_ =	sdelay $0x2  }
0xb8: {  	s31 =	sshll.u32 s1, $0xD;
	s1 =	sshrl.u32 s1, $0x2  }
0xb9: {  	s3 =	sand.u32 $0x4000, s31;
	s1 =	sadd.s32 s1, s30  }
0xba: {  	s0 =	sor.u32 s3, s0;
	s1 =	sshll.u32 s1, $0x11  }
0xbb: {  	s0 =	sor.u32 s1, s0  }
0xbc: {  	s0 =	sadd.s32 $0x8F2B, s0  }
0xbd: {  	[sflag:s0] =	ssyncadd.remote.s32 $0x1  }
0xbe: {  	_ =	sfence.sel $0xFFFF  }
0xbf: {  	[dreg:$0x0] =	wrdreg $0xFFFFFFFF;
	(pc) =	sbr.abs _section_cstart, $3  }
0xc0: {  	[dreg:$0x1] =	wrdreg $0xFFFFFFFF  }
0xc1: {  	_ =	task.clear_ibuf [dreg:s7], $0x2FFFF;
	_ =	strace $0x9FFFFFFF  }
0xc2: {  	(tm) =	ssettm $0x7FFFFFFF  }
0xc3: {  	_ =	shalt  }
tec
execute0_lowered:
.L_overlay_start_1:
0x0: {  	(tag) =	ssettag $0x1  }
0x1: {  	s2 =	rddreg [dreg:$0x0]  }
0x2: {  	s4 =	rddreg [dreg:$0x1]  }
0x3: {  	s0 =	rddreg [dreg:$0x2]  }
0x4: {  	s1 =	stileid.u32;
	s5 =	srdreg.scid  }
0x5: {  	s3 =	simm.s32 $0x0;
	s11 =	simm.s32 $0x0;
	s6 =	smul.u32 $0x28000, s1  }
0x6: {  	s5 =	sand.u32 $0x1, s5;
	[smem:$0x7FF] =	sst s3;
	s10 =	smul.u32 $0x500, s1  }
0x7: {  	s7 =	ssub.s32 $0x2, s5;
	s8 =	smul.u32 $0x14000, s5;
	_ =	strace $0x8000004D  }
0x8: {  	s31 =	smul.u32 $0x280, s5;
	s9 =	sshrl.u32 s7, $0x1;
	s6 =	sadd.s32 s6, s4  }
0x9: {  	s4 =	sadd.s32 $0x3D200, s4;
	s7 =	ssub.s32 s7, s9;
	s6 =	sadd.s32 s8, s6  }
0xa: {  	s8 =	simm.s32 $0x2;
	s9 =	simm.s32 $0x80;
	s5 =	smax.u32 s7, $0x1  }
0xb: {  	s6 =	sadd.s32 $0x92200, s6;
	s7 =	sadd.s32 s31, s10;
	s10 =	simm.s32 $0x1  }
.LBB2_1:
0xc: {  	s12 =	sadd.s32 $0x0, s7;
	s13 =	sand.u32 $0x70, s3  }
0xd: {  	s12 =	sand.u32 $0xFFFFF80, s12;
	s13 =	sadd.s32 s4, s13  }
0xe: {  	s12 =	sadd.s32 s12, s13  }
0xf: {  	[tilespmem:s3], [sflag:$0x2] =	stream.linear.gather [hbm4b:s12+s3], $0x80, $0x38;
	[tilespmem:$0x4080] =	vst v63  }
0x10: {  	_ =	swait.ge [sflag:s8], $0x80  }
0x11: {  	[sflag:s8] =	ssyncset.done $0x0  }
0x12: {  	[sflag:s8] =	ssyncadd.s32 $0xFFFFFF80  }
0x13: {  	[tilespmem:s9], [sflag:$0x1] =	stream.indirect.gather [hbm4b:s2+s9], $0x80, s3, s9, $0xb8;
	[tilespmem:$0x4080] =	vst v63  }
0x14: {  	_ =	swait.ge [sflag:s10], $0x4000  }
0x15: {  	s14 =	simm.s32 $0x10;
	[sflag:s10] =	ssyncset.done $0x0  }
0x16: {  	s15 =	sadd.s32 $0x10, s7;
	s16 =	sand.u32 $0x70, s14;
	[sflag:s10] =	ssyncadd.s32 $0xFFFFC000  }
0x17: {  	[hbm4b:s6+s3] =	stream.linear.scatter [tilespmem:s9], [sflag:$0x2], $0x4000, $0x38;
	[tilespmem:$0x4080] =	vst v63  }
0x18: {  	s14 =	sand.u32 $0xFFFFF80, s15;
	s13 =	simm.s32 $0x20;
	_ =	swait.ge [sflag:s8], $0x4000  }
0x19: {  	s15 =	sadd.s32 s4, s16;
	s12 =	sadd.s32 $0x800, s6;
	[sflag:s8] =	ssyncset.done $0x0  }
.LBB2_2:
0x1a: {  	s14 =	sadd.s32 s14, s15;
	[sflag:s8] =	ssyncadd.s32 $0xFFFFC000  }
0x1b: {  	s15 =	smov.u32 s13;
	s16 =	sadd.s32 $0x10, s13;
	s17 =	smov.u32 s12  }
0x1c: {  	[tilespmem:s3], [sflag:$0x2] =	stream.linear.gather [hbm4b:s14+s3], $0x80, $0x38;
	[tilespmem:$0x4080] =	vst v63  }
0x1d: {  	p0 =	sne.s32 s13, $0x270;
	_ =	swait.ge [sflag:s8], $0x80  }
0x1e: {  	[sflag:s8] =	ssyncset.done $0x0  }
0x1f: {  	[sflag:s8] =	ssyncadd.s32 $0xFFFFFF80  }
0x20: {  	[tilespmem:s9], [sflag:$0x1] =	stream.indirect.gather [hbm4b:s2+s9], $0x80, s3, s9, $0xb8;
	[tilespmem:$0x4080] =	vst v63  }
0x21: {  	_ =	swait.ge [sflag:s10], $0x4000  }
.Ltmp0:
0x22: {  	[sflag:s10] =	ssyncset.done $0x0;
	(pc) =	sbr.rel @p0 .LBB2_2-.Ltmp0, $4  }
0x23: {  	s12 =	sadd.s32 $0x800, s12;
	s13 =	sadd.s32 s15, s7;
	[sflag:s10] =	ssyncadd.s32 $0xFFFFC000  }
0x24: {  	[hbm4b:s17+s3] =	stream.linear.scatter [tilespmem:s9], [sflag:$0x2], $0x4000, $0x38;
	[tilespmem:$0x4080] =	vst v63  }
0x25: {  	s15 =	sand.u32 $0x70, s15;
	s14 =	sand.u32 $0xFFFFF80, s13;
	_ =	swait.ge [sflag:s8], $0x4000  }
0x26: {  	s15 =	sadd.s32 s4, s15;
	s13 =	smov.u32 s16;
	[sflag:s8] =	ssyncset.done $0x0  }
0x27: {  	s13 =	sadd.s32 s14, s15;
	[sflag:s8] =	ssyncadd.s32 $0xFFFFC000  }
0x28: {  	[tilespmem:s3], [sflag:$0x2] =	stream.linear.gather [hbm4b:s13+s3], $0x80, $0x38;
	[tilespmem:$0x4080] =	vst v63  }
0x29: {  	_ =	swait.ge [sflag:s8], $0x80  }
0x2a: {  	[sflag:s8] =	ssyncset.done $0x0  }
0x2b: {  	[sflag:s8] =	ssyncadd.s32 $0xFFFFFF80  }
0x2c: {  	[tilespmem:s9], [sflag:$0x1] =	stream.indirect.gather [hbm4b:s2+s9], $0x80, s3, s9, $0xb8;
	[tilespmem:$0x4080] =	vst v63  }
0x2d: {  	s11 =	sadd.s32 $0x1, s11;
	_ =	swait.ge [sflag:s10], $0x4000  }
0x2e: {  	p0 =	sne.s32 s11, s5;
	[sflag:s10] =	ssyncset.done $0x0  }
.Ltmp1:
0x2f: {  	[sflag:s10] =	ssyncadd.s32 $0xFFFFC000;
	(pc) =	sbr.rel @p0 .LBB2_1-.Ltmp1, $4  }
0x30: {  	[hbm4b:s12+s3] =	stream.linear.scatter [tilespmem:s9], [sflag:$0x2], $0x4000, $0x38;
	[tilespmem:$0x4080] =	vst v63  }
0x31: {  	_ =	swait.ge [sflag:s8], $0x4000  }
0x32: {  	[sflag:s8] =	ssyncset.done $0x0  }
0x33: {  	[sflag:s8] =	ssyncadd.s32 $0xFFFFC000  }
0x34: {  	_ =	sfence.sel $0x180000  }
0x35: {  	[bflag:$0x0] =	sbarrier.arrive $0xFFFF  }
0x36: {  	p0 =	sne.s32 s1, $0x0;
	_ =	strace $0x9000004D  }
0x37: {  	s0 =	sadd.s32 @!p0 $0x100000, s0;
	[bflag:$0x2] =	sbarrier.arrive $0xFFFF  }
0x38: {  	[sflag:s0] =	ssyncadd.tile.s32 @!p0 $0x1;
	_ =	shalt  }
.Lfunc_end2:
_tile_overlayer_lowered:
.L_overlay_start_2:
0x39: {  	(tag) =	ssettag $0x2  }
0x3a: {  	s0 =	rddreg [dreg:$0x0];
	s2 =	stileid.u32  }
0x3b: {  	s1 =	rddreg [dreg:$0x1];
	p0 =	sne.s32 s2, $0x0  }
0x3c: {  	s3 =	rddreg [dreg:$0x2];
	[bflag:$0x3] =	sbarrier.arrive $0xFFFF;
	s2 =	simm.s32 @!p0 $0x1C02  }
0x3d: {  	[timem:s3], [sflag:s2] =	dma.local @!p0 [hbm:s0], s1  }
0x3e: {  	s0 =	simm.s32 @!p0 $0x2  }
0x3f: {  	_ =	swait.ge @!p0 [sflag:s0], s1  }
0x40: {  	s1 =	ssub.s32 @!p0 $0x0, s1;
	[sflag:s0] =	ssyncset.done @!p0 $0x0  }
0x41: {  	[sflag:s0] =	ssyncadd.s32 @!p0 s1  }
0x42: {  	[bflag:$0x3] =	sbarrier.arrive $0xFFFF  }
0x43: {  	_ =	shalt  }

</sc_bundles>
